<compile_context>
chip_gen: v7x
topology: tpu7x:2x2x1
jax: 0.10.2.dev20260603
libtpu: 0.0.44.dev20260713+nightly
codegen_flags: <defaults>
</compile_context>

<pallas_src>
import functools
import math

import jax
import jax.numpy as jnp
from jax import lax
from jax.experimental import pallas as pl
from jax.experimental.pallas import tpu as pltpu
from jax.experimental.pallas import tpu_sc as plsc

N = 10000
E = 320000
D = 128
R = 200

NC = 2
NS = 16
F = D // NC
NCH = N // 8
CH_BASE = NCH // NS
CH_EXTRA = NCH - CH_BASE * NS
ROWS_BIG = (CH_BASE + 1) * 8
ROWS_SMALL = CH_BASE * 8
EW = 128
NWIN = E // EW
WIN_BASE = NWIN // NS
WIN_EXTRA = NWIN - WIN_BASE * NS

RPAD = 256

C_BN = float(1.0 / math.sqrt(1.0 + 1e-3))

_mesh = functools.partial(
    plsc.VectorSubcoreMesh, core_axis_name="c", subcore_axis_name="s",
    num_cores=NC, num_subcores=NS)


def _zero_gath(gath):
    def zrow(r, _):
        for k in range(F // 16):
            gath[r, pl.ds(k * 16, 16)] = jnp.zeros((16,), jnp.float32)
        return 0
    lax.fori_loop(0, EW, zrow, 0)


def _stage_slice(h_hbm, c, r0, nrows, h_sp, acc_sp, gath):
    pltpu.sync_copy(h_hbm.at[c, pl.ds(r0, nrows), :],
                    h_sp.at[pl.ds(r0, nrows), :])
    nfull, tail = nrows // EW, nrows % EW
    for j in range(nfull):
        pltpu.sync_copy(gath, acc_sp.at[pl.ds(r0 + j * EW, EW), :])
    if tail:
        pltpu.sync_copy(gath.at[pl.ds(0, tail), :],
                        acc_sp.at[pl.ds(r0 + nfull * EW, tail), :])


def _scale_window(gath, valb):
    def edge(e, _):
        esplat = jnp.full((16,), e, jnp.int32)
        vsp = plsc.load_gather(valb, [esplat])
        for k in range(F // 16):
            sl = pl.ds(k * 16, 16)
            gath[e, sl] = gath[e, sl] * vsp
        return 0
    lax.fori_loop(0, EW, edge, 0)


def _make_spmm(use_rel):

    def body(*refs):
        if use_rel:
            (h_hbm, cols_h, rows_h, vals_h, rel_h, rc_h, out_hbm,
             h_sp, acc_sp, colb, rowb, valb, gath, relb, rctab) = refs
        else:
            (h_hbm, cols_h, rows_h, vals_h, out_hbm,
             h_sp, acc_sp, colb, rowb, valb, gath) = refs
            relb = rctab = rel_h = rc_h = None

        c = lax.axis_index("c")
        s = lax.axis_index("s")
        r0 = (s * CH_BASE + jnp.minimum(s, CH_EXTRA)) * 8
        big = s < CH_EXTRA

        _zero_gath(gath)
        pl.when(big)(lambda: _stage_slice(h_hbm, c, r0, ROWS_BIG,
                                          h_sp, acc_sp, gath))
        pl.when(jnp.logical_not(big))(lambda: _stage_slice(
            h_hbm, c, r0, ROWS_SMALL, h_sp, acc_sp, gath))
        if use_rel:
            pltpu.sync_copy(rc_h, rctab)
        plsc.subcore_barrier()

        nwin = WIN_BASE + jnp.where(s < WIN_EXTRA, 1, 0)
        win0 = s * WIN_BASE + jnp.minimum(s, WIN_EXTRA)

        def win(w, _):
            base = (win0 + w) * EW
            pltpu.sync_copy(cols_h.at[pl.ds(base, EW)], colb)
            pltpu.sync_copy(rows_h.at[pl.ds(base, EW)], rowb)
            pltpu.sync_copy(vals_h.at[pl.ds(base, EW)], valb)
            if use_rel:
                pltpu.sync_copy(rel_h.at[pl.ds(base, EW)], relb)
                for j in range(EW // 16):
                    sl = pl.ds(j * 16, 16)
                    rc = plsc.load_gather(rctab, [relb[sl]])
                    valb[sl] = valb[sl] / (rc + 1.0)
            pltpu.sync_copy(h_sp.at[colb], gath)
            _scale_window(gath, valb)
            pltpu.sync_copy(gath, acc_sp.at[rowb], add=True)
            return 0

        lax.fori_loop(0, nwin, win, 0)

        plsc.subcore_barrier()
        pl.when(big)(lambda: pltpu.sync_copy(
            acc_sp.at[pl.ds(r0, ROWS_BIG), :],
            out_hbm.at[c, pl.ds(r0, ROWS_BIG), :]))
        pl.when(jnp.logical_not(big))(lambda: pltpu.sync_copy(
            acc_sp.at[pl.ds(r0, ROWS_SMALL), :],
            out_hbm.at[c, pl.ds(r0, ROWS_SMALL), :]))

    scratch = [
        pltpu.VMEM_SHARED((N, F), jnp.float32),
        pltpu.VMEM_SHARED((N, F), jnp.float32),
        pltpu.VMEM((EW,), jnp.int32),
        pltpu.VMEM((EW,), jnp.int32),
        pltpu.VMEM((EW,), jnp.float32),
        pltpu.VMEM((EW, F), jnp.float32),
    ]
    if use_rel:
        scratch += [
            pltpu.VMEM((EW,), jnp.int32),
            pltpu.VMEM((RPAD,), jnp.float32),
        ]

    return pl.kernel(
        body,
        out_type=jax.ShapeDtypeStruct((NC, N, F), jnp.float32),
        mesh=_mesh(),
        scratch_types=scratch,
        compiler_params=pltpu.CompilerParams(needs_layout_passes=False),
    )


_spmm_plain = _make_spmm(use_rel=False)
_spmm_rel = _make_spmm(use_rel=True)



BR = 1000


def _k1_body(x_ref, w1_ref, g_ref, b_ref, out_ref):
    xb = x_ref[...]
    h = (g_ref[...] * C_BN) * xb + b_ref[...]
    t = jnp.dot(h, w1_ref[...], preferred_element_type=jnp.float32)
    out_ref[0] = t[:, :F]
    out_ref[1] = t[:, F:]


def _k2_body(s1_ref, b1_ref, g2_ref, be2_ref, ck_ref, y1_ref, h2_ref, p_ref):
    s1 = jnp.concatenate([s1_ref[0], s1_ref[1]], axis=1)
    y1 = jnp.tanh(s1 + b1_ref[...])
    h2 = (g2_ref[...] * C_BN) * y1 + be2_ref[...]
    y1_ref[...] = y1
    h2_ref[0] = h2[:, :F]
    h2_ref[1] = h2[:, F:]
    p_ref[...] = h2 * (ck_ref[...] + 1.0)


def _l2_parts(v):
    sq = jnp.sum(v * v, axis=1, keepdims=True)
    den = jnp.maximum(sq, 1e-12)
    u = v / jnp.sqrt(den)
    return u, sq / den


def _k3_body(s2_ref, p_ref, w2_ref, b2_ref, x_ref, y1_ref, out_ref):
    m = jnp.concatenate([s2_ref[0], s2_ref[1]], axis=1) + p_ref[...]
    y2 = jnp.dot(m, w2_ref[...], preferred_element_type=jnp.float32) + b2_ref[...]
    u1, n1 = _l2_parts(x_ref[...])
    u2, n2 = _l2_parts(y1_ref[...])
    u3, n3 = _l2_parts(y2)
    inv = 1.0 / jnp.sqrt(jnp.maximum(n1 + n2 + n3, 1e-12))
    out_ref[:, 0:D] = u1 * inv
    out_ref[:, D:2 * D] = u2 * inv
    out_ref[:, 2 * D:3 * D] = u3 * inv


def _row_spec(width):
    return pl.BlockSpec((BR, width), lambda i: (i, 0))


def _full_spec(shape):
    return pl.BlockSpec(shape, lambda i: tuple(0 for _ in shape))


_split_spec = pl.BlockSpec((NC, BR, F), lambda i: (0, i, 0))


def kernel(x, rows, cols, a_vals, rel_ids, W1, b1, bn1_gamma, bn1_beta,
           bn2_gamma, bn2_beta, rel_coeffs, coeff_kernel, W2, b2):
    f32 = jnp.float32
    b1r = b1.reshape(1, D)
    b2r = b2.reshape(1, D)
    g1 = bn1_gamma.reshape(1, D)
    be1 = bn1_beta.reshape(1, D)
    g2 = bn2_gamma.reshape(1, D)
    be2 = bn2_beta.reshape(1, D)
    rc_pad = jnp.zeros((RPAD,), f32).at[:R].set(rel_coeffs)

    grid = (N // BR,)

    t2 = pl.pallas_call(
        _k1_body,
        grid=grid,
        in_specs=[_row_spec(D), _full_spec((D, D)), _full_spec((1, D)),
                  _full_spec((1, D))],
        out_specs=_split_spec,
        out_shape=jax.ShapeDtypeStruct((NC, N, F), f32),
    )(x, W1, g1, be1)

    s1 = _spmm_plain(t2, cols, rows, a_vals)

    y1, h2, p = pl.pallas_call(
        _k2_body,
        grid=grid,
        in_specs=[_split_spec, _full_spec((1, D)), _full_spec((1, D)),
                  _full_spec((1, D)), _row_spec(1)],
        out_specs=[_row_spec(D), _split_spec, _row_spec(D)],
        out_shape=[jax.ShapeDtypeStruct((N, D), f32),
                   jax.ShapeDtypeStruct((NC, N, F), f32),
                   jax.ShapeDtypeStruct((N, D), f32)],
    )(s1, b1r, g2, be2, coeff_kernel)

    s2 = _spmm_rel(h2, cols, rows, a_vals, rel_ids, rc_pad)

    out = pl.pallas_call(
        _k3_body,
        grid=grid,
        in_specs=[_split_spec, _row_spec(D), _full_spec((D, D)),
                  _full_spec((1, D)), _row_spec(D), _row_spec(D)],
        out_specs=_row_spec(3 * D),
        out_shape=jax.ShapeDtypeStruct((N, 3 * D), f32),
    )(s2, p, W2, b2r, x, y1)

    return out

# --- scband reference (transcript-rebuilt; emitter-appended) ---
"""Pipeline reference for scband-simple-rgin-model-77163382440873 (READ-ONLY COPY).

The authoritative reference and input builder live on the scoring server;
editing this copy changes nothing except your own understanding.
"""

import jax, jax.numpy as jnp
import numpy as np

N = 10000
E = 320000
D = 128
D1 = 128
D2 = 128
R = 200


def _l2n(x):
    return x / jnp.sqrt(jnp.maximum(jnp.sum(x * x, axis=1, keepdims=True), 1e-12))


def _bn(h, gamma, beta):
    # Keras BatchNormalization in inference mode: moving_mean=0, moving_var=1, eps=1e-3
    return gamma * h / jnp.sqrt(1.0 + 1e-3) + beta


def _spmm(rows, cols, vals, h):
    # sparse A (COO rows/cols/vals) @ dense h via gather + scatter-add
    return jax.ops.segment_sum(vals[:, None] * jnp.take(h, cols, axis=0), rows, num_segments=N)


def setup_inputs(seed: int = 0) -> dict:
    key = jax.random.key(seed)
    ks = jax.random.split(key, 12)
    x = jax.random.normal(ks[0], (N, D), dtype=jnp.float32)
    rows = jax.random.randint(ks[1], (E,), 0, N, dtype=jnp.int32)
    cols = jax.random.randint(ks[2], (E,), 0, N, dtype=jnp.int32)
    a_vals = jax.random.uniform(ks[3], (E,), minval=0.01, maxval=1.0, dtype=jnp.float32)
    rel_ids = jax.random.randint(ks[4], (E,), 0, R, dtype=jnp.int32)
    W1 = jax.random.normal(ks[5], (D, D1), dtype=jnp.float32) * (1.0 / np.sqrt(D))
    b1 = jnp.zeros((D1,), jnp.float32)
    bn1_gamma = jnp.ones((D,), jnp.float32)
    bn1_beta = jnp.zeros((D,), jnp.float32)
    bn2_gamma = jnp.ones((D1,), jnp.float32)
    bn2_beta = jnp.zeros((D1,), jnp.float32)
    rel_coeffs = jax.random.normal(ks[6], (R,), dtype=jnp.float32) * 0.1
    coeff_kernel = jax.random.normal(ks[7], (N, 1), dtype=jnp.float32) * 0.05
    W2 = jax.random.normal(ks[8], (D1, D2), dtype=jnp.float32) * (1.0 / np.sqrt(D1))
    b2 = jnp.zeros((D2,), jnp.float32)
    return {"x": x, "rows": rows, "cols": cols, "a_vals": a_vals, "rel_ids": rel_ids,
            "W1": W1, "b1": b1, "bn1_gamma": bn1_gamma, "bn1_beta": bn1_beta,
            "bn2_gamma": bn2_gamma, "bn2_beta": bn2_beta, "rel_coeffs": rel_coeffs,
            "coeff_kernel": coeff_kernel, "W2": W2, "b2": b2}


def reference(x, rows, cols, a_vals, rel_ids, W1, b1, bn1_gamma, bn1_beta,
              bn2_gamma, bn2_beta, rel_coeffs, coeff_kernel, W2, b2):
    # alinet_gcn layer: tanh(A @ (BN(x) @ W1) + b1)
    h1 = _bn(x, bn1_gamma, bn1_beta)
    y1 = jnp.tanh(_spmm(rows, cols, a_vals, h1 @ W1) + b1)
    # Rgin layer: Dense(A' @ BN(y1) + CoeffLayer(BN(y1)))
    h2 = _bn(y1, bn2_gamma, bn2_beta)
    rc = jnp.take(rel_coeffs, rel_ids)          # embedding lookup of relation coeffs
    new_vals = a_vals * (1.0 / (rc + 1.0))      # relation_coeff_adj2
    m = _spmm(rows, cols, new_vals, h2) + h2 * (coeff_kernel + 1.0)
    y2 = m @ W2 + b2
    # per-layer l2 normalize, concat, final l2 normalize
    z = jnp.concatenate([_l2n(x), _l2n(y1), _l2n(y2)], axis=1)
    return _l2n(z)

if __name__ == "__main__":
    import jax
    _d = setup_inputs()
    print(jax.jit(kernel)(*tuple(_d.values())))

</pallas_src>

<mosaic_0001>
#map = affine_map<(d0, d1) -> (0, 0, 0)>
#map1 = affine_map<(d0, d1) -> (0)>
module attributes {stable_mosaic.version = 14 : i64} {
  func.func @body(%arg0: i32, %arg1: i32, %arg2: memref<2x10000x64xf32, #tpu.memory_space<hbm>>, %arg3: memref<320000xi32, #tpu.memory_space<hbm>>, %arg4: memref<320000xi32, #tpu.memory_space<hbm>>, %arg5: memref<320000xf32, #tpu.memory_space<hbm>>, %arg6: memref<2x10000x64xf32, #tpu.memory_space<hbm>>, %arg7: memref<10000x64xf32, #tpu.memory_space<vmem_shared>>, %arg8: memref<10000x64xf32, #tpu.memory_space<vmem_shared>>, %arg9: memref<128xi32, #tpu.memory_space<vmem>>, %arg10: memref<128xi32, #tpu.memory_space<vmem>>, %arg11: memref<128xf32, #tpu.memory_space<vmem>>, %arg12: memref<128x64xf32, #tpu.memory_space<vmem>>) attributes {dimension_semantics = [#tpu.dimension_semantics<core_parallel>, #tpu.dimension_semantics<subcore_parallel>], iteration_bounds = array<i64: 2, 16>, scalar_prefetch = 0 : i64, scratch_operands = 6 : i64, tpu.core_type = #tpu.core_type<sc_vector_subcore>, window_params = [{transform_indices = #map}, {transform_indices = #map1}, {transform_indices = #map1}, {transform_indices = #map1}, {transform_indices = #map}]} {
    %mul3A = arith.constant 78 : i32
    %mul3A_0 = arith.muli %arg1, %mul3A : i32
    %min3A = arith.constant 2 : i32
    %min3A_1 = arith.minsi %arg1, %min3A : i32
    %add3A = arith.addi %mul3A_0, %min3A_1 : i32
    %mul3A_2 = arith.constant 8 : i32
    %mul3A_3 = arith.muli %add3A, %mul3A_2 : i32
    %lt3A = arith.constant 2 : i32
    %lt3A_4 = arith.cmpi slt, %arg1, %lt3A : i32
    %scan3A = arith.constant 0 : i32
    %scan3A_5 = arith.constant 0 : i32
    %scan3A_6 = arith.constant 128 : i32
    %scan3A_7 = arith.addi %scan3A_5, %scan3A_6 : i32
    %scan3A_8 = arith.constant 1 : i32
    %scan3A_9 = scf.for %scan3A_46 = %scan3A_5 to %scan3A_7 step %scan3A_8 iter_args(%scan3A_47 = %scan3A) -> (i32)  : i32 {
      %broadcast_in_dim3A = arith.constant 0.000000e+00 : f32
      %broadcast_in_dim3A_48 = vector.broadcast %broadcast_in_dim3A : f32 to vector<16xf32>
      %swap3A = arith.index_cast %scan3A_46 : i32 to index
      %swap3A_49 = arith.constant 0 : index
      %swap3A_50 = tpu.vector_load %arg12[%swap3A, %swap3A_49] {strides = array<i32>} : memref<128x64xf32, #tpu.memory_space<vmem>>, vector<16xf32>,
      tpu.vector_store %arg12[%swap3A, %swap3A_49], %broadcast_in_dim3A_48 {strides = array<i32>} : memref<128x64xf32, #tpu.memory_space<vmem>>, vector<16xf32>,
      %broadcast_in_dim3A_51 = arith.constant 0.000000e+00 : f32
      %broadcast_in_dim3A_52 = vector.broadcast %broadcast_in_dim3A_51 : f32 to vector<16xf32>
      %swap3A_53 = arith.index_cast %scan3A_46 : i32 to index
      %swap3A_54 = arith.constant 16 : index
      %swap3A_55 = tpu.vector_load %arg12[%swap3A_53, %swap3A_54] {strides = array<i32>} : memref<128x64xf32, #tpu.memory_space<vmem>>, vector<16xf32>,
      tpu.vector_store %arg12[%swap3A_53, %swap3A_54], %broadcast_in_dim3A_52 {strides = array<i32>} : memref<128x64xf32, #tpu.memory_space<vmem>>, vector<16xf32>,
      %broadcast_in_dim3A_56 = arith.constant 0.000000e+00 : f32
      %broadcast_in_dim3A_57 = vector.broadcast %broadcast_in_dim3A_56 : f32 to vector<16xf32>
      %swap3A_58 = arith.index_cast %scan3A_46 : i32 to index
      %swap3A_59 = arith.constant 32 : index
      %swap3A_60 = tpu.vector_load %arg12[%swap3A_58, %swap3A_59] {strides = array<i32>} : memref<128x64xf32, #tpu.memory_space<vmem>>, vector<16xf32>,
      tpu.vector_store %arg12[%swap3A_58, %swap3A_59], %broadcast_in_dim3A_57 {strides = array<i32>} : memref<128x64xf32, #tpu.memory_space<vmem>>, vector<16xf32>,
      %broadcast_in_dim3A_61 = arith.constant 0.000000e+00 : f32
      %broadcast_in_dim3A_62 = vector.broadcast %broadcast_in_dim3A_61 : f32 to vector<16xf32>
      %swap3A_63 = arith.index_cast %scan3A_46 : i32 to index
      %swap3A_64 = arith.constant 48 : index
      %swap3A_65 = tpu.vector_load %arg12[%swap3A_63, %swap3A_64] {strides = array<i32>} : memref<128x64xf32, #tpu.memory_space<vmem>>, vector<16xf32>,
      tpu.vector_store %arg12[%swap3A_63, %swap3A_64], %broadcast_in_dim3A_62 {strides = array<i32>} : memref<128x64xf32, #tpu.memory_space<vmem>>, vector<16xf32>,
      %scan3A_66 = arith.constant 0 : i32
      scf.yield %scan3A_66 : i32
    }
    %scan3A_10 = arith.constant 128 : i32
    %convert_element_type3A = arith.extui %lt3A_4 : i1 to i32
    %cond3A = arith.constant 0 : i32
    %cond3A_11 = arith.cmpi ne, %convert_element_type3A, %cond3A : i32
    scf.if %cond3A_11 {
      "tpu.region"() ({
        %run_scoped3A = tpu.sem_alloc : memref<!tpu.dma_semaphore, #tpu.memory_space<semaphore_mem>>
        %dma_start3A = arith.constant 0 : i32
        %dma_start3A_56 = tpu.memref_slice %arg7[%mul3A_3, %dma_start3A] : memref<10000x64xf32, #tpu.memory_space<vmem_shared>> -> memref<632x64xf32, #tpu.memory_space<vmem_shared>>
        %dma_start3A_57 = arith.constant 0 : i32
        %dma_start3A_58 = tpu.memref_slice %arg2[%arg0, %mul3A_3, %dma_start3A_57] : memref<2x10000x64xf32, #tpu.memory_space<hbm>> -> memref<1x632x64xf32, #tpu.memory_space<hbm>>
        %dma_start3A_59 = tpu.memref_squeeze %dma_start3A_58 : memref<1x632x64xf32, #tpu.memory_space<hbm>> -> memref<632x64xf32, #tpu.memory_space<hbm>>
        tpu.enqueue_dma source(%dma_start3A_59 : memref<632x64xf32, #tpu.memory_space<hbm>>) target(%dma_start3A_56 : memref<632x64xf32, #tpu.memory_space<vmem_shared>>) target_semaphore(%run_scoped3A : memref<!tpu.dma_semaphore, #tpu.memory_space<semaphore_mem>>)
        %dma_wait3A = arith.constant 0 : i32
        %dma_wait3A_60 = tpu.memref_slice %arg7[%mul3A_3, %dma_wait3A] : memref<10000x64xf32, #tpu.memory_space<vmem_shared>> -> memref<632x64xf32, #tpu.memory_space<vmem_shared>>
        %dma_wait3A_61 = arith.constant 0 : i32
        %dma_wait3A_62 = tpu.memref_slice %arg2[%arg0, %mul3A_3, %dma_wait3A_61] : memref<2x10000x64xf32, #tpu.memory_space<hbm>> -> memref<1x632x64xf32, #tpu.memory_space<hbm>>
        %dma_wait3A_63 = tpu.memref_squeeze %dma_wait3A_62 : memref<1x632x64xf32, #tpu.memory_space<hbm>> -> memref<632x64xf32, #tpu.memory_space<hbm>>
        tpu.wait_dma2 semaphore(%run_scoped3A : memref<!tpu.dma_semaphore, #tpu.memory_space<semaphore_mem>>) src(%dma_wait3A_63 : memref<632x64xf32, #tpu.memory_space<hbm>>) dst(%dma_wait3A_60 : memref<632x64xf32, #tpu.memory_space<vmem_shared>>)
        tpu.yield
      }) : () -> ()
      %add3A_46 = arith.constant 0 : i32
      %add3A_47 = arith.addi %mul3A_3, %add3A_46 : i32
      "tpu.region"() ({
        %run_scoped3A = tpu.sem_alloc : memref<!tpu.dma_semaphore, #tpu.memory_space<semaphore_mem>>
        %dma_start3A = arith.constant 0 : i32
        %dma_start3A_56 = tpu.memref_slice %arg8[%add3A_47, %dma_start3A] : memref<10000x64xf32, #tpu.memory_space<vmem_shared>> -> memref<128x64xf32, #tpu.memory_space<vmem_shared>>
        %dma_start3A_57 = arith.constant 0 : i32
        %dma_start3A_58 = tpu.memref_slice %arg8[%add3A_47, %dma_start3A_57] : memref<10000x64xf32, #tpu.memory_space<vmem_shared>> -> memref<128x64xf32, #tpu.memory_space<vmem_shared>>
        tpu.enqueue_dma source(%arg12 : memref<128x64xf32, #tpu.memory_space<vmem>>) target(%dma_start3A_58 : memref<128x64xf32, #tpu.memory_space<vmem_shared>>) target_semaphore(%run_scoped3A : memref<!tpu.dma_semaphore, #tpu.memory_space<semaphore_mem>>)
        %dma_wait3A = arith.constant 0 : i32
        %dma_wait3A_59 = tpu.memref_slice %arg8[%add3A_47, %dma_wait3A] : memref<10000x64xf32, #tpu.memory_space<vmem_shared>> -> memref<128x64xf32, #tpu.memory_space<vmem_shared>>
        %dma_wait3A_60 = arith.constant 0 : i32
        %dma_wait3A_61 = tpu.memref_slice %arg8[%add3A_47, %dma_wait3A_60] : memref<10000x64xf32, #tpu.memory_space<vmem_shared>> -> memref<128x64xf32, #tpu.memory_space<vmem_shared>>
        tpu.wait_dma2 semaphore(%run_scoped3A : memref<!tpu.dma_semaphore, #tpu.memory_space<semaphore_mem>>) src(%arg12 : memref<128x64xf32, #tpu.memory_space<vmem>>) dst(%dma_wait3A_61 : memref<128x64xf32, #tpu.memory_space<vmem_shared>>)
        tpu.yield
      }) : () -> ()
      %add3A_48 = arith.constant 128 : i32
      %add3A_49 = arith.addi %mul3A_3, %add3A_48 : i32
      "tpu.region"() ({
        %run_scoped3A = tpu.sem_alloc : memref<!tpu.dma_semaphore, #tpu.memory_space<semaphore_mem>>
        %dma_start3A = arith.constant 0 : i32
        %dma_start3A_56 = tpu.memref_slice %arg8[%add3A_49, %dma_start3A] : memref<10000x64xf32, #tpu.memory_space<vmem_shared>> -> memref<128x64xf32, #tpu.memory_space<vmem_shared>>
        %dma_start3A_57 = arith.constant 0 : i32
        %dma_start3A_58 = tpu.memref_slice %arg8[%add3A_49, %dma_start3A_57] : memref<10000x64xf32, #tpu.memory_space<vmem_shared>> -> memref<128x64xf32, #tpu.memory_space<vmem_shared>>
        tpu.enqueue_dma source(%arg12 : memref<128x64xf32, #tpu.memory_space<vmem>>) target(%dma_start3A_58 : memref<128x64xf32, #tpu.memory_space<vmem_shared>>) target_semaphore(%run_scoped3A : memref<!tpu.dma_semaphore, #tpu.memory_space<semaphore_mem>>)
        %dma_wait3A = arith.constant 0 : i32
        %dma_wait3A_59 = tpu.memref_slice %arg8[%add3A_49, %dma_wait3A] : memref<10000x64xf32, #tpu.memory_space<vmem_shared>> -> memref<128x64xf32, #tpu.memory_space<vmem_shared>>
        %dma_wait3A_60 = arith.constant 0 : i32
        %dma_wait3A_61 = tpu.memref_slice %arg8[%add3A_49, %dma_wait3A_60] : memref<10000x64xf32, #tpu.memory_space<vmem_shared>> -> memref<128x64xf32, #tpu.memory_space<vmem_shared>>
        tpu.wait_dma2 semaphore(%run_scoped3A : memref<!tpu.dma_semaphore, #tpu.memory_space<semaphore_mem>>) src(%arg12 : memref<128x64xf32, #tpu.memory_space<vmem>>) dst(%dma_wait3A_61 : memref<128x64xf32, #tpu.memory_space<vmem_shared>>)
        tpu.yield
      }) : () -> ()
      %add3A_50 = arith.constant 256 : i32
      %add3A_51 = arith.addi %mul3A_3, %add3A_50 : i32
      "tpu.region"() ({
        %run_scoped3A = tpu.sem_alloc : memref<!tpu.dma_semaphore, #tpu.memory_space<semaphore_mem>>
        %dma_start3A = arith.constant 0 : i32
        %dma_start3A_56 = tpu.memref_slice %arg8[%add3A_51, %dma_start3A] : memref<10000x64xf32, #tpu.memory_space<vmem_shared>> -> memref<128x64xf32, #tpu.memory_space<vmem_shared>>
        %dma_start3A_57 = arith.constant 0 : i32
        %dma_start3A_58 = tpu.memref_slice %arg8[%add3A_51, %dma_start3A_57] : memref<10000x64xf32, #tpu.memory_space<vmem_shared>> -> memref<128x64xf32, #tpu.memory_space<vmem_shared>>
        tpu.enqueue_dma source(%arg12 : memref<128x64xf32, #tpu.memory_space<vmem>>) target(%dma_start3A_58 : memref<128x64xf32, #tpu.memory_space<vmem_shared>>) target_semaphore(%run_scoped3A : memref<!tpu.dma_semaphore, #tpu.memory_space<semaphore_mem>>)
        %dma_wait3A = arith.constant 0 : i32
        %dma_wait3A_59 = tpu.memref_slice %arg8[%add3A_51, %dma_wait3A] : memref<10000x64xf32, #tpu.memory_space<vmem_shared>> -> memref<128x64xf32, #tpu.memory_space<vmem_shared>>
        %dma_wait3A_60 = arith.constant 0 : i32
        %dma_wait3A_61 = tpu.memref_slice %arg8[%add3A_51, %dma_wait3A_60] : memref<10000x64xf32, #tpu.memory_space<vmem_shared>> -> memref<128x64xf32, #tpu.memory_space<vmem_shared>>
        tpu.wait_dma2 semaphore(%run_scoped3A : memref<!tpu.dma_semaphore, #tpu.memory_space<semaphore_mem>>) src(%arg12 : memref<128x64xf32, #tpu.memory_space<vmem>>) dst(%dma_wait3A_61 : memref<128x64xf32, #tpu.memory_space<vmem_shared>>)
        tpu.yield
      }) : () -> ()
      %add3A_52 = arith.constant 384 : i32
      %add3A_53 = arith.addi %mul3A_3, %add3A_52 : i32
      "tpu.region"() ({
        %run_scoped3A = tpu.sem_alloc : memref<!tpu.dma_semaphore, #tpu.memory_space<semaphore_mem>>
        %dma_start3A = arith.constant 0 : i32
        %dma_start3A_56 = tpu.memref_slice %arg8[%add3A_53, %dma_start3A] : memref<10000x64xf32, #tpu.memory_space<vmem_shared>> -> memref<128x64xf32, #tpu.memory_space<vmem_shared>>
        %dma_start3A_57 = arith.constant 0 : i32
        %dma_start3A_58 = tpu.memref_slice %arg8[%add3A_53, %dma_start3A_57] : memref<10000x64xf32, #tpu.memory_space<vmem_shared>> -> memref<128x64xf32, #tpu.memory_space<vmem_shared>>
        tpu.enqueue_dma source(%arg12 : memref<128x64xf32, #tpu.memory_space<vmem>>) target(%dma_start3A_58 : memref<128x64xf32, #tpu.memory_space<vmem_shared>>) target_semaphore(%run_scoped3A : memref<!tpu.dma_semaphore, #tpu.memory_space<semaphore_mem>>)
        %dma_wait3A = arith.constant 0 : i32
        %dma_wait3A_59 = tpu.memref_slice %arg8[%add3A_53, %dma_wait3A] : memref<10000x64xf32, #tpu.memory_space<vmem_shared>> -> memref<128x64xf32, #tpu.memory_space<vmem_shared>>
        %dma_wait3A_60 = arith.constant 0 : i32
        %dma_wait3A_61 = tpu.memref_slice %arg8[%add3A_53, %dma_wait3A_60] : memref<10000x64xf32, #tpu.memory_space<vmem_shared>> -> memref<128x64xf32, #tpu.memory_space<vmem_shared>>
        tpu.wait_dma2 semaphore(%run_scoped3A : memref<!tpu.dma_semaphore, #tpu.memory_space<semaphore_mem>>) src(%arg12 : memref<128x64xf32, #tpu.memory_space<vmem>>) dst(%dma_wait3A_61 : memref<128x64xf32, #tpu.memory_space<vmem_shared>>)
        tpu.yield
      }) : () -> ()
      %add3A_54 = arith.constant 512 : i32
      %add3A_55 = arith.addi %mul3A_3, %add3A_54 : i32
      "tpu.region"() ({
        %run_scoped3A = tpu.sem_alloc : memref<!tpu.dma_semaphore, #tpu.memory_space<semaphore_mem>>
        %dma_start3A = arith.constant 0 : i32
        %dma_start3A_56 = arith.constant 0 : i32
        %dma_start3A_57 = tpu.memref_slice %arg12[%dma_start3A, %dma_start3A_56] : memref<128x64xf32, #tpu.memory_space<vmem>> -> memref<120x64xf32, #tpu.memory_space<vmem>>
        %dma_start3A_58 = arith.constant 0 : i32
        %dma_start3A_59 = tpu.memref_slice %arg8[%add3A_55, %dma_start3A_58] : memref<10000x64xf32, #tpu.memory_space<vmem_shared>> -> memref<120x64xf32, #tpu.memory_space<vmem_shared>>
        %dma_start3A_60 = arith.constant 0 : i32
        %dma_start3A_61 = tpu.memref_slice %arg8[%add3A_55, %dma_start3A_60] : memref<10000x64xf32, #tpu.memory_space<vmem_shared>> -> memref<120x64xf32, #tpu.memory_space<vmem_shared>>
        %dma_start3A_62 = arith.constant 0 : i32
        %dma_start3A_63 = arith.constant 0 : i32
        %dma_start3A_64 = tpu.memref_slice %arg12[%dma_start3A_62, %dma_start3A_63] : memref<128x64xf32, #tpu.memory_space<vmem>> -> memref<120x64xf32, #tpu.memory_space<vmem>>
        tpu.enqueue_dma source(%dma_start3A_64 : memref<120x64xf32, #tpu.memory_space<vmem>>) target(%dma_start3A_61 : memref<120x64xf32, #tpu.memory_space<vmem_shared>>) target_semaphore(%run_scoped3A : memref<!tpu.dma_semaphore, #tpu.memory_space<semaphore_mem>>)
        %dma_wait3A = arith.constant 0 : i32
        %dma_wait3A_65 = arith.constant 0 : i32
        %dma_wait3A_66 = tpu.memref_slice %arg12[%dma_wait3A, %dma_wait3A_65] : memref<128x64xf32, #tpu.memory_space<vmem>> -> memref<120x64xf32, #tpu.memory_space<vmem>>
        %dma_wait3A_67 = arith.constant 0 : i32
        %dma_wait3A_68 = tpu.memref_slice %arg8[%add3A_55, %dma_wait3A_67] : memref<10000x64xf32, #tpu.memory_space<vmem_shared>> -> memref<120x64xf32, #tpu.memory_space<vmem_shared>>
        %dma_wait3A_69 = arith.constant 0 : i32
        %dma_wait3A_70 = tpu.memref_slice %arg8[%add3A_55, %dma_wait3A_69] : memref<10000x64xf32, #tpu.memory_space<vmem_shared>> -> memref<120x64xf32, #tpu.memory_space<vmem_shared>>
        %dma_wait3A_71 = arith.constant 0 : i32
        %dma_wait3A_72 = arith.constant 0 : i32
        %dma_wait3A_73 = tpu.memref_slice %arg12[%dma_wait3A_71, %dma_wait3A_72] : memref<128x64xf32, #tpu.memory_space<vmem>> -> memref<120x64xf32, #tpu.memory_space<vmem>>
        tpu.wait_dma2 semaphore(%run_scoped3A : memref<!tpu.dma_semaphore, #tpu.memory_space<semaphore_mem>>) src(%dma_wait3A_73 : memref<120x64xf32, #tpu.memory_space<vmem>>) dst(%dma_wait3A_70 : memref<120x64xf32, #tpu.memory_space<vmem_shared>>)
        tpu.yield
      }) : () -> ()
    } else {
    }
    %not3A = arith.constant true
    %not3A_12 = arith.xori %lt3A_4, %not3A : i1
    %convert_element_type3A_13 = arith.extui %not3A_12 : i1 to i32
    %cond3A_14 = arith.constant 0 : i32
    %cond3A_15 = arith.cmpi ne, %convert_element_type3A_13, %cond3A_14 : i32
    scf.if %cond3A_15 {
      "tpu.region"() ({
        %run_scoped3A = tpu.sem_alloc : memref<!tpu.dma_semaphore, #tpu.memory_space<semaphore_mem>>
        %dma_start3A = arith.constant 0 : i32
        %dma_start3A_56 = tpu.memref_slice %arg7[%mul3A_3, %dma_start3A] : memref<10000x64xf32, #tpu.memory_space<vmem_shared>> -> memref<624x64xf32, #tpu.memory_space<vmem_shared>>
        %dma_start3A_57 = arith.constant 0 : i32
        %dma_start3A_58 = tpu.memref_slice %arg2[%arg0, %mul3A_3, %dma_start3A_57] : memref<2x10000x64xf32, #tpu.memory_space<hbm>> -> memref<1x624x64xf32, #tpu.memory_space<hbm>>
        %dma_start3A_59 = tpu.memref_squeeze %dma_start3A_58 : memref<1x624x64xf32, #tpu.memory_space<hbm>> -> memref<624x64xf32, #tpu.memory_space<hbm>>
        tpu.enqueue_dma source(%dma_start3A_59 : memref<624x64xf32, #tpu.memory_space<hbm>>) target(%dma_start3A_56 : memref<624x64xf32, #tpu.memory_space<vmem_shared>>) target_semaphore(%run_scoped3A : memref<!tpu.dma_semaphore, #tpu.memory_space<semaphore_mem>>)
        %dma_wait3A = arith.constant 0 : i32
        %dma_wait3A_60 = tpu.memref_slice %arg7[%mul3A_3, %dma_wait3A] : memref<10000x64xf32, #tpu.memory_space<vmem_shared>> -> memref<624x64xf32, #tpu.memory_space<vmem_shared>>
        %dma_wait3A_61 = arith.constant 0 : i32
        %dma_wait3A_62 = tpu.memref_slice %arg2[%arg0, %mul3A_3, %dma_wait3A_61] : memref<2x10000x64xf32, #tpu.memory_space<hbm>> -> memref<1x624x64xf32, #tpu.memory_space<hbm>>
        %dma_wait3A_63 = tpu.memref_squeeze %dma_wait3A_62 : memref<1x624x64xf32, #tpu.memory_space<hbm>> -> memref<624x64xf32, #tpu.memory_space<hbm>>
        tpu.wait_dma2 semaphore(%run_scoped3A : memref<!tpu.dma_semaphore, #tpu.memory_space<semaphore_mem>>) src(%dma_wait3A_63 : memref<624x64xf32, #tpu.memory_space<hbm>>) dst(%dma_wait3A_60 : memref<624x64xf32, #tpu.memory_space<vmem_shared>>)
        tpu.yield
      }) : () -> ()
      %add3A_46 = arith.constant 0 : i32
      %add3A_47 = arith.addi %mul3A_3, %add3A_46 : i32
      "tpu.region"() ({
        %run_scoped3A = tpu.sem_alloc : memref<!tpu.dma_semaphore, #tpu.memory_space<semaphore_mem>>
        %dma_start3A = arith.constant 0 : i32
        %dma_start3A_56 = tpu.memref_slice %arg8[%add3A_47, %dma_start3A] : memref<10000x64xf32, #tpu.memory_space<vmem_shared>> -> memref<128x64xf32, #tpu.memory_space<vmem_shared>>
        %dma_start3A_57 = arith.constant 0 : i32
        %dma_start3A_58 = tpu.memref_slice %arg8[%add3A_47, %dma_start3A_57] : memref<10000x64xf32, #tpu.memory_space<vmem_shared>> -> memref<128x64xf32, #tpu.memory_space<vmem_shared>>
        tpu.enqueue_dma source(%arg12 : memref<128x64xf32, #tpu.memory_space<vmem>>) target(%dma_start3A_58 : memref<128x64xf32, #tpu.memory_space<vmem_shared>>) target_semaphore(%run_scoped3A : memref<!tpu.dma_semaphore, #tpu.memory_space<semaphore_mem>>)
        %dma_wait3A = arith.constant 0 : i32
        %dma_wait3A_59 = tpu.memref_slice %arg8[%add3A_47, %dma_wait3A] : memref<10000x64xf32, #tpu.memory_space<vmem_shared>> -> memref<128x64xf32, #tpu.memory_space<vmem_shared>>
        %dma_wait3A_60 = arith.constant 0 : i32
        %dma_wait3A_61 = tpu.memref_slice %arg8[%add3A_47, %dma_wait3A_60] : memref<10000x64xf32, #tpu.memory_space<vmem_shared>> -> memref<128x64xf32, #tpu.memory_space<vmem_shared>>
        tpu.wait_dma2 semaphore(%run_scoped3A : memref<!tpu.dma_semaphore, #tpu.memory_space<semaphore_mem>>) src(%arg12 : memref<128x64xf32, #tpu.memory_space<vmem>>) dst(%dma_wait3A_61 : memref<128x64xf32, #tpu.memory_space<vmem_shared>>)
        tpu.yield
      }) : () -> ()
      %add3A_48 = arith.constant 128 : i32
      %add3A_49 = arith.addi %mul3A_3, %add3A_48 : i32
      "tpu.region"() ({
        %run_scoped3A = tpu.sem_alloc : memref<!tpu.dma_semaphore, #tpu.memory_space<semaphore_mem>>
        %dma_start3A = arith.constant 0 : i32
        %dma_start3A_56 = tpu.memref_slice %arg8[%add3A_49, %dma_start3A] : memref<10000x64xf32, #tpu.memory_space<vmem_shared>> -> memref<128x64xf32, #tpu.memory_space<vmem_shared>>
        %dma_start3A_57 = arith.constant 0 : i32
        %dma_start3A_58 = tpu.memref_slice %arg8[%add3A_49, %dma_start3A_57] : memref<10000x64xf32, #tpu.memory_space<vmem_shared>> -> memref<128x64xf32, #tpu.memory_space<vmem_shared>>
        tpu.enqueue_dma source(%arg12 : memref<128x64xf32, #tpu.memory_space<vmem>>) target(%dma_start3A_58 : memref<128x64xf32, #tpu.memory_space<vmem_shared>>) target_semaphore(%run_scoped3A : memref<!tpu.dma_semaphore, #tpu.memory_space<semaphore_mem>>)
        %dma_wait3A = arith.constant 0 : i32
        %dma_wait3A_59 = tpu.memref_slice %arg8[%add3A_49, %dma_wait3A] : memref<10000x64xf32, #tpu.memory_space<vmem_shared>> -> memref<128x64xf32, #tpu.memory_space<vmem_shared>>
        %dma_wait3A_60 = arith.constant 0 : i32
        %dma_wait3A_61 = tpu.memref_slice %arg8[%add3A_49, %dma_wait3A_60] : memref<10000x64xf32, #tpu.memory_space<vmem_shared>> -> memref<128x64xf32, #tpu.memory_space<vmem_shared>>
        tpu.wait_dma2 semaphore(%run_scoped3A : memref<!tpu.dma_semaphore, #tpu.memory_space<semaphore_mem>>) src(%arg12 : memref<128x64xf32, #tpu.memory_space<vmem>>) dst(%dma_wait3A_61 : memref<128x64xf32, #tpu.memory_space<vmem_shared>>)
        tpu.yield
      }) : () -> ()
      %add3A_50 = arith.constant 256 : i32
      %add3A_51 = arith.addi %mul3A_3, %add3A_50 : i32
      "tpu.region"() ({
        %run_scoped3A = tpu.sem_alloc : memref<!tpu.dma_semaphore, #tpu.memory_space<semaphore_mem>>
        %dma_start3A = arith.constant 0 : i32
        %dma_start3A_56 = tpu.memref_slice %arg8[%add3A_51, %dma_start3A] : memref<10000x64xf32, #tpu.memory_space<vmem_shared>> -> memref<128x64xf32, #tpu.memory_space<vmem_shared>>
        %dma_start3A_57 = arith.constant 0 : i32
        %dma_start3A_58 = tpu.memref_slice %arg8[%add3A_51, %dma_start3A_57] : memref<10000x64xf32, #tpu.memory_space<vmem_shared>> -> memref<128x64xf32, #tpu.memory_space<vmem_shared>>
        tpu.enqueue_dma source(%arg12 : memref<128x64xf32, #tpu.memory_space<vmem>>) target(%dma_start3A_58 : memref<128x64xf32, #tpu.memory_space<vmem_shared>>) target_semaphore(%run_scoped3A : memref<!tpu.dma_semaphore, #tpu.memory_space<semaphore_mem>>)
        %dma_wait3A = arith.constant 0 : i32
        %dma_wait3A_59 = tpu.memref_slice %arg8[%add3A_51, %dma_wait3A] : memref<10000x64xf32, #tpu.memory_space<vmem_shared>> -> memref<128x64xf32, #tpu.memory_space<vmem_shared>>
        %dma_wait3A_60 = arith.constant 0 : i32
        %dma_wait3A_61 = tpu.memref_slice %arg8[%add3A_51, %dma_wait3A_60] : memref<10000x64xf32, #tpu.memory_space<vmem_shared>> -> memref<128x64xf32, #tpu.memory_space<vmem_shared>>
        tpu.wait_dma2 semaphore(%run_scoped3A : memref<!tpu.dma_semaphore, #tpu.memory_space<semaphore_mem>>) src(%arg12 : memref<128x64xf32, #tpu.memory_space<vmem>>) dst(%dma_wait3A_61 : memref<128x64xf32, #tpu.memory_space<vmem_shared>>)
        tpu.yield
      }) : () -> ()
      %add3A_52 = arith.constant 384 : i32
      %add3A_53 = arith.addi %mul3A_3, %add3A_52 : i32
      "tpu.region"() ({
        %run_scoped3A = tpu.sem_alloc : memref<!tpu.dma_semaphore, #tpu.memory_space<semaphore_mem>>
        %dma_start3A = arith.constant 0 : i32
        %dma_start3A_56 = tpu.memref_slice %arg8[%add3A_53, %dma_start3A] : memref<10000x64xf32, #tpu.memory_space<vmem_shared>> -> memref<128x64xf32, #tpu.memory_space<vmem_shared>>
        %dma_start3A_57 = arith.constant 0 : i32
        %dma_start3A_58 = tpu.memref_slice %arg8[%add3A_53, %dma_start3A_57] : memref<10000x64xf32, #tpu.memory_space<vmem_shared>> -> memref<128x64xf32, #tpu.memory_space<vmem_shared>>
        tpu.enqueue_dma source(%arg12 : memref<128x64xf32, #tpu.memory_space<vmem>>) target(%dma_start3A_58 : memref<128x64xf32, #tpu.memory_space<vmem_shared>>) target_semaphore(%run_scoped3A : memref<!tpu.dma_semaphore, #tpu.memory_space<semaphore_mem>>)
        %dma_wait3A = arith.constant 0 : i32
        %dma_wait3A_59 = tpu.memref_slice %arg8[%add3A_53, %dma_wait3A] : memref<10000x64xf32, #tpu.memory_space<vmem_shared>> -> memref<128x64xf32, #tpu.memory_space<vmem_shared>>
        %dma_wait3A_60 = arith.constant 0 : i32
        %dma_wait3A_61 = tpu.memref_slice %arg8[%add3A_53, %dma_wait3A_60] : memref<10000x64xf32, #tpu.memory_space<vmem_shared>> -> memref<128x64xf32, #tpu.memory_space<vmem_shared>>
        tpu.wait_dma2 semaphore(%run_scoped3A : memref<!tpu.dma_semaphore, #tpu.memory_space<semaphore_mem>>) src(%arg12 : memref<128x64xf32, #tpu.memory_space<vmem>>) dst(%dma_wait3A_61 : memref<128x64xf32, #tpu.memory_space<vmem_shared>>)
        tpu.yield
      }) : () -> ()
      %add3A_54 = arith.constant 512 : i32
      %add3A_55 = arith.addi %mul3A_3, %add3A_54 : i32
      "tpu.region"() ({
        %run_scoped3A = tpu.sem_alloc : memref<!tpu.dma_semaphore, #tpu.memory_space<semaphore_mem>>
        %dma_start3A = arith.constant 0 : i32
        %dma_start3A_56 = arith.constant 0 : i32
        %dma_start3A_57 = tpu.memref_slice %arg12[%dma_start3A, %dma_start3A_56] : memref<128x64xf32, #tpu.memory_space<vmem>> -> memref<112x64xf32, #tpu.memory_space<vmem>>
        %dma_start3A_58 = arith.constant 0 : i32
        %dma_start3A_59 = tpu.memref_slice %arg8[%add3A_55, %dma_start3A_58] : memref<10000x64xf32, #tpu.memory_space<vmem_shared>> -> memref<112x64xf32, #tpu.memory_space<vmem_shared>>
        %dma_start3A_60 = arith.constant 0 : i32
        %dma_start3A_61 = tpu.memref_slice %arg8[%add3A_55, %dma_start3A_60] : memref<10000x64xf32, #tpu.memory_space<vmem_shared>> -> memref<112x64xf32, #tpu.memory_space<vmem_shared>>
        %dma_start3A_62 = arith.constant 0 : i32
        %dma_start3A_63 = arith.constant 0 : i32
        %dma_start3A_64 = tpu.memref_slice %arg12[%dma_start3A_62, %dma_start3A_63] : memref<128x64xf32, #tpu.memory_space<vmem>> -> memref<112x64xf32, #tpu.memory_space<vmem>>
        tpu.enqueue_dma source(%dma_start3A_64 : memref<112x64xf32, #tpu.memory_space<vmem>>) target(%dma_start3A_61 : memref<112x64xf32, #tpu.memory_space<vmem_shared>>) target_semaphore(%run_scoped3A : memref<!tpu.dma_semaphore, #tpu.memory_space<semaphore_mem>>)
        %dma_wait3A = arith.constant 0 : i32
        %dma_wait3A_65 = arith.constant 0 : i32
        %dma_wait3A_66 = tpu.memref_slice %arg12[%dma_wait3A, %dma_wait3A_65] : memref<128x64xf32, #tpu.memory_space<vmem>> -> memref<112x64xf32, #tpu.memory_space<vmem>>
        %dma_wait3A_67 = arith.constant 0 : i32
        %dma_wait3A_68 = tpu.memref_slice %arg8[%add3A_55, %dma_wait3A_67] : memref<10000x64xf32, #tpu.memory_space<vmem_shared>> -> memref<112x64xf32, #tpu.memory_space<vmem_shared>>
        %dma_wait3A_69 = arith.constant 0 : i32
        %dma_wait3A_70 = tpu.memref_slice %arg8[%add3A_55, %dma_wait3A_69] : memref<10000x64xf32, #tpu.memory_space<vmem_shared>> -> memref<112x64xf32, #tpu.memory_space<vmem_shared>>
        %dma_wait3A_71 = arith.constant 0 : i32
        %dma_wait3A_72 = arith.constant 0 : i32
        %dma_wait3A_73 = tpu.memref_slice %arg12[%dma_wait3A_71, %dma_wait3A_72] : memref<128x64xf32, #tpu.memory_space<vmem>> -> memref<112x64xf32, #tpu.memory_space<vmem>>
        tpu.wait_dma2 semaphore(%run_scoped3A : memref<!tpu.dma_semaphore, #tpu.memory_space<semaphore_mem>>) src(%dma_wait3A_73 : memref<112x64xf32, #tpu.memory_space<vmem>>) dst(%dma_wait3A_70 : memref<112x64xf32, #tpu.memory_space<vmem_shared>>)
        tpu.yield
      }) : () -> ()
    } else {
    }
    %barrier3A = arith.constant 0 : index
    tpu.barrier barrier_id(%barrier3A)
    %lt3A_16 = arith.constant 4 : i32
    %lt3A_17 = arith.cmpi slt, %arg1, %lt3A_16 : i32
    %jit3A = arith.constant 1 : i32
    %jit3A_18 = arith.constant 0 : i32
    %select_n3A = arith.select %lt3A_17, %jit3A, %jit3A_18 : i32
    %add3A_19 = arith.constant 156 : i32
    %add3A_20 = arith.addi %add3A_19, %select_n3A : i32
    %mul3A_21 = arith.constant 156 : i32
    %mul3A_22 = arith.muli %arg1, %mul3A_21 : i32
    %min3A_23 = arith.constant 4 : i32
    %min3A_24 = arith.minsi %arg1, %min3A_23 : i32
    %add3A_25 = arith.addi %mul3A_22, %min3A_24 : i32
    %while3A = arith.constant 0 : i32
    %while3A_26 = arith.constant 0 : i32
    %while3A_27 = arith.subi %add3A_20, %while3A : i32
    %while3A_28 = arith.addi %while3A, %while3A_27 : i32
    %while3A_29 = arith.constant 1 : i32
    %while3A_30 = arith.divsi %while3A_27, %while3A_29 : i32
    %while3A_31 = arith.muli %while3A_30, %while3A_29 : i32
    %while3A_32 = arith.addi %while3A, %while3A_31 : i32
    %while3A_33 = arith.constant 1 : i32
    %while3A_34 = scf.for %while3A_46 = %while3A to %while3A_32 step %while3A_33 iter_args(%while3A_47 = %while3A_26) -> (i32)  : i32 {
      %add3A_48 = arith.addi %add3A_25, %while3A_46 : i32
      %mul3A_49 = arith.constant 128 : i32
      %mul3A_50 = arith.muli %add3A_48, %mul3A_49 : i32
      "tpu.region"() ({
        %run_scoped3A = tpu.sem_alloc : memref<!tpu.dma_semaphore, #tpu.memory_space<semaphore_mem>>
        %dma_start3A = tpu.memref_slice %arg3[%mul3A_50] : memref<320000xi32, #tpu.memory_space<hbm>> -> memref<128xi32, #tpu.memory_space<hbm>>
        %dma_start3A_59 = tpu.memref_slice %arg3[%mul3A_50] : memref<320000xi32, #tpu.memory_space<hbm>> -> memref<128xi32, #tpu.memory_space<hbm>>
        tpu.enqueue_dma source(%dma_start3A_59 : memref<128xi32, #tpu.memory_space<hbm>>) target(%arg9 : memref<128xi32, #tpu.memory_space<vmem>>) target_semaphore(%run_scoped3A : memref<!tpu.dma_semaphore, #tpu.memory_space<semaphore_mem>>)
        %dma_wait3A = tpu.memref_slice %arg3[%mul3A_50] : memref<320000xi32, #tpu.memory_space<hbm>> -> memref<128xi32, #tpu.memory_space<hbm>>
        %dma_wait3A_60 = tpu.memref_slice %arg3[%mul3A_50] : memref<320000xi32, #tpu.memory_space<hbm>> -> memref<128xi32, #tpu.memory_space<hbm>>
        tpu.wait_dma2 semaphore(%run_scoped3A : memref<!tpu.dma_semaphore, #tpu.memory_space<semaphore_mem>>) src(%dma_wait3A_60 : memref<128xi32, #tpu.memory_space<hbm>>) dst(%arg9 : memref<128xi32, #tpu.memory_space<vmem>>)
        tpu.yield
      }) : () -> ()
      "tpu.region"() ({
        %run_scoped3A = tpu.sem_alloc : memref<!tpu.dma_semaphore, #tpu.memory_space<semaphore_mem>>
        %dma_start3A = tpu.memref_slice %arg4[%mul3A_50] : memref<320000xi32, #tpu.memory_space<hbm>> -> memref<128xi32, #tpu.memory_space<hbm>>
        %dma_start3A_59 = tpu.memref_slice %arg4[%mul3A_50] : memref<320000xi32, #tpu.memory_space<hbm>> -> memref<128xi32, #tpu.memory_space<hbm>>
        tpu.enqueue_dma source(%dma_start3A_59 : memref<128xi32, #tpu.memory_space<hbm>>) target(%arg10 : memref<128xi32, #tpu.memory_space<vmem>>) target_semaphore(%run_scoped3A : memref<!tpu.dma_semaphore, #tpu.memory_space<semaphore_mem>>)
        %dma_wait3A = tpu.memref_slice %arg4[%mul3A_50] : memref<320000xi32, #tpu.memory_space<hbm>> -> memref<128xi32, #tpu.memory_space<hbm>>
        %dma_wait3A_60 = tpu.memref_slice %arg4[%mul3A_50] : memref<320000xi32, #tpu.memory_space<hbm>> -> memref<128xi32, #tpu.memory_space<hbm>>
        tpu.wait_dma2 semaphore(%run_scoped3A : memref<!tpu.dma_semaphore, #tpu.memory_space<semaphore_mem>>) src(%dma_wait3A_60 : memref<128xi32, #tpu.memory_space<hbm>>) dst(%arg10 : memref<128xi32, #tpu.memory_space<vmem>>)
        tpu.yield
      }) : () -> ()
      "tpu.region"() ({
        %run_scoped3A = tpu.sem_alloc : memref<!tpu.dma_semaphore, #tpu.memory_space<semaphore_mem>>
        %dma_start3A = tpu.memref_slice %arg5[%mul3A_50] : memref<320000xf32, #tpu.memory_space<hbm>> -> memref<128xf32, #tpu.memory_space<hbm>>
        %dma_start3A_59 = tpu.memref_slice %arg5[%mul3A_50] : memref<320000xf32, #tpu.memory_space<hbm>> -> memref<128xf32, #tpu.memory_space<hbm>>
        tpu.enqueue_dma source(%dma_start3A_59 : memref<128xf32, #tpu.memory_space<hbm>>) target(%arg11 : memref<128xf32, #tpu.memory_space<vmem>>) target_semaphore(%run_scoped3A : memref<!tpu.dma_semaphore, #tpu.memory_space<semaphore_mem>>)
        %dma_wait3A = tpu.memref_slice %arg5[%mul3A_50] : memref<320000xf32, #tpu.memory_space<hbm>> -> memref<128xf32, #tpu.memory_space<hbm>>
        %dma_wait3A_60 = tpu.memref_slice %arg5[%mul3A_50] : memref<320000xf32, #tpu.memory_space<hbm>> -> memref<128xf32, #tpu.memory_space<hbm>>
        tpu.wait_dma2 semaphore(%run_scoped3A : memref<!tpu.dma_semaphore, #tpu.memory_space<semaphore_mem>>) src(%dma_wait3A_60 : memref<128xf32, #tpu.memory_space<hbm>>) dst(%arg11 : memref<128xf32, #tpu.memory_space<vmem>>)
        tpu.yield
      }) : () -> ()
      "tpu.region"() ({
        %run_scoped3A = tpu.sem_alloc : memref<!tpu.dma_semaphore, #tpu.memory_space<semaphore_mem>>
        %dma_start3A = arith.constant 0 : i32
        %dma_start3A_59 = arith.constant 0 : i32
        %dma_start3A_60 = tpu.memref_slice %arg7[%dma_start3A, %dma_start3A_59] : memref<10000x64xf32, #tpu.memory_space<vmem_shared>> -> memref<10000x64xf32, #tpu.memory_space<vmem_shared>>
        tpu.enqueue_indirect_dma source(%dma_start3A_60 : memref<10000x64xf32, #tpu.memory_space<vmem_shared>>) target(%arg12 : memref<128x64xf32, #tpu.memory_space<vmem>>) offsets(%arg9 : memref<128xi32, #tpu.memory_space<vmem>>) semaphore(%run_scoped3A : memref<!tpu.dma_semaphore, #tpu.memory_space<semaphore_mem>>)
        %dma_wait3A = arith.constant 0 : i32
        %dma_wait3A_61 = arith.constant 0 : i32
        %dma_wait3A_62 = tpu.memref_slice %arg7[%dma_wait3A, %dma_wait3A_61] : memref<10000x64xf32, #tpu.memory_space<vmem_shared>> -> memref<10000x64xf32, #tpu.memory_space<vmem_shared>>
        tpu.wait_indirect_dma semaphore(%run_scoped3A : memref<!tpu.dma_semaphore, #tpu.memory_space<semaphore_mem>>) src(%dma_wait3A_62 : memref<10000x64xf32, #tpu.memory_space<vmem_shared>>) dst(%arg12 : memref<128x64xf32, #tpu.memory_space<vmem>>)
        tpu.yield
      }) : () -> ()
      %scan3A_51 = arith.constant 0 : i32
      %scan3A_52 = arith.constant 0 : i32
      %scan3A_53 = arith.constant 128 : i32
      %scan3A_54 = arith.addi %scan3A_52, %scan3A_53 : i32
      %scan3A_55 = arith.constant 1 : i32
      %scan3A_56 = scf.for %scan3A_59 = %scan3A_52 to %scan3A_54 step %scan3A_55 iter_args(%scan3A_60 = %scan3A_51) -> (i32)  : i32 {
        %broadcast_in_dim3A = vector.broadcast %scan3A_59 : i32 to vector<16xi32>
        %gather3A = tpu.vector_load_idx %arg11[%broadcast_in_dim3A] : memref<128xf32, #tpu.memory_space<vmem>>[vector<16xi32>], vector<16xf32>,
        %get3A = arith.index_cast %scan3A_59 : i32 to index
        %get3A_61 = arith.constant 0 : index
        %get3A_62 = tpu.vector_load %arg12[%get3A, %get3A_61] {strides = array<i32>} : memref<128x64xf32, #tpu.memory_space<vmem>>, vector<16xf32>,
        %mul3A_63 = arith.mulf %get3A_62, %gather3A : vector<16xf32>
        %swap3A = arith.index_cast %scan3A_59 : i32 to index
        %swap3A_64 = arith.constant 0 : index
        %swap3A_65 = tpu.vector_load %arg12[%swap3A, %swap3A_64] {strides = array<i32>} : memref<128x64xf32, #tpu.memory_space<vmem>>, vector<16xf32>,
        tpu.vector_store %arg12[%swap3A, %swap3A_64], %mul3A_63 {strides = array<i32>} : memref<128x64xf32, #tpu.memory_space<vmem>>, vector<16xf32>,
        %get3A_66 = arith.index_cast %scan3A_59 : i32 to index
        %get3A_67 = arith.constant 16 : index
        %get3A_68 = tpu.vector_load %arg12[%get3A_66, %get3A_67] {strides = array<i32>} : memref<128x64xf32, #tpu.memory_space<vmem>>, vector<16xf32>,
        %mul3A_69 = arith.mulf %get3A_68, %gather3A : vector<16xf32>
        %swap3A_70 = arith.index_cast %scan3A_59 : i32 to index
        %swap3A_71 = arith.constant 16 : index
        %swap3A_72 = tpu.vector_load %arg12[%swap3A_70, %swap3A_71] {strides = array<i32>} : memref<128x64xf32, #tpu.memory_space<vmem>>, vector<16xf32>,
        tpu.vector_store %arg12[%swap3A_70, %swap3A_71], %mul3A_69 {strides = array<i32>} : memref<128x64xf32, #tpu.memory_space<vmem>>, vector<16xf32>,
        %get3A_73 = arith.index_cast %scan3A_59 : i32 to index
        %get3A_74 = arith.constant 32 : index
        %get3A_75 = tpu.vector_load %arg12[%get3A_73, %get3A_74] {strides = array<i32>} : memref<128x64xf32, #tpu.memory_space<vmem>>, vector<16xf32>,
        %mul3A_76 = arith.mulf %get3A_75, %gather3A : vector<16xf32>
        %swap3A_77 = arith.index_cast %scan3A_59 : i32 to index
        %swap3A_78 = arith.constant 32 : index
        %swap3A_79 = tpu.vector_load %arg12[%swap3A_77, %swap3A_78] {strides = array<i32>} : memref<128x64xf32, #tpu.memory_space<vmem>>, vector<16xf32>,
        tpu.vector_store %arg12[%swap3A_77, %swap3A_78], %mul3A_76 {strides = array<i32>} : memref<128x64xf32, #tpu.memory_space<vmem>>, vector<16xf32>,
        %get3A_80 = arith.index_cast %scan3A_59 : i32 to index
        %get3A_81 = arith.constant 48 : index
        %get3A_82 = tpu.vector_load %arg12[%get3A_80, %get3A_81] {strides = array<i32>} : memref<128x64xf32, #tpu.memory_space<vmem>>, vector<16xf32>,
        %mul3A_83 = arith.mulf %get3A_82, %gather3A : vector<16xf32>
        %swap3A_84 = arith.index_cast %scan3A_59 : i32 to index
        %swap3A_85 = arith.constant 48 : index
        %swap3A_86 = tpu.vector_load %arg12[%swap3A_84, %swap3A_85] {strides = array<i32>} : memref<128x64xf32, #tpu.memory_space<vmem>>, vector<16xf32>,
        tpu.vector_store %arg12[%swap3A_84, %swap3A_85], %mul3A_83 {strides = array<i32>} : memref<128x64xf32, #tpu.memory_space<vmem>>, vector<16xf32>,
        %scan3A_87 = arith.constant 0 : i32
        scf.yield %scan3A_87 : i32
      }
      %scan3A_57 = arith.constant 128 : i32
      "tpu.region"() ({
        %run_scoped3A = tpu.sem_alloc : memref<!tpu.dma_semaphore, #tpu.memory_space<semaphore_mem>>
        %dma_start3A = arith.constant 0 : i32
        %dma_start3A_59 = arith.constant 0 : i32
        %dma_start3A_60 = tpu.memref_slice %arg8[%dma_start3A, %dma_start3A_59] : memref<10000x64xf32, #tpu.memory_space<vmem_shared>> -> memref<10000x64xf32, #tpu.memory_space<vmem_shared>>
        tpu.enqueue_indirect_dma source(%arg12 : memref<128x64xf32, #tpu.memory_space<vmem>>) target(%dma_start3A_60 : memref<10000x64xf32, #tpu.memory_space<vmem_shared>>) offsets(%arg10 : memref<128xi32, #tpu.memory_space<vmem>>) semaphore(%run_scoped3A : memref<!tpu.dma_semaphore, #tpu.memory_space<semaphore_mem>>) {add = true}
        %dma_wait3A = arith.constant 0 : i32
        %dma_wait3A_61 = arith.constant 0 : i32
        %dma_wait3A_62 = tpu.memref_slice %arg8[%dma_wait3A, %dma_wait3A_61] : memref<10000x64xf32, #tpu.memory_space<vmem_shared>> -> memref<10000x64xf32, #tpu.memory_space<vmem_shared>>
        tpu.wait_indirect_dma semaphore(%run_scoped3A : memref<!tpu.dma_semaphore, #tpu.memory_space<semaphore_mem>>) src(%arg12 : memref<128x64xf32, #tpu.memory_space<vmem>>) dst(%dma_wait3A_62 : memref<10000x64xf32, #tpu.memory_space<vmem_shared>>)
        tpu.yield
      }) : () -> ()
      %while3A_58 = arith.constant 0 : i32
      scf.yield %while3A_58 : i32
    }
    %while3A_35 = arith.constant 1 : i32
    %while3A_36 = scf.for %while3A_46 = %while3A_32 to %while3A_28 step %while3A_35 iter_args(%while3A_47 = %while3A_34) -> (i32)  : i32 {
      %add3A_48 = arith.addi %add3A_25, %while3A_46 : i32
      %mul3A_49 = arith.constant 128 : i32
      %mul3A_50 = arith.muli %add3A_48, %mul3A_49 : i32
      "tpu.region"() ({
        %run_scoped3A = tpu.sem_alloc : memref<!tpu.dma_semaphore, #tpu.memory_space<semaphore_mem>>
        %dma_start3A = tpu.memref_slice %arg3[%mul3A_50] : memref<320000xi32, #tpu.memory_space<hbm>> -> memref<128xi32, #tpu.memory_space<hbm>>
        %dma_start3A_59 = tpu.memref_slice %arg3[%mul3A_50] : memref<320000xi32, #tpu.memory_space<hbm>> -> memref<128xi32, #tpu.memory_space<hbm>>
        tpu.enqueue_dma source(%dma_start3A_59 : memref<128xi32, #tpu.memory_space<hbm>>) target(%arg9 : memref<128xi32, #tpu.memory_space<vmem>>) target_semaphore(%run_scoped3A : memref<!tpu.dma_semaphore, #tpu.memory_space<semaphore_mem>>)
        %dma_wait3A = tpu.memref_slice %arg3[%mul3A_50] : memref<320000xi32, #tpu.memory_space<hbm>> -> memref<128xi32, #tpu.memory_space<hbm>>
        %dma_wait3A_60 = tpu.memref_slice %arg3[%mul3A_50] : memref<320000xi32, #tpu.memory_space<hbm>> -> memref<128xi32, #tpu.memory_space<hbm>>
        tpu.wait_dma2 semaphore(%run_scoped3A : memref<!tpu.dma_semaphore, #tpu.memory_space<semaphore_mem>>) src(%dma_wait3A_60 : memref<128xi32, #tpu.memory_space<hbm>>) dst(%arg9 : memref<128xi32, #tpu.memory_space<vmem>>)
        tpu.yield
      }) : () -> ()
      "tpu.region"() ({
        %run_scoped3A = tpu.sem_alloc : memref<!tpu.dma_semaphore, #tpu.memory_space<semaphore_mem>>
        %dma_start3A = tpu.memref_slice %arg4[%mul3A_50] : memref<320000xi32, #tpu.memory_space<hbm>> -> memref<128xi32, #tpu.memory_space<hbm>>
        %dma_start3A_59 = tpu.memref_slice %arg4[%mul3A_50] : memref<320000xi32, #tpu.memory_space<hbm>> -> memref<128xi32, #tpu.memory_space<hbm>>
        tpu.enqueue_dma source(%dma_start3A_59 : memref<128xi32, #tpu.memory_space<hbm>>) target(%arg10 : memref<128xi32, #tpu.memory_space<vmem>>) target_semaphore(%run_scoped3A : memref<!tpu.dma_semaphore, #tpu.memory_space<semaphore_mem>>)
        %dma_wait3A = tpu.memref_slice %arg4[%mul3A_50] : memref<320000xi32, #tpu.memory_space<hbm>> -> memref<128xi32, #tpu.memory_space<hbm>>
        %dma_wait3A_60 = tpu.memref_slice %arg4[%mul3A_50] : memref<320000xi32, #tpu.memory_space<hbm>> -> memref<128xi32, #tpu.memory_space<hbm>>
        tpu.wait_dma2 semaphore(%run_scoped3A : memref<!tpu.dma_semaphore, #tpu.memory_space<semaphore_mem>>) src(%dma_wait3A_60 : memref<128xi32, #tpu.memory_space<hbm>>) dst(%arg10 : memref<128xi32, #tpu.memory_space<vmem>>)
        tpu.yield
      }) : () -> ()
      "tpu.region"() ({
        %run_scoped3A = tpu.sem_alloc : memref<!tpu.dma_semaphore, #tpu.memory_space<semaphore_mem>>
        %dma_start3A = tpu.memref_slice %arg5[%mul3A_50] : memref<320000xf32, #tpu.memory_space<hbm>> -> memref<128xf32, #tpu.memory_space<hbm>>
        %dma_start3A_59 = tpu.memref_slice %arg5[%mul3A_50] : memref<320000xf32, #tpu.memory_space<hbm>> -> memref<128xf32, #tpu.memory_space<hbm>>
        tpu.enqueue_dma source(%dma_start3A_59 : memref<128xf32, #tpu.memory_space<hbm>>) target(%arg11 : memref<128xf32, #tpu.memory_space<vmem>>) target_semaphore(%run_scoped3A : memref<!tpu.dma_semaphore, #tpu.memory_space<semaphore_mem>>)
        %dma_wait3A = tpu.memref_slice %arg5[%mul3A_50] : memref<320000xf32, #tpu.memory_space<hbm>> -> memref<128xf32, #tpu.memory_space<hbm>>
        %dma_wait3A_60 = tpu.memref_slice %arg5[%mul3A_50] : memref<320000xf32, #tpu.memory_space<hbm>> -> memref<128xf32, #tpu.memory_space<hbm>>
        tpu.wait_dma2 semaphore(%run_scoped3A : memref<!tpu.dma_semaphore, #tpu.memory_space<semaphore_mem>>) src(%dma_wait3A_60 : memref<128xf32, #tpu.memory_space<hbm>>) dst(%arg11 : memref<128xf32, #tpu.memory_space<vmem>>)
        tpu.yield
      }) : () -> ()
      "tpu.region"() ({
        %run_scoped3A = tpu.sem_alloc : memref<!tpu.dma_semaphore, #tpu.memory_space<semaphore_mem>>
        %dma_start3A = arith.constant 0 : i32
        %dma_start3A_59 = arith.constant 0 : i32
        %dma_start3A_60 = tpu.memref_slice %arg7[%dma_start3A, %dma_start3A_59] : memref<10000x64xf32, #tpu.memory_space<vmem_shared>> -> memref<10000x64xf32, #tpu.memory_space<vmem_shared>>
        tpu.enqueue_indirect_dma source(%dma_start3A_60 : memref<10000x64xf32, #tpu.memory_space<vmem_shared>>) target(%arg12 : memref<128x64xf32, #tpu.memory_space<vmem>>) offsets(%arg9 : memref<128xi32, #tpu.memory_space<vmem>>) semaphore(%run_scoped3A : memref<!tpu.dma_semaphore, #tpu.memory_space<semaphore_mem>>)
        %dma_wait3A = arith.constant 0 : i32
        %dma_wait3A_61 = arith.constant 0 : i32
        %dma_wait3A_62 = tpu.memref_slice %arg7[%dma_wait3A, %dma_wait3A_61] : memref<10000x64xf32, #tpu.memory_space<vmem_shared>> -> memref<10000x64xf32, #tpu.memory_space<vmem_shared>>
        tpu.wait_indirect_dma semaphore(%run_scoped3A : memref<!tpu.dma_semaphore, #tpu.memory_space<semaphore_mem>>) src(%dma_wait3A_62 : memref<10000x64xf32, #tpu.memory_space<vmem_shared>>) dst(%arg12 : memref<128x64xf32, #tpu.memory_space<vmem>>)
        tpu.yield
      }) : () -> ()
      %scan3A_51 = arith.constant 0 : i32
      %scan3A_52 = arith.constant 0 : i32
      %scan3A_53 = arith.constant 128 : i32
      %scan3A_54 = arith.addi %scan3A_52, %scan3A_53 : i32
      %scan3A_55 = arith.constant 1 : i32
      %scan3A_56 = scf.for %scan3A_59 = %scan3A_52 to %scan3A_54 step %scan3A_55 iter_args(%scan3A_60 = %scan3A_51) -> (i32)  : i32 {
        %broadcast_in_dim3A = vector.broadcast %scan3A_59 : i32 to vector<16xi32>
        %gather3A = tpu.vector_load_idx %arg11[%broadcast_in_dim3A] : memref<128xf32, #tpu.memory_space<vmem>>[vector<16xi32>], vector<16xf32>,
        %get3A = arith.index_cast %scan3A_59 : i32 to index
        %get3A_61 = arith.constant 0 : index
        %get3A_62 = tpu.vector_load %arg12[%get3A, %get3A_61] {strides = array<i32>} : memref<128x64xf32, #tpu.memory_space<vmem>>, vector<16xf32>,
        %mul3A_63 = arith.mulf %get3A_62, %gather3A : vector<16xf32>
        %swap3A = arith.index_cast %scan3A_59 : i32 to index
        %swap3A_64 = arith.constant 0 : index
        %swap3A_65 = tpu.vector_load %arg12[%swap3A, %swap3A_64] {strides = array<i32>} : memref<128x64xf32, #tpu.memory_space<vmem>>, vector<16xf32>,
        tpu.vector_store %arg12[%swap3A, %swap3A_64], %mul3A_63 {strides = array<i32>} : memref<128x64xf32, #tpu.memory_space<vmem>>, vector<16xf32>,
        %get3A_66 = arith.index_cast %scan3A_59 : i32 to index
        %get3A_67 = arith.constant 16 : index
        %get3A_68 = tpu.vector_load %arg12[%get3A_66, %get3A_67] {strides = array<i32>} : memref<128x64xf32, #tpu.memory_space<vmem>>, vector<16xf32>,
        %mul3A_69 = arith.mulf %get3A_68, %gather3A : vector<16xf32>
        %swap3A_70 = arith.index_cast %scan3A_59 : i32 to index
        %swap3A_71 = arith.constant 16 : index
        %swap3A_72 = tpu.vector_load %arg12[%swap3A_70, %swap3A_71] {strides = array<i32>} : memref<128x64xf32, #tpu.memory_space<vmem>>, vector<16xf32>,
        tpu.vector_store %arg12[%swap3A_70, %swap3A_71], %mul3A_69 {strides = array<i32>} : memref<128x64xf32, #tpu.memory_space<vmem>>, vector<16xf32>,
        %get3A_73 = arith.index_cast %scan3A_59 : i32 to index
        %get3A_74 = arith.constant 32 : index
        %get3A_75 = tpu.vector_load %arg12[%get3A_73, %get3A_74] {strides = array<i32>} : memref<128x64xf32, #tpu.memory_space<vmem>>, vector<16xf32>,
        %mul3A_76 = arith.mulf %get3A_75, %gather3A : vector<16xf32>
        %swap3A_77 = arith.index_cast %scan3A_59 : i32 to index
        %swap3A_78 = arith.constant 32 : index
        %swap3A_79 = tpu.vector_load %arg12[%swap3A_77, %swap3A_78] {strides = array<i32>} : memref<128x64xf32, #tpu.memory_space<vmem>>, vector<16xf32>,
        tpu.vector_store %arg12[%swap3A_77, %swap3A_78], %mul3A_76 {strides = array<i32>} : memref<128x64xf32, #tpu.memory_space<vmem>>, vector<16xf32>,
        %get3A_80 = arith.index_cast %scan3A_59 : i32 to index
        %get3A_81 = arith.constant 48 : index
        %get3A_82 = tpu.vector_load %arg12[%get3A_80, %get3A_81] {strides = array<i32>} : memref<128x64xf32, #tpu.memory_space<vmem>>, vector<16xf32>,
        %mul3A_83 = arith.mulf %get3A_82, %gather3A : vector<16xf32>
        %swap3A_84 = arith.index_cast %scan3A_59 : i32 to index
        %swap3A_85 = arith.constant 48 : index
        %swap3A_86 = tpu.vector_load %arg12[%swap3A_84, %swap3A_85] {strides = array<i32>} : memref<128x64xf32, #tpu.memory_space<vmem>>, vector<16xf32>,
        tpu.vector_store %arg12[%swap3A_84, %swap3A_85], %mul3A_83 {strides = array<i32>} : memref<128x64xf32, #tpu.memory_space<vmem>>, vector<16xf32>,
        %scan3A_87 = arith.constant 0 : i32
        scf.yield %scan3A_87 : i32
      }
      %scan3A_57 = arith.constant 128 : i32
      "tpu.region"() ({
        %run_scoped3A = tpu.sem_alloc : memref<!tpu.dma_semaphore, #tpu.memory_space<semaphore_mem>>
        %dma_start3A = arith.constant 0 : i32
        %dma_start3A_59 = arith.constant 0 : i32
        %dma_start3A_60 = tpu.memref_slice %arg8[%dma_start3A, %dma_start3A_59] : memref<10000x64xf32, #tpu.memory_space<vmem_shared>> -> memref<10000x64xf32, #tpu.memory_space<vmem_shared>>
        tpu.enqueue_indirect_dma source(%arg12 : memref<128x64xf32, #tpu.memory_space<vmem>>) target(%dma_start3A_60 : memref<10000x64xf32, #tpu.memory_space<vmem_shared>>) offsets(%arg10 : memref<128xi32, #tpu.memory_space<vmem>>) semaphore(%run_scoped3A : memref<!tpu.dma_semaphore, #tpu.memory_space<semaphore_mem>>) {add = true}
        %dma_wait3A = arith.constant 0 : i32
        %dma_wait3A_61 = arith.constant 0 : i32
        %dma_wait3A_62 = tpu.memref_slice %arg8[%dma_wait3A, %dma_wait3A_61] : memref<10000x64xf32, #tpu.memory_space<vmem_shared>> -> memref<10000x64xf32, #tpu.memory_space<vmem_shared>>
        tpu.wait_indirect_dma semaphore(%run_scoped3A : memref<!tpu.dma_semaphore, #tpu.memory_space<semaphore_mem>>) src(%arg12 : memref<128x64xf32, #tpu.memory_space<vmem>>) dst(%dma_wait3A_62 : memref<10000x64xf32, #tpu.memory_space<vmem_shared>>)
        tpu.yield
      }) : () -> ()
      %while3A_58 = arith.constant 0 : i32
      scf.yield %while3A_58 : i32
    }
    %barrier3A_37 = arith.constant 0 : index
    tpu.barrier barrier_id(%barrier3A_37)
    %convert_element_type3A_38 = arith.extui %lt3A_4 : i1 to i32
    %cond3A_39 = arith.constant 0 : i32
    %cond3A_40 = arith.cmpi ne, %convert_element_type3A_38, %cond3A_39 : i32
    scf.if %cond3A_40 {
      "tpu.region"() ({
        %run_scoped3A = tpu.sem_alloc : memref<!tpu.dma_semaphore, #tpu.memory_space<semaphore_mem>>
        %dma_start3A = arith.constant 0 : i32
        %dma_start3A_46 = tpu.memref_slice %arg6[%arg0, %mul3A_3, %dma_start3A] : memref<2x10000x64xf32, #tpu.memory_space<hbm>> -> memref<1x632x64xf32, #tpu.memory_space<hbm>>
        %dma_start3A_47 = tpu.memref_squeeze %dma_start3A_46 : memref<1x632x64xf32, #tpu.memory_space<hbm>> -> memref<632x64xf32, #tpu.memory_space<hbm>>
        %dma_start3A_48 = arith.constant 0 : i32
        %dma_start3A_49 = tpu.memref_slice %arg8[%mul3A_3, %dma_start3A_48] : memref<10000x64xf32, #tpu.memory_space<vmem_shared>> -> memref<632x64xf32, #tpu.memory_space<vmem_shared>>
        tpu.enqueue_dma source(%dma_start3A_49 : memref<632x64xf32, #tpu.memory_space<vmem_shared>>) target(%dma_start3A_47 : memref<632x64xf32, #tpu.memory_space<hbm>>) target_semaphore(%run_scoped3A : memref<!tpu.dma_semaphore, #tpu.memory_space<semaphore_mem>>)
        %dma_wait3A = arith.constant 0 : i32
        %dma_wait3A_50 = tpu.memref_slice %arg6[%arg0, %mul3A_3, %dma_wait3A] : memref<2x10000x64xf32, #tpu.memory_space<hbm>> -> memref<1x632x64xf32, #tpu.memory_space<hbm>>
        %dma_wait3A_51 = tpu.memref_squeeze %dma_wait3A_50 : memref<1x632x64xf32, #tpu.memory_space<hbm>> -> memref<632x64xf32, #tpu.memory_space<hbm>>
        %dma_wait3A_52 = arith.constant 0 : i32
        %dma_wait3A_53 = tpu.memref_slice %arg8[%mul3A_3, %dma_wait3A_52] : memref<10000x64xf32, #tpu.memory_space<vmem_shared>> -> memref<632x64xf32, #tpu.memory_space<vmem_shared>>
        tpu.wait_dma2 semaphore(%run_scoped3A : memref<!tpu.dma_semaphore, #tpu.memory_space<semaphore_mem>>) src(%dma_wait3A_53 : memref<632x64xf32, #tpu.memory_space<vmem_shared>>) dst(%dma_wait3A_51 : memref<632x64xf32, #tpu.memory_space<hbm>>)
        tpu.yield
      }) : () -> ()
    } else {
    }
    %not3A_41 = arith.constant true
    %not3A_42 = arith.xori %lt3A_4, %not3A_41 : i1
    %convert_element_type3A_43 = arith.extui %not3A_42 : i1 to i32
    %cond3A_44 = arith.constant 0 : i32
    %cond3A_45 = arith.cmpi ne, %convert_element_type3A_43, %cond3A_44 : i32
    scf.if %cond3A_45 {
      "tpu.region"() ({
        %run_scoped3A = tpu.sem_alloc : memref<!tpu.dma_semaphore, #tpu.memory_space<semaphore_mem>>
        %dma_start3A = arith.constant 0 : i32
        %dma_start3A_46 = tpu.memref_slice %arg6[%arg0, %mul3A_3, %dma_start3A] : memref<2x10000x64xf32, #tpu.memory_space<hbm>> -> memref<1x624x64xf32, #tpu.memory_space<hbm>>
        %dma_start3A_47 = tpu.memref_squeeze %dma_start3A_46 : memref<1x624x64xf32, #tpu.memory_space<hbm>> -> memref<624x64xf32, #tpu.memory_space<hbm>>
        %dma_start3A_48 = arith.constant 0 : i32
        %dma_start3A_49 = tpu.memref_slice %arg8[%mul3A_3, %dma_start3A_48] : memref<10000x64xf32, #tpu.memory_space<vmem_shared>> -> memref<624x64xf32, #tpu.memory_space<vmem_shared>>
        tpu.enqueue_dma source(%dma_start3A_49 : memref<624x64xf32, #tpu.memory_space<vmem_shared>>) target(%dma_start3A_47 : memref<624x64xf32, #tpu.memory_space<hbm>>) target_semaphore(%run_scoped3A : memref<!tpu.dma_semaphore, #tpu.memory_space<semaphore_mem>>)
        %dma_wait3A = arith.constant 0 : i32
        %dma_wait3A_50 = tpu.memref_slice %arg6[%arg0, %mul3A_3, %dma_wait3A] : memref<2x10000x64xf32, #tpu.memory_space<hbm>> -> memref<1x624x64xf32, #tpu.memory_space<hbm>>
        %dma_wait3A_51 = tpu.memref_squeeze %dma_wait3A_50 : memref<1x624x64xf32, #tpu.memory_space<hbm>> -> memref<624x64xf32, #tpu.memory_space<hbm>>
        %dma_wait3A_52 = arith.constant 0 : i32
        %dma_wait3A_53 = tpu.memref_slice %arg8[%mul3A_3, %dma_wait3A_52] : memref<10000x64xf32, #tpu.memory_space<vmem_shared>> -> memref<624x64xf32, #tpu.memory_space<vmem_shared>>
        tpu.wait_dma2 semaphore(%run_scoped3A : memref<!tpu.dma_semaphore, #tpu.memory_space<semaphore_mem>>) src(%dma_wait3A_53 : memref<624x64xf32, #tpu.memory_space<vmem_shared>>) dst(%dma_wait3A_51 : memref<624x64xf32, #tpu.memory_space<hbm>>)
        tpu.yield
      }) : () -> ()
    } else {
    }
    return
  }
}

#map = affine_map<(d0, d1) -> (0, 0, 0)>
#map1 = affine_map<(d0, d1) -> (0)>
module attributes {stable_mosaic.version = 14 : i64} {
  func.func @body(%arg0: i32, %arg1: i32, %arg2: memref<2x10000x64xf32, #tpu.memory_space<hbm>>, %arg3: memref<320000xi32, #tpu.memory_space<hbm>>, %arg4: memref<320000xi32, #tpu.memory_space<hbm>>, %arg5: memref<320000xf32, #tpu.memory_space<hbm>>, %arg6: memref<320000xi32, #tpu.memory_space<hbm>>, %arg7: memref<256xf32, #tpu.memory_space<hbm>>, %arg8: memref<2x10000x64xf32, #tpu.memory_space<hbm>>, %arg9: memref<10000x64xf32, #tpu.memory_space<vmem_shared>>, %arg10: memref<10000x64xf32, #tpu.memory_space<vmem_shared>>, %arg11: memref<128xi32, #tpu.memory_space<vmem>>, %arg12: memref<128xi32, #tpu.memory_space<vmem>>, %arg13: memref<128xf32, #tpu.memory_space<vmem>>, %arg14: memref<128x64xf32, #tpu.memory_space<vmem>>, %arg15: memref<128xi32, #tpu.memory_space<vmem>>, %arg16: memref<256xf32, #tpu.memory_space<vmem>>) attributes {dimension_semantics = [#tpu.dimension_semantics<core_parallel>, #tpu.dimension_semantics<subcore_parallel>], iteration_bounds = array<i64: 2, 16>, scalar_prefetch = 0 : i64, scratch_operands = 8 : i64, tpu.core_type = #tpu.core_type<sc_vector_subcore>, window_params = [{transform_indices = #map}, {transform_indices = #map1}, {transform_indices = #map1}, {transform_indices = #map1}, {transform_indices = #map1}, {transform_indices = #map1}, {transform_indices = #map}]} {
    %mul3A = arith.constant 78 : i32
    %mul3A_0 = arith.muli %arg1, %mul3A : i32
    %min3A = arith.constant 2 : i32
    %min3A_1 = arith.minsi %arg1, %min3A : i32
    %add3A = arith.addi %mul3A_0, %min3A_1 : i32
    %mul3A_2 = arith.constant 8 : i32
    %mul3A_3 = arith.muli %add3A, %mul3A_2 : i32
    %lt3A = arith.constant 2 : i32
    %lt3A_4 = arith.cmpi slt, %arg1, %lt3A : i32
    %scan3A = arith.constant 0 : i32
    %scan3A_5 = arith.constant 0 : i32
    %scan3A_6 = arith.constant 128 : i32
    %scan3A_7 = arith.addi %scan3A_5, %scan3A_6 : i32
    %scan3A_8 = arith.constant 1 : i32
    %scan3A_9 = scf.for %scan3A_46 = %scan3A_5 to %scan3A_7 step %scan3A_8 iter_args(%scan3A_47 = %scan3A) -> (i32)  : i32 {
      %broadcast_in_dim3A = arith.constant 0.000000e+00 : f32
      %broadcast_in_dim3A_48 = vector.broadcast %broadcast_in_dim3A : f32 to vector<16xf32>
      %swap3A = arith.index_cast %scan3A_46 : i32 to index
      %swap3A_49 = arith.constant 0 : index
      %swap3A_50 = tpu.vector_load %arg14[%swap3A, %swap3A_49] {strides = array<i32>} : memref<128x64xf32, #tpu.memory_space<vmem>>, vector<16xf32>,
      tpu.vector_store %arg14[%swap3A, %swap3A_49], %broadcast_in_dim3A_48 {strides = array<i32>} : memref<128x64xf32, #tpu.memory_space<vmem>>, vector<16xf32>,
      %broadcast_in_dim3A_51 = arith.constant 0.000000e+00 : f32
      %broadcast_in_dim3A_52 = vector.broadcast %broadcast_in_dim3A_51 : f32 to vector<16xf32>
      %swap3A_53 = arith.index_cast %scan3A_46 : i32 to index
      %swap3A_54 = arith.constant 16 : index
      %swap3A_55 = tpu.vector_load %arg14[%swap3A_53, %swap3A_54] {strides = array<i32>} : memref<128x64xf32, #tpu.memory_space<vmem>>, vector<16xf32>,
      tpu.vector_store %arg14[%swap3A_53, %swap3A_54], %broadcast_in_dim3A_52 {strides = array<i32>} : memref<128x64xf32, #tpu.memory_space<vmem>>, vector<16xf32>,
      %broadcast_in_dim3A_56 = arith.constant 0.000000e+00 : f32
      %broadcast_in_dim3A_57 = vector.broadcast %broadcast_in_dim3A_56 : f32 to vector<16xf32>
      %swap3A_58 = arith.index_cast %scan3A_46 : i32 to index
      %swap3A_59 = arith.constant 32 : index
      %swap3A_60 = tpu.vector_load %arg14[%swap3A_58, %swap3A_59] {strides = array<i32>} : memref<128x64xf32, #tpu.memory_space<vmem>>, vector<16xf32>,
      tpu.vector_store %arg14[%swap3A_58, %swap3A_59], %broadcast_in_dim3A_57 {strides = array<i32>} : memref<128x64xf32, #tpu.memory_space<vmem>>, vector<16xf32>,
      %broadcast_in_dim3A_61 = arith.constant 0.000000e+00 : f32
      %broadcast_in_dim3A_62 = vector.broadcast %broadcast_in_dim3A_61 : f32 to vector<16xf32>
      %swap3A_63 = arith.index_cast %scan3A_46 : i32 to index
      %swap3A_64 = arith.constant 48 : index
      %swap3A_65 = tpu.vector_load %arg14[%swap3A_63, %swap3A_64] {strides = array<i32>} : memref<128x64xf32, #tpu.memory_space<vmem>>, vector<16xf32>,
      tpu.vector_store %arg14[%swap3A_63, %swap3A_64], %broadcast_in_dim3A_62 {strides = array<i32>} : memref<128x64xf32, #tpu.memory_space<vmem>>, vector<16xf32>,
      %scan3A_66 = arith.constant 0 : i32
      scf.yield %scan3A_66 : i32
    }
    %scan3A_10 = arith.constant 128 : i32
    %convert_element_type3A = arith.extui %lt3A_4 : i1 to i32
    %cond3A = arith.constant 0 : i32
    %cond3A_11 = arith.cmpi ne, %convert_element_type3A, %cond3A : i32
    scf.if %cond3A_11 {
      "tpu.region"() ({
        %run_scoped3A = tpu.sem_alloc : memref<!tpu.dma_semaphore, #tpu.memory_space<semaphore_mem>>
        %dma_start3A = arith.constant 0 : i32
        %dma_start3A_56 = tpu.memref_slice %arg9[%mul3A_3, %dma_start3A] : memref<10000x64xf32, #tpu.memory_space<vmem_shared>> -> memref<632x64xf32, #tpu.memory_space<vmem_shared>>
        %dma_start3A_57 = arith.constant 0 : i32
        %dma_start3A_58 = tpu.memref_slice %arg2[%arg0, %mul3A_3, %dma_start3A_57] : memref<2x10000x64xf32, #tpu.memory_space<hbm>> -> memref<1x632x64xf32, #tpu.memory_space<hbm>>
        %dma_start3A_59 = tpu.memref_squeeze %dma_start3A_58 : memref<1x632x64xf32, #tpu.memory_space<hbm>> -> memref<632x64xf32, #tpu.memory_space<hbm>>
        tpu.enqueue_dma source(%dma_start3A_59 : memref<632x64xf32, #tpu.memory_space<hbm>>) target(%dma_start3A_56 : memref<632x64xf32, #tpu.memory_space<vmem_shared>>) target_semaphore(%run_scoped3A : memref<!tpu.dma_semaphore, #tpu.memory_space<semaphore_mem>>)
        %dma_wait3A = arith.constant 0 : i32
        %dma_wait3A_60 = tpu.memref_slice %arg9[%mul3A_3, %dma_wait3A] : memref<10000x64xf32, #tpu.memory_space<vmem_shared>> -> memref<632x64xf32, #tpu.memory_space<vmem_shared>>
        %dma_wait3A_61 = arith.constant 0 : i32
        %dma_wait3A_62 = tpu.memref_slice %arg2[%arg0, %mul3A_3, %dma_wait3A_61] : memref<2x10000x64xf32, #tpu.memory_space<hbm>> -> memref<1x632x64xf32, #tpu.memory_space<hbm>>
        %dma_wait3A_63 = tpu.memref_squeeze %dma_wait3A_62 : memref<1x632x64xf32, #tpu.memory_space<hbm>> -> memref<632x64xf32, #tpu.memory_space<hbm>>
        tpu.wait_dma2 semaphore(%run_scoped3A : memref<!tpu.dma_semaphore, #tpu.memory_space<semaphore_mem>>) src(%dma_wait3A_63 : memref<632x64xf32, #tpu.memory_space<hbm>>) dst(%dma_wait3A_60 : memref<632x64xf32, #tpu.memory_space<vmem_shared>>)
        tpu.yield
      }) : () -> ()
      %add3A_46 = arith.constant 0 : i32
      %add3A_47 = arith.addi %mul3A_3, %add3A_46 : i32
      "tpu.region"() ({
        %run_scoped3A = tpu.sem_alloc : memref<!tpu.dma_semaphore, #tpu.memory_space<semaphore_mem>>
        %dma_start3A = arith.constant 0 : i32
        %dma_start3A_56 = tpu.memref_slice %arg10[%add3A_47, %dma_start3A] : memref<10000x64xf32, #tpu.memory_space<vmem_shared>> -> memref<128x64xf32, #tpu.memory_space<vmem_shared>>
        %dma_start3A_57 = arith.constant 0 : i32
        %dma_start3A_58 = tpu.memref_slice %arg10[%add3A_47, %dma_start3A_57] : memref<10000x64xf32, #tpu.memory_space<vmem_shared>> -> memref<128x64xf32, #tpu.memory_space<vmem_shared>>
        tpu.enqueue_dma source(%arg14 : memref<128x64xf32, #tpu.memory_space<vmem>>) target(%dma_start3A_58 : memref<128x64xf32, #tpu.memory_space<vmem_shared>>) target_semaphore(%run_scoped3A : memref<!tpu.dma_semaphore, #tpu.memory_space<semaphore_mem>>)
        %dma_wait3A = arith.constant 0 : i32
        %dma_wait3A_59 = tpu.memref_slice %arg10[%add3A_47, %dma_wait3A] : memref<10000x64xf32, #tpu.memory_space<vmem_shared>> -> memref<128x64xf32, #tpu.memory_space<vmem_shared>>
        %dma_wait3A_60 = arith.constant 0 : i32
        %dma_wait3A_61 = tpu.memref_slice %arg10[%add3A_47, %dma_wait3A_60] : memref<10000x64xf32, #tpu.memory_space<vmem_shared>> -> memref<128x64xf32, #tpu.memory_space<vmem_shared>>
        tpu.wait_dma2 semaphore(%run_scoped3A : memref<!tpu.dma_semaphore, #tpu.memory_space<semaphore_mem>>) src(%arg14 : memref<128x64xf32, #tpu.memory_space<vmem>>) dst(%dma_wait3A_61 : memref<128x64xf32, #tpu.memory_space<vmem_shared>>)
        tpu.yield
      }) : () -> ()
      %add3A_48 = arith.constant 128 : i32
      %add3A_49 = arith.addi %mul3A_3, %add3A_48 : i32
      "tpu.region"() ({
        %run_scoped3A = tpu.sem_alloc : memref<!tpu.dma_semaphore, #tpu.memory_space<semaphore_mem>>
        %dma_start3A = arith.constant 0 : i32
        %dma_start3A_56 = tpu.memref_slice %arg10[%add3A_49, %dma_start3A] : memref<10000x64xf32, #tpu.memory_space<vmem_shared>> -> memref<128x64xf32, #tpu.memory_space<vmem_shared>>
        %dma_start3A_57 = arith.constant 0 : i32
        %dma_start3A_58 = tpu.memref_slice %arg10[%add3A_49, %dma_start3A_57] : memref<10000x64xf32, #tpu.memory_space<vmem_shared>> -> memref<128x64xf32, #tpu.memory_space<vmem_shared>>
        tpu.enqueue_dma source(%arg14 : memref<128x64xf32, #tpu.memory_space<vmem>>) target(%dma_start3A_58 : memref<128x64xf32, #tpu.memory_space<vmem_shared>>) target_semaphore(%run_scoped3A : memref<!tpu.dma_semaphore, #tpu.memory_space<semaphore_mem>>)
        %dma_wait3A = arith.constant 0 : i32
        %dma_wait3A_59 = tpu.memref_slice %arg10[%add3A_49, %dma_wait3A] : memref<10000x64xf32, #tpu.memory_space<vmem_shared>> -> memref<128x64xf32, #tpu.memory_space<vmem_shared>>
        %dma_wait3A_60 = arith.constant 0 : i32
        %dma_wait3A_61 = tpu.memref_slice %arg10[%add3A_49, %dma_wait3A_60] : memref<10000x64xf32, #tpu.memory_space<vmem_shared>> -> memref<128x64xf32, #tpu.memory_space<vmem_shared>>
        tpu.wait_dma2 semaphore(%run_scoped3A : memref<!tpu.dma_semaphore, #tpu.memory_space<semaphore_mem>>) src(%arg14 : memref<128x64xf32, #tpu.memory_space<vmem>>) dst(%dma_wait3A_61 : memref<128x64xf32, #tpu.memory_space<vmem_shared>>)
        tpu.yield
      }) : () -> ()
      %add3A_50 = arith.constant 256 : i32
      %add3A_51 = arith.addi %mul3A_3, %add3A_50 : i32
      "tpu.region"() ({
        %run_scoped3A = tpu.sem_alloc : memref<!tpu.dma_semaphore, #tpu.memory_space<semaphore_mem>>
        %dma_start3A = arith.constant 0 : i32
        %dma_start3A_56 = tpu.memref_slice %arg10[%add3A_51, %dma_start3A] : memref<10000x64xf32, #tpu.memory_space<vmem_shared>> -> memref<128x64xf32, #tpu.memory_space<vmem_shared>>
        %dma_start3A_57 = arith.constant 0 : i32
        %dma_start3A_58 = tpu.memref_slice %arg10[%add3A_51, %dma_start3A_57] : memref<10000x64xf32, #tpu.memory_space<vmem_shared>> -> memref<128x64xf32, #tpu.memory_space<vmem_shared>>
        tpu.enqueue_dma source(%arg14 : memref<128x64xf32, #tpu.memory_space<vmem>>) target(%dma_start3A_58 : memref<128x64xf32, #tpu.memory_space<vmem_shared>>) target_semaphore(%run_scoped3A : memref<!tpu.dma_semaphore, #tpu.memory_space<semaphore_mem>>)
        %dma_wait3A = arith.constant 0 : i32
        %dma_wait3A_59 = tpu.memref_slice %arg10[%add3A_51, %dma_wait3A] : memref<10000x64xf32, #tpu.memory_space<vmem_shared>> -> memref<128x64xf32, #tpu.memory_space<vmem_shared>>
        %dma_wait3A_60 = arith.constant 0 : i32
        %dma_wait3A_61 = tpu.memref_slice %arg10[%add3A_51, %dma_wait3A_60] : memref<10000x64xf32, #tpu.memory_space<vmem_shared>> -> memref<128x64xf32, #tpu.memory_space<vmem_shared>>
        tpu.wait_dma2 semaphore(%run_scoped3A : memref<!tpu.dma_semaphore, #tpu.memory_space<semaphore_mem>>) src(%arg14 : memref<128x64xf32, #tpu.memory_space<vmem>>) dst(%dma_wait3A_61 : memref<128x64xf32, #tpu.memory_space<vmem_shared>>)
        tpu.yield
      }) : () -> ()
      %add3A_52 = arith.constant 384 : i32
      %add3A_53 = arith.addi %mul3A_3, %add3A_52 : i32
      "tpu.region"() ({
        %run_scoped3A = tpu.sem_alloc : memref<!tpu.dma_semaphore, #tpu.memory_space<semaphore_mem>>
        %dma_start3A = arith.constant 0 : i32
        %dma_start3A_56 = tpu.memref_slice %arg10[%add3A_53, %dma_start3A] : memref<10000x64xf32, #tpu.memory_space<vmem_shared>> -> memref<128x64xf32, #tpu.memory_space<vmem_shared>>
        %dma_start3A_57 = arith.constant 0 : i32
        %dma_start3A_58 = tpu.memref_slice %arg10[%add3A_53, %dma_start3A_57] : memref<10000x64xf32, #tpu.memory_space<vmem_shared>> -> memref<128x64xf32, #tpu.memory_space<vmem_shared>>
        tpu.enqueue_dma source(%arg14 : memref<128x64xf32, #tpu.memory_space<vmem>>) target(%dma_start3A_58 : memref<128x64xf32, #tpu.memory_space<vmem_shared>>) target_semaphore(%run_scoped3A : memref<!tpu.dma_semaphore, #tpu.memory_space<semaphore_mem>>)
        %dma_wait3A = arith.constant 0 : i32
        %dma_wait3A_59 = tpu.memref_slice %arg10[%add3A_53, %dma_wait3A] : memref<10000x64xf32, #tpu.memory_space<vmem_shared>> -> memref<128x64xf32, #tpu.memory_space<vmem_shared>>
        %dma_wait3A_60 = arith.constant 0 : i32
        %dma_wait3A_61 = tpu.memref_slice %arg10[%add3A_53, %dma_wait3A_60] : memref<10000x64xf32, #tpu.memory_space<vmem_shared>> -> memref<128x64xf32, #tpu.memory_space<vmem_shared>>
        tpu.wait_dma2 semaphore(%run_scoped3A : memref<!tpu.dma_semaphore, #tpu.memory_space<semaphore_mem>>) src(%arg14 : memref<128x64xf32, #tpu.memory_space<vmem>>) dst(%dma_wait3A_61 : memref<128x64xf32, #tpu.memory_space<vmem_shared>>)
        tpu.yield
      }) : () -> ()
      %add3A_54 = arith.constant 512 : i32
      %add3A_55 = arith.addi %mul3A_3, %add3A_54 : i32
      "tpu.region"() ({
        %run_scoped3A = tpu.sem_alloc : memref<!tpu.dma_semaphore, #tpu.memory_space<semaphore_mem>>
        %dma_start3A = arith.constant 0 : i32
        %dma_start3A_56 = arith.constant 0 : i32
        %dma_start3A_57 = tpu.memref_slice %arg14[%dma_start3A, %dma_start3A_56] : memref<128x64xf32, #tpu.memory_space<vmem>> -> memref<120x64xf32, #tpu.memory_space<vmem>>
        %dma_start3A_58 = arith.constant 0 : i32
        %dma_start3A_59 = tpu.memref_slice %arg10[%add3A_55, %dma_start3A_58] : memref<10000x64xf32, #tpu.memory_space<vmem_shared>> -> memref<120x64xf32, #tpu.memory_space<vmem_shared>>
        %dma_start3A_60 = arith.constant 0 : i32
        %dma_start3A_61 = tpu.memref_slice %arg10[%add3A_55, %dma_start3A_60] : memref<10000x64xf32, #tpu.memory_space<vmem_shared>> -> memref<120x64xf32, #tpu.memory_space<vmem_shared>>
        %dma_start3A_62 = arith.constant 0 : i32
        %dma_start3A_63 = arith.constant 0 : i32
        %dma_start3A_64 = tpu.memref_slice %arg14[%dma_start3A_62, %dma_start3A_63] : memref<128x64xf32, #tpu.memory_space<vmem>> -> memref<120x64xf32, #tpu.memory_space<vmem>>
        tpu.enqueue_dma source(%dma_start3A_64 : memref<120x64xf32, #tpu.memory_space<vmem>>) target(%dma_start3A_61 : memref<120x64xf32, #tpu.memory_space<vmem_shared>>) target_semaphore(%run_scoped3A : memref<!tpu.dma_semaphore, #tpu.memory_space<semaphore_mem>>)
        %dma_wait3A = arith.constant 0 : i32
        %dma_wait3A_65 = arith.constant 0 : i32
        %dma_wait3A_66 = tpu.memref_slice %arg14[%dma_wait3A, %dma_wait3A_65] : memref<128x64xf32, #tpu.memory_space<vmem>> -> memref<120x64xf32, #tpu.memory_space<vmem>>
        %dma_wait3A_67 = arith.constant 0 : i32
        %dma_wait3A_68 = tpu.memref_slice %arg10[%add3A_55, %dma_wait3A_67] : memref<10000x64xf32, #tpu.memory_space<vmem_shared>> -> memref<120x64xf32, #tpu.memory_space<vmem_shared>>
        %dma_wait3A_69 = arith.constant 0 : i32
        %dma_wait3A_70 = tpu.memref_slice %arg10[%add3A_55, %dma_wait3A_69] : memref<10000x64xf32, #tpu.memory_space<vmem_shared>> -> memref<120x64xf32, #tpu.memory_space<vmem_shared>>
        %dma_wait3A_71 = arith.constant 0 : i32
        %dma_wait3A_72 = arith.constant 0 : i32
        %dma_wait3A_73 = tpu.memref_slice %arg14[%dma_wait3A_71, %dma_wait3A_72] : memref<128x64xf32, #tpu.memory_space<vmem>> -> memref<120x64xf32, #tpu.memory_space<vmem>>
        tpu.wait_dma2 semaphore(%run_scoped3A : memref<!tpu.dma_semaphore, #tpu.memory_space<semaphore_mem>>) src(%dma_wait3A_73 : memref<120x64xf32, #tpu.memory_space<vmem>>) dst(%dma_wait3A_70 : memref<120x64xf32, #tpu.memory_space<vmem_shared>>)
        tpu.yield
      }) : () -> ()
    } else {
    }
    %not3A = arith.constant true
    %not3A_12 = arith.xori %lt3A_4, %not3A : i1
    %convert_element_type3A_13 = arith.extui %not3A_12 : i1 to i32
    %cond3A_14 = arith.constant 0 : i32
    %cond3A_15 = arith.cmpi ne, %convert_element_type3A_13, %cond3A_14 : i32
    scf.if %cond3A_15 {
      "tpu.region"() ({
        %run_scoped3A = tpu.sem_alloc : memref<!tpu.dma_semaphore, #tpu.memory_space<semaphore_mem>>
        %dma_start3A = arith.constant 0 : i32
        %dma_start3A_56 = tpu.memref_slice %arg9[%mul3A_3, %dma_start3A] : memref<10000x64xf32, #tpu.memory_space<vmem_shared>> -> memref<624x64xf32, #tpu.memory_space<vmem_shared>>
        %dma_start3A_57 = arith.constant 0 : i32
        %dma_start3A_58 = tpu.memref_slice %arg2[%arg0, %mul3A_3, %dma_start3A_57] : memref<2x10000x64xf32, #tpu.memory_space<hbm>> -> memref<1x624x64xf32, #tpu.memory_space<hbm>>
        %dma_start3A_59 = tpu.memref_squeeze %dma_start3A_58 : memref<1x624x64xf32, #tpu.memory_space<hbm>> -> memref<624x64xf32, #tpu.memory_space<hbm>>
        tpu.enqueue_dma source(%dma_start3A_59 : memref<624x64xf32, #tpu.memory_space<hbm>>) target(%dma_start3A_56 : memref<624x64xf32, #tpu.memory_space<vmem_shared>>) target_semaphore(%run_scoped3A : memref<!tpu.dma_semaphore, #tpu.memory_space<semaphore_mem>>)
        %dma_wait3A = arith.constant 0 : i32
        %dma_wait3A_60 = tpu.memref_slice %arg9[%mul3A_3, %dma_wait3A] : memref<10000x64xf32, #tpu.memory_space<vmem_shared>> -> memref<624x64xf32, #tpu.memory_space<vmem_shared>>
        %dma_wait3A_61 = arith.constant 0 : i32
        %dma_wait3A_62 = tpu.memref_slice %arg2[%arg0, %mul3A_3, %dma_wait3A_61] : memref<2x10000x64xf32, #tpu.memory_space<hbm>> -> memref<1x624x64xf32, #tpu.memory_space<hbm>>
        %dma_wait3A_63 = tpu.memref_squeeze %dma_wait3A_62 : memref<1x624x64xf32, #tpu.memory_space<hbm>> -> memref<624x64xf32, #tpu.memory_space<hbm>>
        tpu.wait_dma2 semaphore(%run_scoped3A : memref<!tpu.dma_semaphore, #tpu.memory_space<semaphore_mem>>) src(%dma_wait3A_63 : memref<624x64xf32, #tpu.memory_space<hbm>>) dst(%dma_wait3A_60 : memref<624x64xf32, #tpu.memory_space<vmem_shared>>)
        tpu.yield
      }) : () -> ()
      %add3A_46 = arith.constant 0 : i32
      %add3A_47 = arith.addi %mul3A_3, %add3A_46 : i32
      "tpu.region"() ({
        %run_scoped3A = tpu.sem_alloc : memref<!tpu.dma_semaphore, #tpu.memory_space<semaphore_mem>>
        %dma_start3A = arith.constant 0 : i32
        %dma_start3A_56 = tpu.memref_slice %arg10[%add3A_47, %dma_start3A] : memref<10000x64xf32, #tpu.memory_space<vmem_shared>> -> memref<128x64xf32, #tpu.memory_space<vmem_shared>>
        %dma_start3A_57 = arith.constant 0 : i32
        %dma_start3A_58 = tpu.memref_slice %arg10[%add3A_47, %dma_start3A_57] : memref<10000x64xf32, #tpu.memory_space<vmem_shared>> -> memref<128x64xf32, #tpu.memory_space<vmem_shared>>
        tpu.enqueue_dma source(%arg14 : memref<128x64xf32, #tpu.memory_space<vmem>>) target(%dma_start3A_58 : memref<128x64xf32, #tpu.memory_space<vmem_shared>>) target_semaphore(%run_scoped3A : memref<!tpu.dma_semaphore, #tpu.memory_space<semaphore_mem>>)
        %dma_wait3A = arith.constant 0 : i32
        %dma_wait3A_59 = tpu.memref_slice %arg10[%add3A_47, %dma_wait3A] : memref<10000x64xf32, #tpu.memory_space<vmem_shared>> -> memref<128x64xf32, #tpu.memory_space<vmem_shared>>
        %dma_wait3A_60 = arith.constant 0 : i32
        %dma_wait3A_61 = tpu.memref_slice %arg10[%add3A_47, %dma_wait3A_60] : memref<10000x64xf32, #tpu.memory_space<vmem_shared>> -> memref<128x64xf32, #tpu.memory_space<vmem_shared>>
        tpu.wait_dma2 semaphore(%run_scoped3A : memref<!tpu.dma_semaphore, #tpu.memory_space<semaphore_mem>>) src(%arg14 : memref<128x64xf32, #tpu.memory_space<vmem>>) dst(%dma_wait3A_61 : memref<128x64xf32, #tpu.memory_space<vmem_shared>>)
        tpu.yield
      }) : () -> ()
      %add3A_48 = arith.constant 128 : i32
      %add3A_49 = arith.addi %mul3A_3, %add3A_48 : i32
      "tpu.region"() ({
        %run_scoped3A = tpu.sem_alloc : memref<!tpu.dma_semaphore, #tpu.memory_space<semaphore_mem>>
        %dma_start3A = arith.constant 0 : i32
        %dma_start3A_56 = tpu.memref_slice %arg10[%add3A_49, %dma_start3A] : memref<10000x64xf32, #tpu.memory_space<vmem_shared>> -> memref<128x64xf32, #tpu.memory_space<vmem_shared>>
        %dma_start3A_57 = arith.constant 0 : i32
        %dma_start3A_58 = tpu.memref_slice %arg10[%add3A_49, %dma_start3A_57] : memref<10000x64xf32, #tpu.memory_space<vmem_shared>> -> memref<128x64xf32, #tpu.memory_space<vmem_shared>>
        tpu.enqueue_dma source(%arg14 : memref<128x64xf32, #tpu.memory_space<vmem>>) target(%dma_start3A_58 : memref<128x64xf32, #tpu.memory_space<vmem_shared>>) target_semaphore(%run_scoped3A : memref<!tpu.dma_semaphore, #tpu.memory_space<semaphore_mem>>)
        %dma_wait3A = arith.constant 0 : i32
        %dma_wait3A_59 = tpu.memref_slice %arg10[%add3A_49, %dma_wait3A] : memref<10000x64xf32, #tpu.memory_space<vmem_shared>> -> memref<128x64xf32, #tpu.memory_space<vmem_shared>>
        %dma_wait3A_60 = arith.constant 0 : i32
        %dma_wait3A_61 = tpu.memref_slice %arg10[%add3A_49, %dma_wait3A_60] : memref<10000x64xf32, #tpu.memory_space<vmem_shared>> -> memref<128x64xf32, #tpu.memory_space<vmem_shared>>
        tpu.wait_dma2 semaphore(%run_scoped3A : memref<!tpu.dma_semaphore, #tpu.memory_space<semaphore_mem>>) src(%arg14 : memref<128x64xf32, #tpu.memory_space<vmem>>) dst(%dma_wait3A_61 : memref<128x64xf32, #tpu.memory_space<vmem_shared>>)
        tpu.yield
      }) : () -> ()
      %add3A_50 = arith.constant 256 : i32
      %add3A_51 = arith.addi %mul3A_3, %add3A_50 : i32
      "tpu.region"() ({
        %run_scoped3A = tpu.sem_alloc : memref<!tpu.dma_semaphore, #tpu.memory_space<semaphore_mem>>
        %dma_start3A = arith.constant 0 : i32
        %dma_start3A_56 = tpu.memref_slice %arg10[%add3A_51, %dma_start3A] : memref<10000x64xf32, #tpu.memory_space<vmem_shared>> -> memref<128x64xf32, #tpu.memory_space<vmem_shared>>
        %dma_start3A_57 = arith.constant 0 : i32
        %dma_start3A_58 = tpu.memref_slice %arg10[%add3A_51, %dma_start3A_57] : memref<10000x64xf32, #tpu.memory_space<vmem_shared>> -> memref<128x64xf32, #tpu.memory_space<vmem_shared>>
        tpu.enqueue_dma source(%arg14 : memref<128x64xf32, #tpu.memory_space<vmem>>) target(%dma_start3A_58 : memref<128x64xf32, #tpu.memory_space<vmem_shared>>) target_semaphore(%run_scoped3A : memref<!tpu.dma_semaphore, #tpu.memory_space<semaphore_mem>>)
        %dma_wait3A = arith.constant 0 : i32
        %dma_wait3A_59 = tpu.memref_slice %arg10[%add3A_51, %dma_wait3A] : memref<10000x64xf32, #tpu.memory_space<vmem_shared>> -> memref<128x64xf32, #tpu.memory_space<vmem_shared>>
        %dma_wait3A_60 = arith.constant 0 : i32
        %dma_wait3A_61 = tpu.memref_slice %arg10[%add3A_51, %dma_wait3A_60] : memref<10000x64xf32, #tpu.memory_space<vmem_shared>> -> memref<128x64xf32, #tpu.memory_space<vmem_shared>>
        tpu.wait_dma2 semaphore(%run_scoped3A : memref<!tpu.dma_semaphore, #tpu.memory_space<semaphore_mem>>) src(%arg14 : memref<128x64xf32, #tpu.memory_space<vmem>>) dst(%dma_wait3A_61 : memref<128x64xf32, #tpu.memory_space<vmem_shared>>)
        tpu.yield
      }) : () -> ()
      %add3A_52 = arith.constant 384 : i32
      %add3A_53 = arith.addi %mul3A_3, %add3A_52 : i32
      "tpu.region"() ({
        %run_scoped3A = tpu.sem_alloc : memref<!tpu.dma_semaphore, #tpu.memory_space<semaphore_mem>>
        %dma_start3A = arith.constant 0 : i32
        %dma_start3A_56 = tpu.memref_slice %arg10[%add3A_53, %dma_start3A] : memref<10000x64xf32, #tpu.memory_space<vmem_shared>> -> memref<128x64xf32, #tpu.memory_space<vmem_shared>>
        %dma_start3A_57 = arith.constant 0 : i32
        %dma_start3A_58 = tpu.memref_slice %arg10[%add3A_53, %dma_start3A_57] : memref<10000x64xf32, #tpu.memory_space<vmem_shared>> -> memref<128x64xf32, #tpu.memory_space<vmem_shared>>
        tpu.enqueue_dma source(%arg14 : memref<128x64xf32, #tpu.memory_space<vmem>>) target(%dma_start3A_58 : memref<128x64xf32, #tpu.memory_space<vmem_shared>>) target_semaphore(%run_scoped3A : memref<!tpu.dma_semaphore, #tpu.memory_space<semaphore_mem>>)
        %dma_wait3A = arith.constant 0 : i32
        %dma_wait3A_59 = tpu.memref_slice %arg10[%add3A_53, %dma_wait3A] : memref<10000x64xf32, #tpu.memory_space<vmem_shared>> -> memref<128x64xf32, #tpu.memory_space<vmem_shared>>
        %dma_wait3A_60 = arith.constant 0 : i32
        %dma_wait3A_61 = tpu.memref_slice %arg10[%add3A_53, %dma_wait3A_60] : memref<10000x64xf32, #tpu.memory_space<vmem_shared>> -> memref<128x64xf32, #tpu.memory_space<vmem_shared>>
        tpu.wait_dma2 semaphore(%run_scoped3A : memref<!tpu.dma_semaphore, #tpu.memory_space<semaphore_mem>>) src(%arg14 : memref<128x64xf32, #tpu.memory_space<vmem>>) dst(%dma_wait3A_61 : memref<128x64xf32, #tpu.memory_space<vmem_shared>>)
        tpu.yield
      }) : () -> ()
      %add3A_54 = arith.constant 512 : i32
      %add3A_55 = arith.addi %mul3A_3, %add3A_54 : i32
      "tpu.region"() ({
        %run_scoped3A = tpu.sem_alloc : memref<!tpu.dma_semaphore, #tpu.memory_space<semaphore_mem>>
        %dma_start3A = arith.constant 0 : i32
        %dma_start3A_56 = arith.constant 0 : i32
        %dma_start3A_57 = tpu.memref_slice %arg14[%dma_start3A, %dma_start3A_56] : memref<128x64xf32, #tpu.memory_space<vmem>> -> memref<112x64xf32, #tpu.memory_space<vmem>>
        %dma_start3A_58 = arith.constant 0 : i32
        %dma_start3A_59 = tpu.memref_slice %arg10[%add3A_55, %dma_start3A_58] : memref<10000x64xf32, #tpu.memory_space<vmem_shared>> -> memref<112x64xf32, #tpu.memory_space<vmem_shared>>
        %dma_start3A_60 = arith.constant 0 : i32
        %dma_start3A_61 = tpu.memref_slice %arg10[%add3A_55, %dma_start3A_60] : memref<10000x64xf32, #tpu.memory_space<vmem_shared>> -> memref<112x64xf32, #tpu.memory_space<vmem_shared>>
        %dma_start3A_62 = arith.constant 0 : i32
        %dma_start3A_63 = arith.constant 0 : i32
        %dma_start3A_64 = tpu.memref_slice %arg14[%dma_start3A_62, %dma_start3A_63] : memref<128x64xf32, #tpu.memory_space<vmem>> -> memref<112x64xf32, #tpu.memory_space<vmem>>
        tpu.enqueue_dma source(%dma_start3A_64 : memref<112x64xf32, #tpu.memory_space<vmem>>) target(%dma_start3A_61 : memref<112x64xf32, #tpu.memory_space<vmem_shared>>) target_semaphore(%run_scoped3A : memref<!tpu.dma_semaphore, #tpu.memory_space<semaphore_mem>>)
        %dma_wait3A = arith.constant 0 : i32
        %dma_wait3A_65 = arith.constant 0 : i32
        %dma_wait3A_66 = tpu.memref_slice %arg14[%dma_wait3A, %dma_wait3A_65] : memref<128x64xf32, #tpu.memory_space<vmem>> -> memref<112x64xf32, #tpu.memory_space<vmem>>
        %dma_wait3A_67 = arith.constant 0 : i32
        %dma_wait3A_68 = tpu.memref_slice %arg10[%add3A_55, %dma_wait3A_67] : memref<10000x64xf32, #tpu.memory_space<vmem_shared>> -> memref<112x64xf32, #tpu.memory_space<vmem_shared>>
        %dma_wait3A_69 = arith.constant 0 : i32
        %dma_wait3A_70 = tpu.memref_slice %arg10[%add3A_55, %dma_wait3A_69] : memref<10000x64xf32, #tpu.memory_space<vmem_shared>> -> memref<112x64xf32, #tpu.memory_space<vmem_shared>>
        %dma_wait3A_71 = arith.constant 0 : i32
        %dma_wait3A_72 = arith.constant 0 : i32
        %dma_wait3A_73 = tpu.memref_slice %arg14[%dma_wait3A_71, %dma_wait3A_72] : memref<128x64xf32, #tpu.memory_space<vmem>> -> memref<112x64xf32, #tpu.memory_space<vmem>>
        tpu.wait_dma2 semaphore(%run_scoped3A : memref<!tpu.dma_semaphore, #tpu.memory_space<semaphore_mem>>) src(%dma_wait3A_73 : memref<112x64xf32, #tpu.memory_space<vmem>>) dst(%dma_wait3A_70 : memref<112x64xf32, #tpu.memory_space<vmem_shared>>)
        tpu.yield
      }) : () -> ()
    } else {
    }
    "tpu.region"() ({
      %run_scoped3A = tpu.sem_alloc : memref<!tpu.dma_semaphore, #tpu.memory_space<semaphore_mem>>
      tpu.enqueue_dma source(%arg7 : memref<256xf32, #tpu.memory_space<hbm>>) target(%arg16 : memref<256xf32, #tpu.memory_space<vmem>>) target_semaphore(%run_scoped3A : memref<!tpu.dma_semaphore, #tpu.memory_space<semaphore_mem>>)
      tpu.wait_dma2 semaphore(%run_scoped3A : memref<!tpu.dma_semaphore, #tpu.memory_space<semaphore_mem>>) src(%arg7 : memref<256xf32, #tpu.memory_space<hbm>>) dst(%arg16 : memref<256xf32, #tpu.memory_space<vmem>>)
      tpu.yield
    }) : () -> ()
    %barrier3A = arith.constant 0 : index
    tpu.barrier barrier_id(%barrier3A)
    %lt3A_16 = arith.constant 4 : i32
    %lt3A_17 = arith.cmpi slt, %arg1, %lt3A_16 : i32
    %jit3A = arith.constant 1 : i32
    %jit3A_18 = arith.constant 0 : i32
    %select_n3A = arith.select %lt3A_17, %jit3A, %jit3A_18 : i32
    %add3A_19 = arith.constant 156 : i32
    %add3A_20 = arith.addi %add3A_19, %select_n3A : i32
    %mul3A_21 = arith.constant 156 : i32
    %mul3A_22 = arith.muli %arg1, %mul3A_21 : i32
    %min3A_23 = arith.constant 4 : i32
    %min3A_24 = arith.minsi %arg1, %min3A_23 : i32
    %add3A_25 = arith.addi %mul3A_22, %min3A_24 : i32
    %while3A = arith.constant 0 : i32
    %while3A_26 = arith.constant 0 : i32
    %while3A_27 = arith.subi %add3A_20, %while3A : i32
    %while3A_28 = arith.addi %while3A, %while3A_27 : i32
    %while3A_29 = arith.constant 1 : i32
    %while3A_30 = arith.divsi %while3A_27, %while3A_29 : i32
    %while3A_31 = arith.muli %while3A_30, %while3A_29 : i32
    %while3A_32 = arith.addi %while3A, %while3A_31 : i32
    %while3A_33 = arith.constant 1 : i32
    %while3A_34 = scf.for %while3A_46 = %while3A to %while3A_32 step %while3A_33 iter_args(%while3A_47 = %while3A_26) -> (i32)  : i32 {
      %add3A_48 = arith.addi %add3A_25, %while3A_46 : i32
      %mul3A_49 = arith.constant 128 : i32
      %mul3A_50 = arith.muli %add3A_48, %mul3A_49 : i32
      "tpu.region"() ({
        %run_scoped3A = tpu.sem_alloc : memref<!tpu.dma_semaphore, #tpu.memory_space<semaphore_mem>>
        %dma_start3A = tpu.memref_slice %arg3[%mul3A_50] : memref<320000xi32, #tpu.memory_space<hbm>> -> memref<128xi32, #tpu.memory_space<hbm>>
        %dma_start3A_143 = tpu.memref_slice %arg3[%mul3A_50] : memref<320000xi32, #tpu.memory_space<hbm>> -> memref<128xi32, #tpu.memory_space<hbm>>
        tpu.enqueue_dma source(%dma_start3A_143 : memref<128xi32, #tpu.memory_space<hbm>>) target(%arg11 : memref<128xi32, #tpu.memory_space<vmem>>) target_semaphore(%run_scoped3A : memref<!tpu.dma_semaphore, #tpu.memory_space<semaphore_mem>>)
        %dma_wait3A = tpu.memref_slice %arg3[%mul3A_50] : memref<320000xi32, #tpu.memory_space<hbm>> -> memref<128xi32, #tpu.memory_space<hbm>>
        %dma_wait3A_144 = tpu.memref_slice %arg3[%mul3A_50] : memref<320000xi32, #tpu.memory_space<hbm>> -> memref<128xi32, #tpu.memory_space<hbm>>
        tpu.wait_dma2 semaphore(%run_scoped3A : memref<!tpu.dma_semaphore, #tpu.memory_space<semaphore_mem>>) src(%dma_wait3A_144 : memref<128xi32, #tpu.memory_space<hbm>>) dst(%arg11 : memref<128xi32, #tpu.memory_space<vmem>>)
        tpu.yield
      }) : () -> ()
      "tpu.region"() ({
        %run_scoped3A = tpu.sem_alloc : memref<!tpu.dma_semaphore, #tpu.memory_space<semaphore_mem>>
        %dma_start3A = tpu.memref_slice %arg4[%mul3A_50] : memref<320000xi32, #tpu.memory_space<hbm>> -> memref<128xi32, #tpu.memory_space<hbm>>
        %dma_start3A_143 = tpu.memref_slice %arg4[%mul3A_50] : memref<320000xi32, #tpu.memory_space<hbm>> -> memref<128xi32, #tpu.memory_space<hbm>>
        tpu.enqueue_dma source(%dma_start3A_143 : memref<128xi32, #tpu.memory_space<hbm>>) target(%arg12 : memref<128xi32, #tpu.memory_space<vmem>>) target_semaphore(%run_scoped3A : memref<!tpu.dma_semaphore, #tpu.memory_space<semaphore_mem>>)
        %dma_wait3A = tpu.memref_slice %arg4[%mul3A_50] : memref<320000xi32, #tpu.memory_space<hbm>> -> memref<128xi32, #tpu.memory_space<hbm>>
        %dma_wait3A_144 = tpu.memref_slice %arg4[%mul3A_50] : memref<320000xi32, #tpu.memory_space<hbm>> -> memref<128xi32, #tpu.memory_space<hbm>>
        tpu.wait_dma2 semaphore(%run_scoped3A : memref<!tpu.dma_semaphore, #tpu.memory_space<semaphore_mem>>) src(%dma_wait3A_144 : memref<128xi32, #tpu.memory_space<hbm>>) dst(%arg12 : memref<128xi32, #tpu.memory_space<vmem>>)
        tpu.yield
      }) : () -> ()
      "tpu.region"() ({
        %run_scoped3A = tpu.sem_alloc : memref<!tpu.dma_semaphore, #tpu.memory_space<semaphore_mem>>
        %dma_start3A = tpu.memref_slice %arg5[%mul3A_50] : memref<320000xf32, #tpu.memory_space<hbm>> -> memref<128xf32, #tpu.memory_space<hbm>>
        %dma_start3A_143 = tpu.memref_slice %arg5[%mul3A_50] : memref<320000xf32, #tpu.memory_space<hbm>> -> memref<128xf32, #tpu.memory_space<hbm>>
        tpu.enqueue_dma source(%dma_start3A_143 : memref<128xf32, #tpu.memory_space<hbm>>) target(%arg13 : memref<128xf32, #tpu.memory_space<vmem>>) target_semaphore(%run_scoped3A : memref<!tpu.dma_semaphore, #tpu.memory_space<semaphore_mem>>)
        %dma_wait3A = tpu.memref_slice %arg5[%mul3A_50] : memref<320000xf32, #tpu.memory_space<hbm>> -> memref<128xf32, #tpu.memory_space<hbm>>
        %dma_wait3A_144 = tpu.memref_slice %arg5[%mul3A_50] : memref<320000xf32, #tpu.memory_space<hbm>> -> memref<128xf32, #tpu.memory_space<hbm>>
        tpu.wait_dma2 semaphore(%run_scoped3A : memref<!tpu.dma_semaphore, #tpu.memory_space<semaphore_mem>>) src(%dma_wait3A_144 : memref<128xf32, #tpu.memory_space<hbm>>) dst(%arg13 : memref<128xf32, #tpu.memory_space<vmem>>)
        tpu.yield
      }) : () -> ()
      "tpu.region"() ({
        %run_scoped3A = tpu.sem_alloc : memref<!tpu.dma_semaphore, #tpu.memory_space<semaphore_mem>>
        %dma_start3A = tpu.memref_slice %arg6[%mul3A_50] : memref<320000xi32, #tpu.memory_space<hbm>> -> memref<128xi32, #tpu.memory_space<hbm>>
        %dma_start3A_143 = tpu.memref_slice %arg6[%mul3A_50] : memref<320000xi32, #tpu.memory_space<hbm>> -> memref<128xi32, #tpu.memory_space<hbm>>
        tpu.enqueue_dma source(%dma_start3A_143 : memref<128xi32, #tpu.memory_space<hbm>>) target(%arg15 : memref<128xi32, #tpu.memory_space<vmem>>) target_semaphore(%run_scoped3A : memref<!tpu.dma_semaphore, #tpu.memory_space<semaphore_mem>>)
        %dma_wait3A = tpu.memref_slice %arg6[%mul3A_50] : memref<320000xi32, #tpu.memory_space<hbm>> -> memref<128xi32, #tpu.memory_space<hbm>>
        %dma_wait3A_144 = tpu.memref_slice %arg6[%mul3A_50] : memref<320000xi32, #tpu.memory_space<hbm>> -> memref<128xi32, #tpu.memory_space<hbm>>
        tpu.wait_dma2 semaphore(%run_scoped3A : memref<!tpu.dma_semaphore, #tpu.memory_space<semaphore_mem>>) src(%dma_wait3A_144 : memref<128xi32, #tpu.memory_space<hbm>>) dst(%arg15 : memref<128xi32, #tpu.memory_space<vmem>>)
        tpu.yield
      }) : () -> ()
      %get3A = arith.constant 0 : index
      %get3A_51 = tpu.vector_load %arg15[%get3A] {strides = array<i32>} : memref<128xi32, #tpu.memory_space<vmem>>, vector<16xi32>,
      %gather3A = tpu.vector_load_idx %arg16[%get3A_51] : memref<256xf32, #tpu.memory_space<vmem>>[vector<16xi32>], vector<16xf32>,
      %get3A_52 = arith.constant 0 : index
      %get3A_53 = tpu.vector_load %arg13[%get3A_52] {strides = array<i32>} : memref<128xf32, #tpu.memory_space<vmem>>, vector<16xf32>,
      %add3A_54 = arith.constant 1.000000e+00 : f32
      %add3A_55 = vector.broadcast %add3A_54 : f32 to vector<16xf32>
      %add3A_56 = arith.addf %gather3A, %add3A_55 : vector<16xf32>
      %div3A = arith.divf %get3A_53, %add3A_56 : vector<16xf32>
      %swap3A = arith.constant 0 : index
      %swap3A_57 = tpu.vector_load %arg13[%swap3A] {strides = array<i32>} : memref<128xf32, #tpu.memory_space<vmem>>, vector<16xf32>,
      tpu.vector_store %arg13[%swap3A], %div3A {strides = array<i32>} : memref<128xf32, #tpu.memory_space<vmem>>, vector<16xf32>,
      %get3A_58 = arith.constant 16 : index
      %get3A_59 = tpu.vector_load %arg15[%get3A_58] {strides = array<i32>} : memref<128xi32, #tpu.memory_space<vmem>>, vector<16xi32>,
      %gather3A_60 = tpu.vector_load_idx %arg16[%get3A_59] : memref<256xf32, #tpu.memory_space<vmem>>[vector<16xi32>], vector<16xf32>,
      %get3A_61 = arith.constant 16 : index
      %get3A_62 = tpu.vector_load %arg13[%get3A_61] {strides = array<i32>} : memref<128xf32, #tpu.memory_space<vmem>>, vector<16xf32>,
      %add3A_63 = arith.constant 1.000000e+00 : f32
      %add3A_64 = vector.broadcast %add3A_63 : f32 to vector<16xf32>
      %add3A_65 = arith.addf %gather3A_60, %add3A_64 : vector<16xf32>
      %div3A_66 = arith.divf %get3A_62, %add3A_65 : vector<16xf32>
      %swap3A_67 = arith.constant 16 : index
      %swap3A_68 = tpu.vector_load %arg13[%swap3A_67] {strides = array<i32>} : memref<128xf32, #tpu.memory_space<vmem>>, vector<16xf32>,
      tpu.vector_store %arg13[%swap3A_67], %div3A_66 {strides = array<i32>} : memref<128xf32, #tpu.memory_space<vmem>>, vector<16xf32>,
      %get3A_69 = arith.constant 32 : index
      %get3A_70 = tpu.vector_load %arg15[%get3A_69] {strides = array<i32>} : memref<128xi32, #tpu.memory_space<vmem>>, vector<16xi32>,
      %gather3A_71 = tpu.vector_load_idx %arg16[%get3A_70] : memref<256xf32, #tpu.memory_space<vmem>>[vector<16xi32>], vector<16xf32>,
      %get3A_72 = arith.constant 32 : index
      %get3A_73 = tpu.vector_load %arg13[%get3A_72] {strides = array<i32>} : memref<128xf32, #tpu.memory_space<vmem>>, vector<16xf32>,
      %add3A_74 = arith.constant 1.000000e+00 : f32
      %add3A_75 = vector.broadcast %add3A_74 : f32 to vector<16xf32>
      %add3A_76 = arith.addf %gather3A_71, %add3A_75 : vector<16xf32>
      %div3A_77 = arith.divf %get3A_73, %add3A_76 : vector<16xf32>
      %swap3A_78 = arith.constant 32 : index
      %swap3A_79 = tpu.vector_load %arg13[%swap3A_78] {strides = array<i32>} : memref<128xf32, #tpu.memory_space<vmem>>, vector<16xf32>,
      tpu.vector_store %arg13[%swap3A_78], %div3A_77 {strides = array<i32>} : memref<128xf32, #tpu.memory_space<vmem>>, vector<16xf32>,
      %get3A_80 = arith.constant 48 : index
      %get3A_81 = tpu.vector_load %arg15[%get3A_80] {strides = array<i32>} : memref<128xi32, #tpu.memory_space<vmem>>, vector<16xi32>,
      %gather3A_82 = tpu.vector_load_idx %arg16[%get3A_81] : memref<256xf32, #tpu.memory_space<vmem>>[vector<16xi32>], vector<16xf32>,
      %get3A_83 = arith.constant 48 : index
      %get3A_84 = tpu.vector_load %arg13[%get3A_83] {strides = array<i32>} : memref<128xf32, #tpu.memory_space<vmem>>, vector<16xf32>,
      %add3A_85 = arith.constant 1.000000e+00 : f32
      %add3A_86 = vector.broadcast %add3A_85 : f32 to vector<16xf32>
      %add3A_87 = arith.addf %gather3A_82, %add3A_86 : vector<16xf32>
      %div3A_88 = arith.divf %get3A_84, %add3A_87 : vector<16xf32>
      %swap3A_89 = arith.constant 48 : index
      %swap3A_90 = tpu.vector_load %arg13[%swap3A_89] {strides = array<i32>} : memref<128xf32, #tpu.memory_space<vmem>>, vector<16xf32>,
      tpu.vector_store %arg13[%swap3A_89], %div3A_88 {strides = array<i32>} : memref<128xf32, #tpu.memory_space<vmem>>, vector<16xf32>,
      %get3A_91 = arith.constant 64 : index
      %get3A_92 = tpu.vector_load %arg15[%get3A_91] {strides = array<i32>} : memref<128xi32, #tpu.memory_space<vmem>>, vector<16xi32>,
      %gather3A_93 = tpu.vector_load_idx %arg16[%get3A_92] : memref<256xf32, #tpu.memory_space<vmem>>[vector<16xi32>], vector<16xf32>,
      %get3A_94 = arith.constant 64 : index
      %get3A_95 = tpu.vector_load %arg13[%get3A_94] {strides = array<i32>} : memref<128xf32, #tpu.memory_space<vmem>>, vector<16xf32>,
      %add3A_96 = arith.constant 1.000000e+00 : f32
      %add3A_97 = vector.broadcast %add3A_96 : f32 to vector<16xf32>
      %add3A_98 = arith.addf %gather3A_93, %add3A_97 : vector<16xf32>
      %div3A_99 = arith.divf %get3A_95, %add3A_98 : vector<16xf32>
      %swap3A_100 = arith.constant 64 : index
      %swap3A_101 = tpu.vector_load %arg13[%swap3A_100] {strides = array<i32>} : memref<128xf32, #tpu.memory_space<vmem>>, vector<16xf32>,
      tpu.vector_store %arg13[%swap3A_100], %div3A_99 {strides = array<i32>} : memref<128xf32, #tpu.memory_space<vmem>>, vector<16xf32>,
      %get3A_102 = arith.constant 80 : index
      %get3A_103 = tpu.vector_load %arg15[%get3A_102] {strides = array<i32>} : memref<128xi32, #tpu.memory_space<vmem>>, vector<16xi32>,
      %gather3A_104 = tpu.vector_load_idx %arg16[%get3A_103] : memref<256xf32, #tpu.memory_space<vmem>>[vector<16xi32>], vector<16xf32>,
      %get3A_105 = arith.constant 80 : index
      %get3A_106 = tpu.vector_load %arg13[%get3A_105] {strides = array<i32>} : memref<128xf32, #tpu.memory_space<vmem>>, vector<16xf32>,
      %add3A_107 = arith.constant 1.000000e+00 : f32
      %add3A_108 = vector.broadcast %add3A_107 : f32 to vector<16xf32>
      %add3A_109 = arith.addf %gather3A_104, %add3A_108 : vector<16xf32>
      %div3A_110 = arith.divf %get3A_106, %add3A_109 : vector<16xf32>
      %swap3A_111 = arith.constant 80 : index
      %swap3A_112 = tpu.vector_load %arg13[%swap3A_111] {strides = array<i32>} : memref<128xf32, #tpu.memory_space<vmem>>, vector<16xf32>,
      tpu.vector_store %arg13[%swap3A_111], %div3A_110 {strides = array<i32>} : memref<128xf32, #tpu.memory_space<vmem>>, vector<16xf32>,
      %get3A_113 = arith.constant 96 : index
      %get3A_114 = tpu.vector_load %arg15[%get3A_113] {strides = array<i32>} : memref<128xi32, #tpu.memory_space<vmem>>, vector<16xi32>,
      %gather3A_115 = tpu.vector_load_idx %arg16[%get3A_114] : memref<256xf32, #tpu.memory_space<vmem>>[vector<16xi32>], vector<16xf32>,
      %get3A_116 = arith.constant 96 : index
      %get3A_117 = tpu.vector_load %arg13[%get3A_116] {strides = array<i32>} : memref<128xf32, #tpu.memory_space<vmem>>, vector<16xf32>,
      %add3A_118 = arith.constant 1.000000e+00 : f32
      %add3A_119 = vector.broadcast %add3A_118 : f32 to vector<16xf32>
      %add3A_120 = arith.addf %gather3A_115, %add3A_119 : vector<16xf32>
      %div3A_121 = arith.divf %get3A_117, %add3A_120 : vector<16xf32>
      %swap3A_122 = arith.constant 96 : index
      %swap3A_123 = tpu.vector_load %arg13[%swap3A_122] {strides = array<i32>} : memref<128xf32, #tpu.memory_space<vmem>>, vector<16xf32>,
      tpu.vector_store %arg13[%swap3A_122], %div3A_121 {strides = array<i32>} : memref<128xf32, #tpu.memory_space<vmem>>, vector<16xf32>,
      %get3A_124 = arith.constant 112 : index
      %get3A_125 = tpu.vector_load %arg15[%get3A_124] {strides = array<i32>} : memref<128xi32, #tpu.memory_space<vmem>>, vector<16xi32>,
      %gather3A_126 = tpu.vector_load_idx %arg16[%get3A_125] : memref<256xf32, #tpu.memory_space<vmem>>[vector<16xi32>], vector<16xf32>,
      %get3A_127 = arith.constant 112 : index
      %get3A_128 = tpu.vector_load %arg13[%get3A_127] {strides = array<i32>} : memref<128xf32, #tpu.memory_space<vmem>>, vector<16xf32>,
      %add3A_129 = arith.constant 1.000000e+00 : f32
      %add3A_130 = vector.broadcast %add3A_129 : f32 to vector<16xf32>
      %add3A_131 = arith.addf %gather3A_126, %add3A_130 : vector<16xf32>
      %div3A_132 = arith.divf %get3A_128, %add3A_131 : vector<16xf32>
      %swap3A_133 = arith.constant 112 : index
      %swap3A_134 = tpu.vector_load %arg13[%swap3A_133] {strides = array<i32>} : memref<128xf32, #tpu.memory_space<vmem>>, vector<16xf32>,
      tpu.vector_store %arg13[%swap3A_133], %div3A_132 {strides = array<i32>} : memref<128xf32, #tpu.memory_space<vmem>>, vector<16xf32>,
      "tpu.region"() ({
        %run_scoped3A = tpu.sem_alloc : memref<!tpu.dma_semaphore, #tpu.memory_space<semaphore_mem>>
        %dma_start3A = arith.constant 0 : i32
        %dma_start3A_143 = arith.constant 0 : i32
        %dma_start3A_144 = tpu.memref_slice %arg9[%dma_start3A, %dma_start3A_143] : memref<10000x64xf32, #tpu.memory_space<vmem_shared>> -> memref<10000x64xf32, #tpu.memory_space<vmem_shared>>
        tpu.enqueue_indirect_dma source(%dma_start3A_144 : memref<10000x64xf32, #tpu.memory_space<vmem_shared>>) target(%arg14 : memref<128x64xf32, #tpu.memory_space<vmem>>) offsets(%arg11 : memref<128xi32, #tpu.memory_space<vmem>>) semaphore(%run_scoped3A : memref<!tpu.dma_semaphore, #tpu.memory_space<semaphore_mem>>)
        %dma_wait3A = arith.constant 0 : i32
        %dma_wait3A_145 = arith.constant 0 : i32
        %dma_wait3A_146 = tpu.memref_slice %arg9[%dma_wait3A, %dma_wait3A_145] : memref<10000x64xf32, #tpu.memory_space<vmem_shared>> -> memref<10000x64xf32, #tpu.memory_space<vmem_shared>>
        tpu.wait_indirect_dma semaphore(%run_scoped3A : memref<!tpu.dma_semaphore, #tpu.memory_space<semaphore_mem>>) src(%dma_wait3A_146 : memref<10000x64xf32, #tpu.memory_space<vmem_shared>>) dst(%arg14 : memref<128x64xf32, #tpu.memory_space<vmem>>)
        tpu.yield
      }) : () -> ()
      %scan3A_135 = arith.constant 0 : i32
      %scan3A_136 = arith.constant 0 : i32
      %scan3A_137 = arith.constant 128 : i32
      %scan3A_138 = arith.addi %scan3A_136, %scan3A_137 : i32
      %scan3A_139 = arith.constant 1 : i32
      %scan3A_140 = scf.for %scan3A_143 = %scan3A_136 to %scan3A_138 step %scan3A_139 iter_args(%scan3A_144 = %scan3A_135) -> (i32)  : i32 {
        %broadcast_in_dim3A = vector.broadcast %scan3A_143 : i32 to vector<16xi32>
        %gather3A_145 = tpu.vector_load_idx %arg13[%broadcast_in_dim3A] : memref<128xf32, #tpu.memory_space<vmem>>[vector<16xi32>], vector<16xf32>,
        %get3A_146 = arith.index_cast %scan3A_143 : i32 to index
        %get3A_147 = arith.constant 0 : index
        %get3A_148 = tpu.vector_load %arg14[%get3A_146, %get3A_147] {strides = array<i32>} : memref<128x64xf32, #tpu.memory_space<vmem>>, vector<16xf32>,
        %mul3A_149 = arith.mulf %get3A_148, %gather3A_145 : vector<16xf32>
        %swap3A_150 = arith.index_cast %scan3A_143 : i32 to index
        %swap3A_151 = arith.constant 0 : index
        %swap3A_152 = tpu.vector_load %arg14[%swap3A_150, %swap3A_151] {strides = array<i32>} : memref<128x64xf32, #tpu.memory_space<vmem>>, vector<16xf32>,
        tpu.vector_store %arg14[%swap3A_150, %swap3A_151], %mul3A_149 {strides = array<i32>} : memref<128x64xf32, #tpu.memory_space<vmem>>, vector<16xf32>,
        %get3A_153 = arith.index_cast %scan3A_143 : i32 to index
        %get3A_154 = arith.constant 16 : index
        %get3A_155 = tpu.vector_load %arg14[%get3A_153, %get3A_154] {strides = array<i32>} : memref<128x64xf32, #tpu.memory_space<vmem>>, vector<16xf32>,
        %mul3A_156 = arith.mulf %get3A_155, %gather3A_145 : vector<16xf32>
        %swap3A_157 = arith.index_cast %scan3A_143 : i32 to index
        %swap3A_158 = arith.constant 16 : index
        %swap3A_159 = tpu.vector_load %arg14[%swap3A_157, %swap3A_158] {strides = array<i32>} : memref<128x64xf32, #tpu.memory_space<vmem>>, vector<16xf32>,
        tpu.vector_store %arg14[%swap3A_157, %swap3A_158], %mul3A_156 {strides = array<i32>} : memref<128x64xf32, #tpu.memory_space<vmem>>, vector<16xf32>,
        %get3A_160 = arith.index_cast %scan3A_143 : i32 to index
        %get3A_161 = arith.constant 32 : index
        %get3A_162 = tpu.vector_load %arg14[%get3A_160, %get3A_161] {strides = array<i32>} : memref<128x64xf32, #tpu.memory_space<vmem>>, vector<16xf32>,
        %mul3A_163 = arith.mulf %get3A_162, %gather3A_145 : vector<16xf32>
        %swap3A_164 = arith.index_cast %scan3A_143 : i32 to index
        %swap3A_165 = arith.constant 32 : index
        %swap3A_166 = tpu.vector_load %arg14[%swap3A_164, %swap3A_165] {strides = array<i32>} : memref<128x64xf32, #tpu.memory_space<vmem>>, vector<16xf32>,
        tpu.vector_store %arg14[%swap3A_164, %swap3A_165], %mul3A_163 {strides = array<i32>} : memref<128x64xf32, #tpu.memory_space<vmem>>, vector<16xf32>,
        %get3A_167 = arith.index_cast %scan3A_143 : i32 to index
        %get3A_168 = arith.constant 48 : index
        %get3A_169 = tpu.vector_load %arg14[%get3A_167, %get3A_168] {strides = array<i32>} : memref<128x64xf32, #tpu.memory_space<vmem>>, vector<16xf32>,
        %mul3A_170 = arith.mulf %get3A_169, %gather3A_145 : vector<16xf32>
        %swap3A_171 = arith.index_cast %scan3A_143 : i32 to index
        %swap3A_172 = arith.constant 48 : index
        %swap3A_173 = tpu.vector_load %arg14[%swap3A_171, %swap3A_172] {strides = array<i32>} : memref<128x64xf32, #tpu.memory_space<vmem>>, vector<16xf32>,
        tpu.vector_store %arg14[%swap3A_171, %swap3A_172], %mul3A_170 {strides = array<i32>} : memref<128x64xf32, #tpu.memory_space<vmem>>, vector<16xf32>,
        %scan3A_174 = arith.constant 0 : i32
        scf.yield %scan3A_174 : i32
      }
      %scan3A_141 = arith.constant 128 : i32
      "tpu.region"() ({
        %run_scoped3A = tpu.sem_alloc : memref<!tpu.dma_semaphore, #tpu.memory_space<semaphore_mem>>
        %dma_start3A = arith.constant 0 : i32
        %dma_start3A_143 = arith.constant 0 : i32
        %dma_start3A_144 = tpu.memref_slice %arg10[%dma_start3A, %dma_start3A_143] : memref<10000x64xf32, #tpu.memory_space<vmem_shared>> -> memref<10000x64xf32, #tpu.memory_space<vmem_shared>>
        tpu.enqueue_indirect_dma source(%arg14 : memref<128x64xf32, #tpu.memory_space<vmem>>) target(%dma_start3A_144 : memref<10000x64xf32, #tpu.memory_space<vmem_shared>>) offsets(%arg12 : memref<128xi32, #tpu.memory_space<vmem>>) semaphore(%run_scoped3A : memref<!tpu.dma_semaphore, #tpu.memory_space<semaphore_mem>>) {add = true}
        %dma_wait3A = arith.constant 0 : i32
        %dma_wait3A_145 = arith.constant 0 : i32
        %dma_wait3A_146 = tpu.memref_slice %arg10[%dma_wait3A, %dma_wait3A_145] : memref<10000x64xf32, #tpu.memory_space<vmem_shared>> -> memref<10000x64xf32, #tpu.memory_space<vmem_shared>>
        tpu.wait_indirect_dma semaphore(%run_scoped3A : memref<!tpu.dma_semaphore, #tpu.memory_space<semaphore_mem>>) src(%arg14 : memref<128x64xf32, #tpu.memory_space<vmem>>) dst(%dma_wait3A_146 : memref<10000x64xf32, #tpu.memory_space<vmem_shared>>)
        tpu.yield
      }) : () -> ()
      %while3A_142 = arith.constant 0 : i32
      scf.yield %while3A_142 : i32
    }
    %while3A_35 = arith.constant 1 : i32
    %while3A_36 = scf.for %while3A_46 = %while3A_32 to %while3A_28 step %while3A_35 iter_args(%while3A_47 = %while3A_34) -> (i32)  : i32 {
      %add3A_48 = arith.addi %add3A_25, %while3A_46 : i32
      %mul3A_49 = arith.constant 128 : i32
      %mul3A_50 = arith.muli %add3A_48, %mul3A_49 : i32
      "tpu.region"() ({
        %run_scoped3A = tpu.sem_alloc : memref<!tpu.dma_semaphore, #tpu.memory_space<semaphore_mem>>
        %dma_start3A = tpu.memref_slice %arg3[%mul3A_50] : memref<320000xi32, #tpu.memory_space<hbm>> -> memref<128xi32, #tpu.memory_space<hbm>>
        %dma_start3A_143 = tpu.memref_slice %arg3[%mul3A_50] : memref<320000xi32, #tpu.memory_space<hbm>> -> memref<128xi32, #tpu.memory_space<hbm>>
        tpu.enqueue_dma source(%dma_start3A_143 : memref<128xi32, #tpu.memory_space<hbm>>) target(%arg11 : memref<128xi32, #tpu.memory_space<vmem>>) target_semaphore(%run_scoped3A : memref<!tpu.dma_semaphore, #tpu.memory_space<semaphore_mem>>)
        %dma_wait3A = tpu.memref_slice %arg3[%mul3A_50] : memref<320000xi32, #tpu.memory_space<hbm>> -> memref<128xi32, #tpu.memory_space<hbm>>
        %dma_wait3A_144 = tpu.memref_slice %arg3[%mul3A_50] : memref<320000xi32, #tpu.memory_space<hbm>> -> memref<128xi32, #tpu.memory_space<hbm>>
        tpu.wait_dma2 semaphore(%run_scoped3A : memref<!tpu.dma_semaphore, #tpu.memory_space<semaphore_mem>>) src(%dma_wait3A_144 : memref<128xi32, #tpu.memory_space<hbm>>) dst(%arg11 : memref<128xi32, #tpu.memory_space<vmem>>)
        tpu.yield
      }) : () -> ()
      "tpu.region"() ({
        %run_scoped3A = tpu.sem_alloc : memref<!tpu.dma_semaphore, #tpu.memory_space<semaphore_mem>>
        %dma_start3A = tpu.memref_slice %arg4[%mul3A_50] : memref<320000xi32, #tpu.memory_space<hbm>> -> memref<128xi32, #tpu.memory_space<hbm>>
        %dma_start3A_143 = tpu.memref_slice %arg4[%mul3A_50] : memref<320000xi32, #tpu.memory_space<hbm>> -> memref<128xi32, #tpu.memory_space<hbm>>
        tpu.enqueue_dma source(%dma_start3A_143 : memref<128xi32, #tpu.memory_space<hbm>>) target(%arg12 : memref<128xi32, #tpu.memory_space<vmem>>) target_semaphore(%run_scoped3A : memref<!tpu.dma_semaphore, #tpu.memory_space<semaphore_mem>>)
        %dma_wait3A = tpu.memref_slice %arg4[%mul3A_50] : memref<320000xi32, #tpu.memory_space<hbm>> -> memref<128xi32, #tpu.memory_space<hbm>>
        %dma_wait3A_144 = tpu.memref_slice %arg4[%mul3A_50] : memref<320000xi32, #tpu.memory_space<hbm>> -> memref<128xi32, #tpu.memory_space<hbm>>
        tpu.wait_dma2 semaphore(%run_scoped3A : memref<!tpu.dma_semaphore, #tpu.memory_space<semaphore_mem>>) src(%dma_wait3A_144 : memref<128xi32, #tpu.memory_space<hbm>>) dst(%arg12 : memref<128xi32, #tpu.memory_space<vmem>>)
        tpu.yield
      }) : () -> ()
      "tpu.region"() ({
        %run_scoped3A = tpu.sem_alloc : memref<!tpu.dma_semaphore, #tpu.memory_space<semaphore_mem>>
        %dma_start3A = tpu.memref_slice %arg5[%mul3A_50] : memref<320000xf32, #tpu.memory_space<hbm>> -> memref<128xf32, #tpu.memory_space<hbm>>
        %dma_start3A_143 = tpu.memref_slice %arg5[%mul3A_50] : memref<320000xf32, #tpu.memory_space<hbm>> -> memref<128xf32, #tpu.memory_space<hbm>>
        tpu.enqueue_dma source(%dma_start3A_143 : memref<128xf32, #tpu.memory_space<hbm>>) target(%arg13 : memref<128xf32, #tpu.memory_space<vmem>>) target_semaphore(%run_scoped3A : memref<!tpu.dma_semaphore, #tpu.memory_space<semaphore_mem>>)
        %dma_wait3A = tpu.memref_slice %arg5[%mul3A_50] : memref<320000xf32, #tpu.memory_space<hbm>> -> memref<128xf32, #tpu.memory_space<hbm>>
        %dma_wait3A_144 = tpu.memref_slice %arg5[%mul3A_50] : memref<320000xf32, #tpu.memory_space<hbm>> -> memref<128xf32, #tpu.memory_space<hbm>>
        tpu.wait_dma2 semaphore(%run_scoped3A : memref<!tpu.dma_semaphore, #tpu.memory_space<semaphore_mem>>) src(%dma_wait3A_144 : memref<128xf32, #tpu.memory_space<hbm>>) dst(%arg13 : memref<128xf32, #tpu.memory_space<vmem>>)
        tpu.yield
      }) : () -> ()
      "tpu.region"() ({
        %run_scoped3A = tpu.sem_alloc : memref<!tpu.dma_semaphore, #tpu.memory_space<semaphore_mem>>
        %dma_start3A = tpu.memref_slice %arg6[%mul3A_50] : memref<320000xi32, #tpu.memory_space<hbm>> -> memref<128xi32, #tpu.memory_space<hbm>>
        %dma_start3A_143 = tpu.memref_slice %arg6[%mul3A_50] : memref<320000xi32, #tpu.memory_space<hbm>> -> memref<128xi32, #tpu.memory_space<hbm>>
        tpu.enqueue_dma source(%dma_start3A_143 : memref<128xi32, #tpu.memory_space<hbm>>) target(%arg15 : memref<128xi32, #tpu.memory_space<vmem>>) target_semaphore(%run_scoped3A : memref<!tpu.dma_semaphore, #tpu.memory_space<semaphore_mem>>)
        %dma_wait3A = tpu.memref_slice %arg6[%mul3A_50] : memref<320000xi32, #tpu.memory_space<hbm>> -> memref<128xi32, #tpu.memory_space<hbm>>
        %dma_wait3A_144 = tpu.memref_slice %arg6[%mul3A_50] : memref<320000xi32, #tpu.memory_space<hbm>> -> memref<128xi32, #tpu.memory_space<hbm>>
        tpu.wait_dma2 semaphore(%run_scoped3A : memref<!tpu.dma_semaphore, #tpu.memory_space<semaphore_mem>>) src(%dma_wait3A_144 : memref<128xi32, #tpu.memory_space<hbm>>) dst(%arg15 : memref<128xi32, #tpu.memory_space<vmem>>)
        tpu.yield
      }) : () -> ()
      %get3A = arith.constant 0 : index
      %get3A_51 = tpu.vector_load %arg15[%get3A] {strides = array<i32>} : memref<128xi32, #tpu.memory_space<vmem>>, vector<16xi32>,
      %gather3A = tpu.vector_load_idx %arg16[%get3A_51] : memref<256xf32, #tpu.memory_space<vmem>>[vector<16xi32>], vector<16xf32>,
      %get3A_52 = arith.constant 0 : index
      %get3A_53 = tpu.vector_load %arg13[%get3A_52] {strides = array<i32>} : memref<128xf32, #tpu.memory_space<vmem>>, vector<16xf32>,
      %add3A_54 = arith.constant 1.000000e+00 : f32
      %add3A_55 = vector.broadcast %add3A_54 : f32 to vector<16xf32>
      %add3A_56 = arith.addf %gather3A, %add3A_55 : vector<16xf32>
      %div3A = arith.divf %get3A_53, %add3A_56 : vector<16xf32>
      %swap3A = arith.constant 0 : index
      %swap3A_57 = tpu.vector_load %arg13[%swap3A] {strides = array<i32>} : memref<128xf32, #tpu.memory_space<vmem>>, vector<16xf32>,
      tpu.vector_store %arg13[%swap3A], %div3A {strides = array<i32>} : memref<128xf32, #tpu.memory_space<vmem>>, vector<16xf32>,
      %get3A_58 = arith.constant 16 : index
      %get3A_59 = tpu.vector_load %arg15[%get3A_58] {strides = array<i32>} : memref<128xi32, #tpu.memory_space<vmem>>, vector<16xi32>,
      %gather3A_60 = tpu.vector_load_idx %arg16[%get3A_59] : memref<256xf32, #tpu.memory_space<vmem>>[vector<16xi32>], vector<16xf32>,
      %get3A_61 = arith.constant 16 : index
      %get3A_62 = tpu.vector_load %arg13[%get3A_61] {strides = array<i32>} : memref<128xf32, #tpu.memory_space<vmem>>, vector<16xf32>,
      %add3A_63 = arith.constant 1.000000e+00 : f32
      %add3A_64 = vector.broadcast %add3A_63 : f32 to vector<16xf32>
      %add3A_65 = arith.addf %gather3A_60, %add3A_64 : vector<16xf32>
      %div3A_66 = arith.divf %get3A_62, %add3A_65 : vector<16xf32>
      %swap3A_67 = arith.constant 16 : index
      %swap3A_68 = tpu.vector_load %arg13[%swap3A_67] {strides = array<i32>} : memref<128xf32, #tpu.memory_space<vmem>>, vector<16xf32>,
      tpu.vector_store %arg13[%swap3A_67], %div3A_66 {strides = array<i32>} : memref<128xf32, #tpu.memory_space<vmem>>, vector<16xf32>,
      %get3A_69 = arith.constant 32 : index
      %get3A_70 = tpu.vector_load %arg15[%get3A_69] {strides = array<i32>} : memref<128xi32, #tpu.memory_space<vmem>>, vector<16xi32>,
      %gather3A_71 = tpu.vector_load_idx %arg16[%get3A_70] : memref<256xf32, #tpu.memory_space<vmem>>[vector<16xi32>], vector<16xf32>,
      %get3A_72 = arith.constant 32 : index
      %get3A_73 = tpu.vector_load %arg13[%get3A_72] {strides = array<i32>} : memref<128xf32, #tpu.memory_space<vmem>>, vector<16xf32>,
      %add3A_74 = arith.constant 1.000000e+00 : f32
      %add3A_75 = vector.broadcast %add3A_74 : f32 to vector<16xf32>
      %add3A_76 = arith.addf %gather3A_71, %add3A_75 : vector<16xf32>
      %div3A_77 = arith.divf %get3A_73, %add3A_76 : vector<16xf32>
      %swap3A_78 = arith.constant 32 : index
      %swap3A_79 = tpu.vector_load %arg13[%swap3A_78] {strides = array<i32>} : memref<128xf32, #tpu.memory_space<vmem>>, vector<16xf32>,
      tpu.vector_store %arg13[%swap3A_78], %div3A_77 {strides = array<i32>} : memref<128xf32, #tpu.memory_space<vmem>>, vector<16xf32>,
      %get3A_80 = arith.constant 48 : index
      %get3A_81 = tpu.vector_load %arg15[%get3A_80] {strides = array<i32>} : memref<128xi32, #tpu.memory_space<vmem>>, vector<16xi32>,
      %gather3A_82 = tpu.vector_load_idx %arg16[%get3A_81] : memref<256xf32, #tpu.memory_space<vmem>>[vector<16xi32>], vector<16xf32>,
      %get3A_83 = arith.constant 48 : index
      %get3A_84 = tpu.vector_load %arg13[%get3A_83] {strides = array<i32>} : memref<128xf32, #tpu.memory_space<vmem>>, vector<16xf32>,
      %add3A_85 = arith.constant 1.000000e+00 : f32
      %add3A_86 = vector.broadcast %add3A_85 : f32 to vector<16xf32>
      %add3A_87 = arith.addf %gather3A_82, %add3A_86 : vector<16xf32>
      %div3A_88 = arith.divf %get3A_84, %add3A_87 : vector<16xf32>
      %swap3A_89 = arith.constant 48 : index
      %swap3A_90 = tpu.vector_load %arg13[%swap3A_89] {strides = array<i32>} : memref<128xf32, #tpu.memory_space<vmem>>, vector<16xf32>,
      tpu.vector_store %arg13[%swap3A_89], %div3A_88 {strides = array<i32>} : memref<128xf32, #tpu.memory_space<vmem>>, vector<16xf32>,
      %get3A_91 = arith.constant 64 : index
      %get3A_92 = tpu.vector_load %arg15[%get3A_91] {strides = array<i32>} : memref<128xi32, #tpu.memory_space<vmem>>, vector<16xi32>,
      %gather3A_93 = tpu.vector_load_idx %arg16[%get3A_92] : memref<256xf32, #tpu.memory_space<vmem>>[vector<16xi32>], vector<16xf32>,
      %get3A_94 = arith.constant 64 : index
      %get3A_95 = tpu.vector_load %arg13[%get3A_94] {strides = array<i32>} : memref<128xf32, #tpu.memory_space<vmem>>, vector<16xf32>,
      %add3A_96 = arith.constant 1.000000e+00 : f32
      %add3A_97 = vector.broadcast %add3A_96 : f32 to vector<16xf32>
      %add3A_98 = arith.addf %gather3A_93, %add3A_97 : vector<16xf32>
      %div3A_99 = arith.divf %get3A_95, %add3A_98 : vector<16xf32>
      %swap3A_100 = arith.constant 64 : index
      %swap3A_101 = tpu.vector_load %arg13[%swap3A_100] {strides = array<i32>} : memref<128xf32, #tpu.memory_space<vmem>>, vector<16xf32>,
      tpu.vector_store %arg13[%swap3A_100], %div3A_99 {strides = array<i32>} : memref<128xf32, #tpu.memory_space<vmem>>, vector<16xf32>,
      %get3A_102 = arith.constant 80 : index
      %get3A_103 = tpu.vector_load %arg15[%get3A_102] {strides = array<i32>} : memref<128xi32, #tpu.memory_space<vmem>>, vector<16xi32>,
      %gather3A_104 = tpu.vector_load_idx %arg16[%get3A_103] : memref<256xf32, #tpu.memory_space<vmem>>[vector<16xi32>], vector<16xf32>,
      %get3A_105 = arith.constant 80 : index
      %get3A_106 = tpu.vector_load %arg13[%get3A_105] {strides = array<i32>} : memref<128xf32, #tpu.memory_space<vmem>>, vector<16xf32>,
      %add3A_107 = arith.constant 1.000000e+00 : f32
      %add3A_108 = vector.broadcast %add3A_107 : f32 to vector<16xf32>
      %add3A_109 = arith.addf %gather3A_104, %add3A_108 : vector<16xf32>
      %div3A_110 = arith.divf %get3A_106, %add3A_109 : vector<16xf32>
      %swap3A_111 = arith.constant 80 : index
      %swap3A_112 = tpu.vector_load %arg13[%swap3A_111] {strides = array<i32>} : memref<128xf32, #tpu.memory_space<vmem>>, vector<16xf32>,
      tpu.vector_store %arg13[%swap3A_111], %div3A_110 {strides = array<i32>} : memref<128xf32, #tpu.memory_space<vmem>>, vector<16xf32>,
      %get3A_113 = arith.constant 96 : index
      %get3A_114 = tpu.vector_load %arg15[%get3A_113] {strides = array<i32>} : memref<128xi32, #tpu.memory_space<vmem>>, vector<16xi32>,
      %gather3A_115 = tpu.vector_load_idx %arg16[%get3A_114] : memref<256xf32, #tpu.memory_space<vmem>>[vector<16xi32>], vector<16xf32>,
      %get3A_116 = arith.constant 96 : index
      %get3A_117 = tpu.vector_load %arg13[%get3A_116] {strides = array<i32>} : memref<128xf32, #tpu.memory_space<vmem>>, vector<16xf32>,
      %add3A_118 = arith.constant 1.000000e+00 : f32
      %add3A_119 = vector.broadcast %add3A_118 : f32 to vector<16xf32>
      %add3A_120 = arith.addf %gather3A_115, %add3A_119 : vector<16xf32>
      %div3A_121 = arith.divf %get3A_117, %add3A_120 : vector<16xf32>
      %swap3A_122 = arith.constant 96 : index
      %swap3A_123 = tpu.vector_load %arg13[%swap3A_122] {strides = array<i32>} : memref<128xf32, #tpu.memory_space<vmem>>, vector<16xf32>,
      tpu.vector_store %arg13[%swap3A_122], %div3A_121 {strides = array<i32>} : memref<128xf32, #tpu.memory_space<vmem>>, vector<16xf32>,
      %get3A_124 = arith.constant 112 : index
      %get3A_125 = tpu.vector_load %arg15[%get3A_124] {strides = array<i32>} : memref<128xi32, #tpu.memory_space<vmem>>, vector<16xi32>,
      %gather3A_126 = tpu.vector_load_idx %arg16[%get3A_125] : memref<256xf32, #tpu.memory_space<vmem>>[vector<16xi32>], vector<16xf32>,
      %get3A_127 = arith.constant 112 : index
      %get3A_128 = tpu.vector_load %arg13[%get3A_127] {strides = array<i32>} : memref<128xf32, #tpu.memory_space<vmem>>, vector<16xf32>,
      %add3A_129 = arith.constant 1.000000e+00 : f32
      %add3A_130 = vector.broadcast %add3A_129 : f32 to vector<16xf32>
      %add3A_131 = arith.addf %gather3A_126, %add3A_130 : vector<16xf32>
      %div3A_132 = arith.divf %get3A_128, %add3A_131 : vector<16xf32>
      %swap3A_133 = arith.constant 112 : index
      %swap3A_134 = tpu.vector_load %arg13[%swap3A_133] {strides = array<i32>} : memref<128xf32, #tpu.memory_space<vmem>>, vector<16xf32>,
      tpu.vector_store %arg13[%swap3A_133], %div3A_132 {strides = array<i32>} : memref<128xf32, #tpu.memory_space<vmem>>, vector<16xf32>,
      "tpu.region"() ({
        %run_scoped3A = tpu.sem_alloc : memref<!tpu.dma_semaphore, #tpu.memory_space<semaphore_mem>>
        %dma_start3A = arith.constant 0 : i32
        %dma_start3A_143 = arith.constant 0 : i32
        %dma_start3A_144 = tpu.memref_slice %arg9[%dma_start3A, %dma_start3A_143] : memref<10000x64xf32, #tpu.memory_space<vmem_shared>> -> memref<10000x64xf32, #tpu.memory_space<vmem_shared>>
        tpu.enqueue_indirect_dma source(%dma_start3A_144 : memref<10000x64xf32, #tpu.memory_space<vmem_shared>>) target(%arg14 : memref<128x64xf32, #tpu.memory_space<vmem>>) offsets(%arg11 : memref<128xi32, #tpu.memory_space<vmem>>) semaphore(%run_scoped3A : memref<!tpu.dma_semaphore, #tpu.memory_space<semaphore_mem>>)
        %dma_wait3A = arith.constant 0 : i32
        %dma_wait3A_145 = arith.constant 0 : i32
        %dma_wait3A_146 = tpu.memref_slice %arg9[%dma_wait3A, %dma_wait3A_145] : memref<10000x64xf32, #tpu.memory_space<vmem_shared>> -> memref<10000x64xf32, #tpu.memory_space<vmem_shared>>
        tpu.wait_indirect_dma semaphore(%run_scoped3A : memref<!tpu.dma_semaphore, #tpu.memory_space<semaphore_mem>>) src(%dma_wait3A_146 : memref<10000x64xf32, #tpu.memory_space<vmem_shared>>) dst(%arg14 : memref<128x64xf32, #tpu.memory_space<vmem>>)
        tpu.yield
      }) : () -> ()
      %scan3A_135 = arith.constant 0 : i32
      %scan3A_136 = arith.constant 0 : i32
      %scan3A_137 = arith.constant 128 : i32
      %scan3A_138 = arith.addi %scan3A_136, %scan3A_137 : i32
      %scan3A_139 = arith.constant 1 : i32
      %scan3A_140 = scf.for %scan3A_143 = %scan3A_136 to %scan3A_138 step %scan3A_139 iter_args(%scan3A_144 = %scan3A_135) -> (i32)  : i32 {
        %broadcast_in_dim3A = vector.broadcast %scan3A_143 : i32 to vector<16xi32>
        %gather3A_145 = tpu.vector_load_idx %arg13[%broadcast_in_dim3A] : memref<128xf32, #tpu.memory_space<vmem>>[vector<16xi32>], vector<16xf32>,
        %get3A_146 = arith.index_cast %scan3A_143 : i32 to index
        %get3A_147 = arith.constant 0 : index
        %get3A_148 = tpu.vector_load %arg14[%get3A_146, %get3A_147] {strides = array<i32>} : memref<128x64xf32, #tpu.memory_space<vmem>>, vector<16xf32>,
        %mul3A_149 = arith.mulf %get3A_148, %gather3A_145 : vector<16xf32>
        %swap3A_150 = arith.index_cast %scan3A_143 : i32 to index
        %swap3A_151 = arith.constant 0 : index
        %swap3A_152 = tpu.vector_load %arg14[%swap3A_150, %swap3A_151] {strides = array<i32>} : memref<128x64xf32, #tpu.memory_space<vmem>>, vector<16xf32>,
        tpu.vector_store %arg14[%swap3A_150, %swap3A_151], %mul3A_149 {strides = array<i32>} : memref<128x64xf32, #tpu.memory_space<vmem>>, vector<16xf32>,
        %get3A_153 = arith.index_cast %scan3A_143 : i32 to index
        %get3A_154 = arith.constant 16 : index
        %get3A_155 = tpu.vector_load %arg14[%get3A_153, %get3A_154] {strides = array<i32>} : memref<128x64xf32, #tpu.memory_space<vmem>>, vector<16xf32>,
        %mul3A_156 = arith.mulf %get3A_155, %gather3A_145 : vector<16xf32>
        %swap3A_157 = arith.index_cast %scan3A_143 : i32 to index
        %swap3A_158 = arith.constant 16 : index
        %swap3A_159 = tpu.vector_load %arg14[%swap3A_157, %swap3A_158] {strides = array<i32>} : memref<128x64xf32, #tpu.memory_space<vmem>>, vector<16xf32>,
        tpu.vector_store %arg14[%swap3A_157, %swap3A_158], %mul3A_156 {strides = array<i32>} : memref<128x64xf32, #tpu.memory_space<vmem>>, vector<16xf32>,
        %get3A_160 = arith.index_cast %scan3A_143 : i32 to index
        %get3A_161 = arith.constant 32 : index
        %get3A_162 = tpu.vector_load %arg14[%get3A_160, %get3A_161] {strides = array<i32>} : memref<128x64xf32, #tpu.memory_space<vmem>>, vector<16xf32>,
        %mul3A_163 = arith.mulf %get3A_162, %gather3A_145 : vector<16xf32>
        %swap3A_164 = arith.index_cast %scan3A_143 : i32 to index
        %swap3A_165 = arith.constant 32 : index
        %swap3A_166 = tpu.vector_load %arg14[%swap3A_164, %swap3A_165] {strides = array<i32>} : memref<128x64xf32, #tpu.memory_space<vmem>>, vector<16xf32>,
        tpu.vector_store %arg14[%swap3A_164, %swap3A_165], %mul3A_163 {strides = array<i32>} : memref<128x64xf32, #tpu.memory_space<vmem>>, vector<16xf32>,
        %get3A_167 = arith.index_cast %scan3A_143 : i32 to index
        %get3A_168 = arith.constant 48 : index
        %get3A_169 = tpu.vector_load %arg14[%get3A_167, %get3A_168] {strides = array<i32>} : memref<128x64xf32, #tpu.memory_space<vmem>>, vector<16xf32>,
        %mul3A_170 = arith.mulf %get3A_169, %gather3A_145 : vector<16xf32>
        %swap3A_171 = arith.index_cast %scan3A_143 : i32 to index
        %swap3A_172 = arith.constant 48 : index
        %swap3A_173 = tpu.vector_load %arg14[%swap3A_171, %swap3A_172] {strides = array<i32>} : memref<128x64xf32, #tpu.memory_space<vmem>>, vector<16xf32>,
        tpu.vector_store %arg14[%swap3A_171, %swap3A_172], %mul3A_170 {strides = array<i32>} : memref<128x64xf32, #tpu.memory_space<vmem>>, vector<16xf32>,
        %scan3A_174 = arith.constant 0 : i32
        scf.yield %scan3A_174 : i32
      }
      %scan3A_141 = arith.constant 128 : i32
      "tpu.region"() ({
        %run_scoped3A = tpu.sem_alloc : memref<!tpu.dma_semaphore, #tpu.memory_space<semaphore_mem>>
        %dma_start3A = arith.constant 0 : i32
        %dma_start3A_143 = arith.constant 0 : i32
        %dma_start3A_144 = tpu.memref_slice %arg10[%dma_start3A, %dma_start3A_143] : memref<10000x64xf32, #tpu.memory_space<vmem_shared>> -> memref<10000x64xf32, #tpu.memory_space<vmem_shared>>
        tpu.enqueue_indirect_dma source(%arg14 : memref<128x64xf32, #tpu.memory_space<vmem>>) target(%dma_start3A_144 : memref<10000x64xf32, #tpu.memory_space<vmem_shared>>) offsets(%arg12 : memref<128xi32, #tpu.memory_space<vmem>>) semaphore(%run_scoped3A : memref<!tpu.dma_semaphore, #tpu.memory_space<semaphore_mem>>) {add = true}
        %dma_wait3A = arith.constant 0 : i32
        %dma_wait3A_145 = arith.constant 0 : i32
        %dma_wait3A_146 = tpu.memref_slice %arg10[%dma_wait3A, %dma_wait3A_145] : memref<10000x64xf32, #tpu.memory_space<vmem_shared>> -> memref<10000x64xf32, #tpu.memory_space<vmem_shared>>
        tpu.wait_indirect_dma semaphore(%run_scoped3A : memref<!tpu.dma_semaphore, #tpu.memory_space<semaphore_mem>>) src(%arg14 : memref<128x64xf32, #tpu.memory_space<vmem>>) dst(%dma_wait3A_146 : memref<10000x64xf32, #tpu.memory_space<vmem_shared>>)
        tpu.yield
      }) : () -> ()
      %while3A_142 = arith.constant 0 : i32
      scf.yield %while3A_142 : i32
    }
    %barrier3A_37 = arith.constant 0 : index
    tpu.barrier barrier_id(%barrier3A_37)
    %convert_element_type3A_38 = arith.extui %lt3A_4 : i1 to i32
    %cond3A_39 = arith.constant 0 : i32
    %cond3A_40 = arith.cmpi ne, %convert_element_type3A_38, %cond3A_39 : i32
    scf.if %cond3A_40 {
      "tpu.region"() ({
        %run_scoped3A = tpu.sem_alloc : memref<!tpu.dma_semaphore, #tpu.memory_space<semaphore_mem>>
        %dma_start3A = arith.constant 0 : i32
        %dma_start3A_46 = tpu.memref_slice %arg8[%arg0, %mul3A_3, %dma_start3A] : memref<2x10000x64xf32, #tpu.memory_space<hbm>> -> memref<1x632x64xf32, #tpu.memory_space<hbm>>
        %dma_start3A_47 = tpu.memref_squeeze %dma_start3A_46 : memref<1x632x64xf32, #tpu.memory_space<hbm>> -> memref<632x64xf32, #tpu.memory_space<hbm>>
        %dma_start3A_48 = arith.constant 0 : i32
        %dma_start3A_49 = tpu.memref_slice %arg10[%mul3A_3, %dma_start3A_48] : memref<10000x64xf32, #tpu.memory_space<vmem_shared>> -> memref<632x64xf32, #tpu.memory_space<vmem_shared>>
        tpu.enqueue_dma source(%dma_start3A_49 : memref<632x64xf32, #tpu.memory_space<vmem_shared>>) target(%dma_start3A_47 : memref<632x64xf32, #tpu.memory_space<hbm>>) target_semaphore(%run_scoped3A : memref<!tpu.dma_semaphore, #tpu.memory_space<semaphore_mem>>)
        %dma_wait3A = arith.constant 0 : i32
        %dma_wait3A_50 = tpu.memref_slice %arg8[%arg0, %mul3A_3, %dma_wait3A] : memref<2x10000x64xf32, #tpu.memory_space<hbm>> -> memref<1x632x64xf32, #tpu.memory_space<hbm>>
        %dma_wait3A_51 = tpu.memref_squeeze %dma_wait3A_50 : memref<1x632x64xf32, #tpu.memory_space<hbm>> -> memref<632x64xf32, #tpu.memory_space<hbm>>
        %dma_wait3A_52 = arith.constant 0 : i32
        %dma_wait3A_53 = tpu.memref_slice %arg10[%mul3A_3, %dma_wait3A_52] : memref<10000x64xf32, #tpu.memory_space<vmem_shared>> -> memref<632x64xf32, #tpu.memory_space<vmem_shared>>
        tpu.wait_dma2 semaphore(%run_scoped3A : memref<!tpu.dma_semaphore, #tpu.memory_space<semaphore_mem>>) src(%dma_wait3A_53 : memref<632x64xf32, #tpu.memory_space<vmem_shared>>) dst(%dma_wait3A_51 : memref<632x64xf32, #tpu.memory_space<hbm>>)
        tpu.yield
      }) : () -> ()
    } else {
    }
    %not3A_41 = arith.constant true
    %not3A_42 = arith.xori %lt3A_4, %not3A_41 : i1
    %convert_element_type3A_43 = arith.extui %not3A_42 : i1 to i32
    %cond3A_44 = arith.constant 0 : i32
    %cond3A_45 = arith.cmpi ne, %convert_element_type3A_43, %cond3A_44 : i32
    scf.if %cond3A_45 {
      "tpu.region"() ({
        %run_scoped3A = tpu.sem_alloc : memref<!tpu.dma_semaphore, #tpu.memory_space<semaphore_mem>>
        %dma_start3A = arith.constant 0 : i32
        %dma_start3A_46 = tpu.memref_slice %arg8[%arg0, %mul3A_3, %dma_start3A] : memref<2x10000x64xf32, #tpu.memory_space<hbm>> -> memref<1x624x64xf32, #tpu.memory_space<hbm>>
        %dma_start3A_47 = tpu.memref_squeeze %dma_start3A_46 : memref<1x624x64xf32, #tpu.memory_space<hbm>> -> memref<624x64xf32, #tpu.memory_space<hbm>>
        %dma_start3A_48 = arith.constant 0 : i32
        %dma_start3A_49 = tpu.memref_slice %arg10[%mul3A_3, %dma_start3A_48] : memref<10000x64xf32, #tpu.memory_space<vmem_shared>> -> memref<624x64xf32, #tpu.memory_space<vmem_shared>>
        tpu.enqueue_dma source(%dma_start3A_49 : memref<624x64xf32, #tpu.memory_space<vmem_shared>>) target(%dma_start3A_47 : memref<624x64xf32, #tpu.memory_space<hbm>>) target_semaphore(%run_scoped3A : memref<!tpu.dma_semaphore, #tpu.memory_space<semaphore_mem>>)
        %dma_wait3A = arith.constant 0 : i32
        %dma_wait3A_50 = tpu.memref_slice %arg8[%arg0, %mul3A_3, %dma_wait3A] : memref<2x10000x64xf32, #tpu.memory_space<hbm>> -> memref<1x624x64xf32, #tpu.memory_space<hbm>>
        %dma_wait3A_51 = tpu.memref_squeeze %dma_wait3A_50 : memref<1x624x64xf32, #tpu.memory_space<hbm>> -> memref<624x64xf32, #tpu.memory_space<hbm>>
        %dma_wait3A_52 = arith.constant 0 : i32
        %dma_wait3A_53 = tpu.memref_slice %arg10[%mul3A_3, %dma_wait3A_52] : memref<10000x64xf32, #tpu.memory_space<vmem_shared>> -> memref<624x64xf32, #tpu.memory_space<vmem_shared>>
        tpu.wait_dma2 semaphore(%run_scoped3A : memref<!tpu.dma_semaphore, #tpu.memory_space<semaphore_mem>>) src(%dma_wait3A_53 : memref<624x64xf32, #tpu.memory_space<vmem_shared>>) dst(%dma_wait3A_51 : memref<624x64xf32, #tpu.memory_space<hbm>>)
        tpu.yield
      }) : () -> ()
    } else {
    }
    return
  }
}

module attributes {stable_mosaic.version = 14 : i64} {
  func.func @_k2_body(%arg0: i32, %arg1: memref<2x1000x64xf32, #tpu.memory_space<vmem>>, %arg2: memref<1x128xf32, #tpu.memory_space<vmem>>, %arg3: memref<1x128xf32, #tpu.memory_space<vmem>>, %arg4: memref<1x128xf32, #tpu.memory_space<vmem>>, %arg5: memref<1000x1xf32, #tpu.memory_space<vmem>>, %arg6: memref<1000x128xf32, #tpu.memory_space<vmem>>, %arg7: memref<2x1000x64xf32, #tpu.memory_space<vmem>>, %arg8: memref<1000x128xf32, #tpu.memory_space<vmem>>) attributes {dimension_semantics = [#tpu.dimension_semantics<arbitrary>], iteration_bounds = array<i64: 10>, scalar_prefetch = 0 : i64, scratch_operands = 0 : i64, tpu.core_type = #tpu.core_type<tc>, window_params = [{transform_indices = @transform_0, window_bounds = array<i64: 2, 1000, 64>}, {pipeline_mode = #tpu.pipeline_mode<synchronous>, transform_indices = @transform_1, window_bounds = array<i64: 1, 128>}, {pipeline_mode = #tpu.pipeline_mode<synchronous>, transform_indices = @transform_2, window_bounds = array<i64: 1, 128>}, {pipeline_mode = #tpu.pipeline_mode<synchronous>, transform_indices = @transform_3, window_bounds = array<i64: 1, 128>}, {transform_indices = @transform_4, window_bounds = array<i64: 1000, 1>}, {transform_indices = @transform_5, window_bounds = array<i64: 1000, 128>}, {transform_indices = @transform_6, window_bounds = array<i64: 2, 1000, 64>}, {transform_indices = @transform_7, window_bounds = array<i64: 1000, 128>}]} {
    %get3A = arith.constant 0 : index
    %get3A_0 = arith.constant 0 : index
    %get3A_1 = arith.constant 0 : index
    %get3A_2 = vector.load %arg1[%get3A, %get3A_0, %get3A_1] : memref<2x1000x64xf32, #tpu.memory_space<vmem>>, vector<1x1000x64xf32>
    %get3A_3 = vector.shape_cast %get3A_2 : vector<1x1000x64xf32> to vector<1000x64xf32>
    %get3A_4 = arith.constant 1 : index
    %get3A_5 = arith.constant 0 : index
    %get3A_6 = arith.constant 0 : index
    %get3A_7 = vector.load %arg1[%get3A_4, %get3A_5, %get3A_6] : memref<2x1000x64xf32, #tpu.memory_space<vmem>>, vector<1x1000x64xf32>
    %get3A_8 = vector.shape_cast %get3A_7 : vector<1x1000x64xf32> to vector<1000x64xf32>
    %concatenate3A = tpu.concatenate %get3A_3, %get3A_8 in 1 : vector<1000x64xf32>, vector<1000x64xf32> -> vector<1000x128xf32>
    %get3A_9 = arith.constant 0 : index
    %get3A_10 = arith.constant 0 : index
    %get3A_11 = vector.load %arg2[%get3A_9, %get3A_10] : memref<1x128xf32, #tpu.memory_space<vmem>>, vector<1x128xf32>
    %add3A = vector.broadcast %get3A_11 : vector<1x128xf32> to vector<1000x128xf32>
    %add3A_12 = arith.addf %concatenate3A, %add3A : vector<1000x128xf32>
    %tanh3A = math.tanh %add3A_12 : vector<1000x128xf32>
    %get3A_13 = arith.constant 0 : index
    %get3A_14 = arith.constant 0 : index
    %get3A_15 = vector.load %arg3[%get3A_13, %get3A_14] : memref<1x128xf32, #tpu.memory_space<vmem>>, vector<1x128xf32>
    %mul3A = arith.constant 0.999500393 : f32
    %mul3A_16 = vector.broadcast %mul3A : f32 to vector<1x128xf32>
    %mul3A_17 = arith.mulf %get3A_15, %mul3A_16 : vector<1x128xf32>
    %mul3A_18 = vector.broadcast %mul3A_17 : vector<1x128xf32> to vector<1000x128xf32>
    %mul3A_19 = arith.mulf %mul3A_18, %tanh3A : vector<1000x128xf32>
    %get3A_20 = arith.constant 0 : index
    %get3A_21 = arith.constant 0 : index
    %get3A_22 = vector.load %arg4[%get3A_20, %get3A_21] : memref<1x128xf32, #tpu.memory_space<vmem>>, vector<1x128xf32>
    %add3A_23 = vector.broadcast %get3A_22 : vector<1x128xf32> to vector<1000x128xf32>
    %add3A_24 = arith.addf %mul3A_19, %add3A_23 : vector<1000x128xf32>
    %swap3A = arith.constant 0 : index
    %swap3A_25 = arith.constant 0 : index
    %swap3A_26 = vector.load %arg6[%swap3A, %swap3A_25] : memref<1000x128xf32, #tpu.memory_space<vmem>>, vector<1000x128xf32>
    tpu.vector_store %arg6[%swap3A, %swap3A_25], %tanh3A {strides = array<i32>} : memref<1000x128xf32, #tpu.memory_space<vmem>>, vector<1000x128xf32>,
    %slice3A = vector.extract_strided_slice %add3A_24 {offsets = [0, 0], sizes = [1000, 64], strides = [1, 1]} : vector<1000x128xf32> to vector<1000x64xf32>
    %swap3A_27 = arith.constant 0 : index
    %swap3A_28 = arith.constant 0 : index
    %swap3A_29 = arith.constant 0 : index
    %swap3A_30 = vector.load %arg7[%swap3A_27, %swap3A_28, %swap3A_29] : memref<2x1000x64xf32, #tpu.memory_space<vmem>>, vector<1x1000x64xf32>
    %swap3A_31 = vector.shape_cast %swap3A_30 : vector<1x1000x64xf32> to vector<1000x64xf32>
    %swap3A_32 = vector.shape_cast %slice3A : vector<1000x64xf32> to vector<1x1000x64xf32>
    tpu.vector_store %arg7[%swap3A_27, %swap3A_28, %swap3A_29], %swap3A_32 {strides = array<i32>} : memref<2x1000x64xf32, #tpu.memory_space<vmem>>, vector<1x1000x64xf32>,
    %slice3A_33 = vector.extract_strided_slice %add3A_24 {offsets = [0, 64], sizes = [1000, 64], strides = [1, 1]} : vector<1000x128xf32> to vector<1000x64xf32>
    %swap3A_34 = arith.constant 1 : index
    %swap3A_35 = arith.constant 0 : index
    %swap3A_36 = arith.constant 0 : index
    %swap3A_37 = vector.load %arg7[%swap3A_34, %swap3A_35, %swap3A_36] : memref<2x1000x64xf32, #tpu.memory_space<vmem>>, vector<1x1000x64xf32>
    %swap3A_38 = vector.shape_cast %swap3A_37 : vector<1x1000x64xf32> to vector<1000x64xf32>
    %swap3A_39 = vector.shape_cast %slice3A_33 : vector<1000x64xf32> to vector<1x1000x64xf32>
    tpu.vector_store %arg7[%swap3A_34, %swap3A_35, %swap3A_36], %swap3A_39 {strides = array<i32>} : memref<2x1000x64xf32, #tpu.memory_space<vmem>>, vector<1x1000x64xf32>,
    %get3A_40 = arith.constant 0 : index
    %get3A_41 = arith.constant 0 : index
    %get3A_42 = vector.load %arg5[%get3A_40, %get3A_41] : memref<1000x1xf32, #tpu.memory_space<vmem>>, vector<1000x1xf32>
    %add3A_43 = arith.constant 1.000000e+00 : f32
    %add3A_44 = vector.broadcast %add3A_43 : f32 to vector<1000x1xf32>
    %add3A_45 = arith.addf %get3A_42, %add3A_44 : vector<1000x1xf32>
    %mul3A_46 = vector.broadcast %add3A_45 : vector<1000x1xf32> to vector<1000x128xf32>
    %mul3A_47 = arith.mulf %add3A_24, %mul3A_46 : vector<1000x128xf32>
    %swap3A_48 = arith.constant 0 : index
    %swap3A_49 = arith.constant 0 : index
    %swap3A_50 = vector.load %arg8[%swap3A_48, %swap3A_49] : memref<1000x128xf32, #tpu.memory_space<vmem>>, vector<1000x128xf32>
    tpu.vector_store %arg8[%swap3A_48, %swap3A_49], %mul3A_47 {strides = array<i32>} : memref<1000x128xf32, #tpu.memory_space<vmem>>, vector<1000x128xf32>,
    return
  }
  func.func @transform_0(%arg0: i32) -> (i32, i32, i32) {
    %c0_i32 = arith.constant 0 : i32
    %c0_i32_0 = arith.constant 0 : i32
    %c0_i32_1 = arith.constant 0 : i32
    return %c0_i32, %arg0, %c0_i32_0 : i32, i32, i32
  }
  func.func @transform_1(%arg0: i32) -> (i32, i32) {
    %c0_i32 = arith.constant 0 : i32
    %c0_i32_0 = arith.constant 0 : i32
    %c0_i32_1 = arith.constant 0 : i32
    return %c0_i32, %c0_i32_0 : i32, i32
  }
  func.func @transform_2(%arg0: i32) -> (i32, i32) {
    %c0_i32 = arith.constant 0 : i32
    %c0_i32_0 = arith.constant 0 : i32
    %c0_i32_1 = arith.constant 0 : i32
    return %c0_i32, %c0_i32_0 : i32, i32
  }
  func.func @transform_3(%arg0: i32) -> (i32, i32) {
    %c0_i32 = arith.constant 0 : i32
    %c0_i32_0 = arith.constant 0 : i32
    %c0_i32_1 = arith.constant 0 : i32
    return %c0_i32, %c0_i32_0 : i32, i32
  }
  func.func @transform_4(%arg0: i32) -> (i32, i32) {
    %c0_i32 = arith.constant 0 : i32
    %c0_i32_0 = arith.constant 0 : i32
    return %arg0, %c0_i32 : i32, i32
  }
  func.func @transform_5(%arg0: i32) -> (i32, i32) {
    %c0_i32 = arith.constant 0 : i32
    %c0_i32_0 = arith.constant 0 : i32
    return %arg0, %c0_i32 : i32, i32
  }
  func.func @transform_6(%arg0: i32) -> (i32, i32, i32) {
    %c0_i32 = arith.constant 0 : i32
    %c0_i32_0 = arith.constant 0 : i32
    %c0_i32_1 = arith.constant 0 : i32
    return %c0_i32, %arg0, %c0_i32_0 : i32, i32, i32
  }
  func.func @transform_7(%arg0: i32) -> (i32, i32) {
    %c0_i32 = arith.constant 0 : i32
    %c0_i32_0 = arith.constant 0 : i32
    return %arg0, %c0_i32 : i32, i32
  }
}

module attributes {stable_mosaic.version = 14 : i64} {
  func.func @_k1_body(%arg0: i32, %arg1: memref<1000x128xf32, #tpu.memory_space<vmem>>, %arg2: memref<128x128xf32, #tpu.memory_space<vmem>>, %arg3: memref<1x128xf32, #tpu.memory_space<vmem>>, %arg4: memref<1x128xf32, #tpu.memory_space<vmem>>, %arg5: memref<2x1000x64xf32, #tpu.memory_space<vmem>>) attributes {dimension_semantics = [#tpu.dimension_semantics<arbitrary>], iteration_bounds = array<i64: 10>, scalar_prefetch = 0 : i64, scratch_operands = 0 : i64, tpu.core_type = #tpu.core_type<tc>, window_params = [{transform_indices = @transform_0, window_bounds = array<i64: 1000, 128>}, {pipeline_mode = #tpu.pipeline_mode<synchronous>, transform_indices = @transform_1, window_bounds = array<i64: 128, 128>}, {pipeline_mode = #tpu.pipeline_mode<synchronous>, transform_indices = @transform_2, window_bounds = array<i64: 1, 128>}, {pipeline_mode = #tpu.pipeline_mode<synchronous>, transform_indices = @transform_3, window_bounds = array<i64: 1, 128>}, {transform_indices = @transform_4, window_bounds = array<i64: 2, 1000, 64>}]} {
    %get3A = arith.constant 0 : index
    %get3A_0 = arith.constant 0 : index
    %get3A_1 = vector.load %arg1[%get3A, %get3A_0] : memref<1000x128xf32, #tpu.memory_space<vmem>>, vector<1000x128xf32>
    %get3A_2 = arith.constant 0 : index
    %get3A_3 = arith.constant 0 : index
    %get3A_4 = vector.load %arg3[%get3A_2, %get3A_3] : memref<1x128xf32, #tpu.memory_space<vmem>>, vector<1x128xf32>
    %mul3A = arith.constant 0.999500393 : f32
    %mul3A_5 = vector.broadcast %mul3A : f32 to vector<1x128xf32>
    %mul3A_6 = arith.mulf %get3A_4, %mul3A_5 : vector<1x128xf32>
    %mul3A_7 = vector.broadcast %mul3A_6 : vector<1x128xf32> to vector<1000x128xf32>
    %mul3A_8 = arith.mulf %mul3A_7, %get3A_1 : vector<1000x128xf32>
    %get3A_9 = arith.constant 0 : index
    %get3A_10 = arith.constant 0 : index
    %get3A_11 = vector.load %arg4[%get3A_9, %get3A_10] : memref<1x128xf32, #tpu.memory_space<vmem>>, vector<1x128xf32>
    %add3A = vector.broadcast %get3A_11 : vector<1x128xf32> to vector<1000x128xf32>
    %add3A_12 = arith.addf %mul3A_8, %add3A : vector<1000x128xf32>
    %get3A_13 = arith.constant 0 : index
    %get3A_14 = arith.constant 0 : index
    %get3A_15 = vector.load %arg2[%get3A_13, %get3A_14] : memref<128x128xf32, #tpu.memory_space<vmem>>, vector<128x128xf32>
    %dot_general3A = arith.constant dense<0.000000e+00> : vector<1000x128xf32>
    %dot_general3A_16 = tpu.matmul %add3A_12, %get3A_15, %dot_general3A {dimension_numbers = #tpu.dot_dimension_numbers<[1], [0], [0], [1], [0, 0, 1, 1], [], []>, transpose_lhs_hint = false} : vector<1000x128xf32>, vector<128x128xf32>, vector<1000x128xf32> -> vector<1000x128xf32>
    %slice3A = vector.extract_strided_slice %dot_general3A_16 {offsets = [0, 0], sizes = [1000, 64], strides = [1, 1]} : vector<1000x128xf32> to vector<1000x64xf32>
    %swap3A = arith.constant 0 : index
    %swap3A_17 = arith.constant 0 : index
    %swap3A_18 = arith.constant 0 : index
    %swap3A_19 = vector.load %arg5[%swap3A, %swap3A_17, %swap3A_18] : memref<2x1000x64xf32, #tpu.memory_space<vmem>>, vector<1x1000x64xf32>
    %swap3A_20 = vector.shape_cast %swap3A_19 : vector<1x1000x64xf32> to vector<1000x64xf32>
    %swap3A_21 = vector.shape_cast %slice3A : vector<1000x64xf32> to vector<1x1000x64xf32>
    tpu.vector_store %arg5[%swap3A, %swap3A_17, %swap3A_18], %swap3A_21 {strides = array<i32>} : memref<2x1000x64xf32, #tpu.memory_space<vmem>>, vector<1x1000x64xf32>,
    %slice3A_22 = vector.extract_strided_slice %dot_general3A_16 {offsets = [0, 64], sizes = [1000, 64], strides = [1, 1]} : vector<1000x128xf32> to vector<1000x64xf32>
    %swap3A_23 = arith.constant 1 : index
    %swap3A_24 = arith.constant 0 : index
    %swap3A_25 = arith.constant 0 : index
    %swap3A_26 = vector.load %arg5[%swap3A_23, %swap3A_24, %swap3A_25] : memref<2x1000x64xf32, #tpu.memory_space<vmem>>, vector<1x1000x64xf32>
    %swap3A_27 = vector.shape_cast %swap3A_26 : vector<1x1000x64xf32> to vector<1000x64xf32>
    %swap3A_28 = vector.shape_cast %slice3A_22 : vector<1000x64xf32> to vector<1x1000x64xf32>
    tpu.vector_store %arg5[%swap3A_23, %swap3A_24, %swap3A_25], %swap3A_28 {strides = array<i32>} : memref<2x1000x64xf32, #tpu.memory_space<vmem>>, vector<1x1000x64xf32>,
    return
  }
  func.func @transform_0(%arg0: i32) -> (i32, i32) {
    %c0_i32 = arith.constant 0 : i32
    %c0_i32_0 = arith.constant 0 : i32
    return %arg0, %c0_i32 : i32, i32
  }
  func.func @transform_1(%arg0: i32) -> (i32, i32) {
    %c0_i32 = arith.constant 0 : i32
    %c0_i32_0 = arith.constant 0 : i32
    %c0_i32_1 = arith.constant 0 : i32
    return %c0_i32, %c0_i32_0 : i32, i32
  }
  func.func @transform_2(%arg0: i32) -> (i32, i32) {
    %c0_i32 = arith.constant 0 : i32
    %c0_i32_0 = arith.constant 0 : i32
    %c0_i32_1 = arith.constant 0 : i32
    return %c0_i32, %c0_i32_0 : i32, i32
  }
  func.func @transform_3(%arg0: i32) -> (i32, i32) {
    %c0_i32 = arith.constant 0 : i32
    %c0_i32_0 = arith.constant 0 : i32
    %c0_i32_1 = arith.constant 0 : i32
    return %c0_i32, %c0_i32_0 : i32, i32
  }
  func.func @transform_4(%arg0: i32) -> (i32, i32, i32) {
    %c0_i32 = arith.constant 0 : i32
    %c0_i32_0 = arith.constant 0 : i32
    %c0_i32_1 = arith.constant 0 : i32
    return %c0_i32, %arg0, %c0_i32_0 : i32, i32, i32
  }
}

module attributes {stable_mosaic.version = 14 : i64} {
  func.func @_k3_body(%arg0: i32, %arg1: memref<2x1000x64xf32, #tpu.memory_space<vmem>>, %arg2: memref<1000x128xf32, #tpu.memory_space<vmem>>, %arg3: memref<128x128xf32, #tpu.memory_space<vmem>>, %arg4: memref<1x128xf32, #tpu.memory_space<vmem>>, %arg5: memref<1000x128xf32, #tpu.memory_space<vmem>>, %arg6: memref<1000x128xf32, #tpu.memory_space<vmem>>, %arg7: memref<1000x384xf32, #tpu.memory_space<vmem>>) attributes {dimension_semantics = [#tpu.dimension_semantics<arbitrary>], iteration_bounds = array<i64: 10>, scalar_prefetch = 0 : i64, scratch_operands = 0 : i64, tpu.core_type = #tpu.core_type<tc>, window_params = [{transform_indices = @transform_0, window_bounds = array<i64: 2, 1000, 64>}, {transform_indices = @transform_1, window_bounds = array<i64: 1000, 128>}, {pipeline_mode = #tpu.pipeline_mode<synchronous>, transform_indices = @transform_2, window_bounds = array<i64: 128, 128>}, {pipeline_mode = #tpu.pipeline_mode<synchronous>, transform_indices = @transform_3, window_bounds = array<i64: 1, 128>}, {transform_indices = @transform_4, window_bounds = array<i64: 1000, 128>}, {transform_indices = @transform_5, window_bounds = array<i64: 1000, 128>}, {transform_indices = @transform_6, window_bounds = array<i64: 1000, 384>}]} {
    %get3A = arith.constant 0 : index
    %get3A_0 = arith.constant 0 : index
    %get3A_1 = arith.constant 0 : index
    %get3A_2 = vector.load %arg1[%get3A, %get3A_0, %get3A_1] : memref<2x1000x64xf32, #tpu.memory_space<vmem>>, vector<1x1000x64xf32>
    %get3A_3 = vector.shape_cast %get3A_2 : vector<1x1000x64xf32> to vector<1000x64xf32>
    %get3A_4 = arith.constant 1 : index
    %get3A_5 = arith.constant 0 : index
    %get3A_6 = arith.constant 0 : index
    %get3A_7 = vector.load %arg1[%get3A_4, %get3A_5, %get3A_6] : memref<2x1000x64xf32, #tpu.memory_space<vmem>>, vector<1x1000x64xf32>
    %get3A_8 = vector.shape_cast %get3A_7 : vector<1x1000x64xf32> to vector<1000x64xf32>
    %concatenate3A = tpu.concatenate %get3A_3, %get3A_8 in 1 : vector<1000x64xf32>, vector<1000x64xf32> -> vector<1000x128xf32>
    %get3A_9 = arith.constant 0 : index
    %get3A_10 = arith.constant 0 : index
    %get3A_11 = vector.load %arg2[%get3A_9, %get3A_10] : memref<1000x128xf32, #tpu.memory_space<vmem>>, vector<1000x128xf32>
    %add3A = arith.addf %concatenate3A, %get3A_11 : vector<1000x128xf32>
    %get3A_12 = arith.constant 0 : index
    %get3A_13 = arith.constant 0 : index
    %get3A_14 = vector.load %arg3[%get3A_12, %get3A_13] : memref<128x128xf32, #tpu.memory_space<vmem>>, vector<128x128xf32>
    %dot_general3A = arith.constant dense<0.000000e+00> : vector<1000x128xf32>
    %dot_general3A_15 = tpu.matmul %add3A, %get3A_14, %dot_general3A {dimension_numbers = #tpu.dot_dimension_numbers<[1], [0], [0], [1], [0, 0, 1, 1], [], []>, transpose_lhs_hint = false} : vector<1000x128xf32>, vector<128x128xf32>, vector<1000x128xf32> -> vector<1000x128xf32>
    %get3A_16 = arith.constant 0 : index
    %get3A_17 = arith.constant 0 : index
    %get3A_18 = vector.load %arg4[%get3A_16, %get3A_17] : memref<1x128xf32, #tpu.memory_space<vmem>>, vector<1x128xf32>
    %add3A_19 = vector.broadcast %get3A_18 : vector<1x128xf32> to vector<1000x128xf32>
    %add3A_20 = arith.addf %dot_general3A_15, %add3A_19 : vector<1000x128xf32>
    %get3A_21 = arith.constant 0 : index
    %get3A_22 = arith.constant 0 : index
    %get3A_23 = vector.load %arg5[%get3A_21, %get3A_22] : memref<1000x128xf32, #tpu.memory_space<vmem>>, vector<1000x128xf32>
    %mul3A = arith.mulf %get3A_23, %get3A_23 : vector<1000x128xf32>
    %reduce_sum3A = arith.constant dense<0.000000e+00> : vector<1000xf32>
    %reduce_sum3A_24 = vector.multi_reduction <add>, %mul3A, %reduce_sum3A [1] : vector<1000x128xf32> to vector<1000xf32>
    %broadcast_in_dim3A = vector.shape_cast %reduce_sum3A_24 : vector<1000xf32> to vector<1000x1xf32>
    %max3A = arith.constant 9.99999996E-13 : f32
    %max3A_25 = vector.broadcast %max3A : f32 to vector<1000x1xf32>
    %max3A_26 = arith.maximumf %broadcast_in_dim3A, %max3A_25 : vector<1000x1xf32>
    %sqrt3A = math.sqrt %max3A_26 : vector<1000x1xf32>
    %div3A = vector.broadcast %sqrt3A : vector<1000x1xf32> to vector<1000x128xf32>
    %div3A_27 = arith.divf %get3A_23, %div3A : vector<1000x128xf32>
    %div3A_28 = arith.divf %broadcast_in_dim3A, %max3A_26 : vector<1000x1xf32>
    %get3A_29 = arith.constant 0 : index
    %get3A_30 = arith.constant 0 : index
    %get3A_31 = vector.load %arg6[%get3A_29, %get3A_30] : memref<1000x128xf32, #tpu.memory_space<vmem>>, vector<1000x128xf32>
    %mul3A_32 = arith.mulf %get3A_31, %get3A_31 : vector<1000x128xf32>
    %reduce_sum3A_33 = arith.constant dense<0.000000e+00> : vector<1000xf32>
    %reduce_sum3A_34 = vector.multi_reduction <add>, %mul3A_32, %reduce_sum3A_33 [1] : vector<1000x128xf32> to vector<1000xf32>
    %broadcast_in_dim3A_35 = vector.shape_cast %reduce_sum3A_34 : vector<1000xf32> to vector<1000x1xf32>
    %max3A_36 = arith.constant 9.99999996E-13 : f32
    %max3A_37 = vector.broadcast %max3A_36 : f32 to vector<1000x1xf32>
    %max3A_38 = arith.maximumf %broadcast_in_dim3A_35, %max3A_37 : vector<1000x1xf32>
    %sqrt3A_39 = math.sqrt %max3A_38 : vector<1000x1xf32>
    %div3A_40 = vector.broadcast %sqrt3A_39 : vector<1000x1xf32> to vector<1000x128xf32>
    %div3A_41 = arith.divf %get3A_31, %div3A_40 : vector<1000x128xf32>
    %div3A_42 = arith.divf %broadcast_in_dim3A_35, %max3A_38 : vector<1000x1xf32>
    %mul3A_43 = arith.mulf %add3A_20, %add3A_20 : vector<1000x128xf32>
    %reduce_sum3A_44 = arith.constant dense<0.000000e+00> : vector<1000xf32>
    %reduce_sum3A_45 = vector.multi_reduction <add>, %mul3A_43, %reduce_sum3A_44 [1] : vector<1000x128xf32> to vector<1000xf32>
    %broadcast_in_dim3A_46 = vector.shape_cast %reduce_sum3A_45 : vector<1000xf32> to vector<1000x1xf32>
    %max3A_47 = arith.constant 9.99999996E-13 : f32
    %max3A_48 = vector.broadcast %max3A_47 : f32 to vector<1000x1xf32>
    %max3A_49 = arith.maximumf %broadcast_in_dim3A_46, %max3A_48 : vector<1000x1xf32>
    %sqrt3A_50 = math.sqrt %max3A_49 : vector<1000x1xf32>
    %div3A_51 = vector.broadcast %sqrt3A_50 : vector<1000x1xf32> to vector<1000x128xf32>
    %div3A_52 = arith.divf %add3A_20, %div3A_51 : vector<1000x128xf32>
    %div3A_53 = arith.divf %broadcast_in_dim3A_46, %max3A_49 : vector<1000x1xf32>
    %add3A_54 = arith.addf %div3A_28, %div3A_42 : vector<1000x1xf32>
    %add3A_55 = arith.addf %add3A_54, %div3A_53 : vector<1000x1xf32>
    %max3A_56 = arith.constant 9.99999996E-13 : f32
    %max3A_57 = vector.broadcast %max3A_56 : f32 to vector<1000x1xf32>
    %max3A_58 = arith.maximumf %add3A_55, %max3A_57 : vector<1000x1xf32>
    %sqrt3A_59 = math.sqrt %max3A_58 : vector<1000x1xf32>
    %div3A_60 = arith.constant 1.000000e+00 : f32
    %div3A_61 = vector.broadcast %div3A_60 : f32 to vector<1000x1xf32>
    %div3A_62 = arith.divf %div3A_61, %sqrt3A_59 : vector<1000x1xf32>
    %mul3A_63 = vector.broadcast %div3A_62 : vector<1000x1xf32> to vector<1000x128xf32>
    %mul3A_64 = arith.mulf %div3A_27, %mul3A_63 : vector<1000x128xf32>
    %swap3A = arith.constant 0 : index
    %swap3A_65 = arith.constant 0 : index
    %swap3A_66 = vector.load %arg7[%swap3A, %swap3A_65] : memref<1000x384xf32, #tpu.memory_space<vmem>>, vector<1000x128xf32>
    tpu.vector_store %arg7[%swap3A, %swap3A_65], %mul3A_64 {strides = array<i32>} : memref<1000x384xf32, #tpu.memory_space<vmem>>, vector<1000x128xf32>,
    %mul3A_67 = vector.broadcast %div3A_62 : vector<1000x1xf32> to vector<1000x128xf32>
    %mul3A_68 = arith.mulf %div3A_41, %mul3A_67 : vector<1000x128xf32>
    %swap3A_69 = arith.constant 0 : index
    %swap3A_70 = arith.constant 128 : index
    %swap3A_71 = vector.load %arg7[%swap3A_69, %swap3A_70] : memref<1000x384xf32, #tpu.memory_space<vmem>>, vector<1000x128xf32>
    tpu.vector_store %arg7[%swap3A_69, %swap3A_70], %mul3A_68 {strides = array<i32>} : memref<1000x384xf32, #tpu.memory_space<vmem>>, vector<1000x128xf32>,
    %mul3A_72 = vector.broadcast %div3A_62 : vector<1000x1xf32> to vector<1000x128xf32>
    %mul3A_73 = arith.mulf %div3A_52, %mul3A_72 : vector<1000x128xf32>
    %swap3A_74 = arith.constant 0 : index
    %swap3A_75 = arith.constant 256 : index
    %swap3A_76 = vector.load %arg7[%swap3A_74, %swap3A_75] : memref<1000x384xf32, #tpu.memory_space<vmem>>, vector<1000x128xf32>
    tpu.vector_store %arg7[%swap3A_74, %swap3A_75], %mul3A_73 {strides = array<i32>} : memref<1000x384xf32, #tpu.memory_space<vmem>>, vector<1000x128xf32>,
    return
  }
  func.func @transform_0(%arg0: i32) -> (i32, i32, i32) {
    %c0_i32 = arith.constant 0 : i32
    %c0_i32_0 = arith.constant 0 : i32
    %c0_i32_1 = arith.constant 0 : i32
    return %c0_i32, %arg0, %c0_i32_0 : i32, i32, i32
  }
  func.func @transform_1(%arg0: i32) -> (i32, i32) {
    %c0_i32 = arith.constant 0 : i32
    %c0_i32_0 = arith.constant 0 : i32
    return %arg0, %c0_i32 : i32, i32
  }
  func.func @transform_2(%arg0: i32) -> (i32, i32) {
    %c0_i32 = arith.constant 0 : i32
    %c0_i32_0 = arith.constant 0 : i32
    %c0_i32_1 = arith.constant 0 : i32
    return %c0_i32, %c0_i32_0 : i32, i32
  }
  func.func @transform_3(%arg0: i32) -> (i32, i32) {
    %c0_i32 = arith.constant 0 : i32
    %c0_i32_0 = arith.constant 0 : i32
    %c0_i32_1 = arith.constant 0 : i32
    return %c0_i32, %c0_i32_0 : i32, i32
  }
  func.func @transform_4(%arg0: i32) -> (i32, i32) {
    %c0_i32 = arith.constant 0 : i32
    %c0_i32_0 = arith.constant 0 : i32
    return %arg0, %c0_i32 : i32, i32
  }
  func.func @transform_5(%arg0: i32) -> (i32, i32) {
    %c0_i32 = arith.constant 0 : i32
    %c0_i32_0 = arith.constant 0 : i32
    return %arg0, %c0_i32 : i32, i32
  }
  func.func @transform_6(%arg0: i32) -> (i32, i32) {
    %c0_i32 = arith.constant 0 : i32
    %c0_i32_0 = arith.constant 0 : i32
    return %arg0, %c0_i32 : i32, i32
  }
}

</mosaic_0001>

<sc_bundles>
// kernel: kernel.10.cloned.1.call-start
scs
__scs_entry_jumppad:
0x0: {  	(pc) =	sbr.rel $0x88, $3  }
0x1: {  	(tag) =	ssettag $0x0;
	lr =	simm.s32 $0x1  }
0x2: {  	[smem:$0x3F92] =	sst lr;
	_ =	strace $0xD0000000  }
0x3: {  	_ = 	snop  }
0x4: {  	_ = 	snop  }
0x5: {  	_ = 	snop  }
0x6: {  	_ = 	snop  }
0x7: {  	_ = 	snop  }
__scs_overlays_trampoline_lowered:
0x8: {  	[smem:$0x3FA1] =	sst s0  }
0x9: {  	[smem:$0x3FA2] =	sst s1  }
0xa: {  	[smem:$0x3FA3] =	sst s2  }
0xb: {  	[smem:$0x3FA4] =	sst s3  }
0xc: {  	[smem:$0x3FA5] =	sst s4  }
0xd: {  	[smem:$0x3FA6] =	sst s5  }
0xe: {  	[smem:$0x3FA7] =	sst s6  }
0xf: {  	[smem:$0x3FA8] =	sst s7  }
0x10: {  	[smem:$0x3FA9] =	sst s8  }
0x11: {  	[smem:$0x3FAA] =	sst s9;
	s0 =	simm.s32 @!p0 $0x0  }
0x12: {  	s1 =	sld [smem:$0x3F90];
	s0 =	simm.s32 @p0 $0x1  }
0x13: {  	[smem:$0x3FAB] =	sst s0;
	s0 =	simm.s32 @!p1 $0x0  }
0x14: {  	s2 =	sld [smem:$0x3F8F];
	s0 =	simm.s32 @p1 $0x1  }
0x15: {  	[smem:$0x3FAC] =	sst s0;
	s0 =	simm.s32 @!p2 $0x0  }
0x16: {  	s3 =	sld [smem:$0x3FDB];
	s0 =	simm.s32 @p2 $0x1  }
0x17: {  	s4 =	simm.s32 $0x1BF5;
	[smem:$0x3FAE] =	sst s0  }
0x18: {  	s0 =	sld [smem:$0x3F91];
	_ =	swait.ge [sflag:s4], $0x0  }
0x19: {  	s7 =	sld [smem:$0x3F92]  }
0x1a: {  	s8 =	sadd.s32 $0xFFFFE003, lr  }
0x1b: {  	s9 =	sadd.s32 $0xFFFFFEF7, lr;
	s5 =	simm.s32 $0xFFFFFFFF;
	p2 =	slt.u32 s8, $0xFFFFF086  }
0x1c: {  	p1 =	slt.u32 s9, $0xF7A;
	s5 =	simm.s32 @!p2 $0x0  }
0x1d: {  	s5 =	simm.s32 @p1 $0x1;
	p0 =	seq.s32 s7, s2  }
0x1e: {  	s7 =	smul.u32 @!p0 $0xF7A, s2;
	p2 =	seq.s32 @!p0 s5, $0x0  }
0x1f: {  	s9 =	smul.u32 $0xF7A, s1;
	s8 =	simm.s32 @!p0 $0x1BF5;
	p2 =	por !p2, p0  }
0x20: {  	[sflag:s8] =	ssyncset.s32 @!p0 $0xFFFFF086;
	s6 =	sadd.s32 @!p0 s3, s7;
	s7 =	simm.s32 @!p0 $0x108  }
0x21: {  	s3 =	sadd.s32 s3, s9;
	s6 =	sadd.s32 @!p0 $0x88, s6;
	s7 =	simm.s32 @p2 $0x1082  }
0x22: {  	[simem:s7], [sflag:s8] =	dma.local @!p0 [hbm:s6], $0xF7A  }
0x23: {  	s9 =	sor.u32 $0xD0000000, s2;
	s6 =	simm.s32 $0x108;
	_ =	swait.ge @!p0 [sflag:s8], $0x0  }
0x24: {  	s3 =	sadd.s32 $0x88, s3;
	s6 =	simm.s32 @!p1 $0x1082;
	[sflag:s4] =	ssyncset.s32 $0xFFFFF086  }
0x25: {  	[simem:s6], [sflag:s4] =	dma.local [hbm:s3], $0xF7A  }
0x26: {  	[smem:$0x3F92] =	sst s1;
	(tag) =	ssettag s2;
	_ =	strace s9  }
0x27: {  	s1 =	sld [smem:$0x3FA2]  }
0x28: {  	s2 =	sld [smem:$0x3FA3]  }
0x29: {  	s4 =	sld [smem:$0x3FA5]  }
0x2a: {  	p0 =	seq.s32 s5, $0x0;
	s5 =	sld [smem:$0x3FA6]  }
0x2b: {  	s6 =	sld [smem:$0x3FA7]  }
0x2c: {  	s7 =	sld [smem:$0x3FA8]  }
0x2d: {  	s3 =	simm.s32 $0x108;
	s8 =	sld [smem:$0x3FA9]  }
0x2e: {  	s3 =	simm.s32 @!p0 $0x1082;
	s9 =	sld [smem:$0x3FAA]  }
0x2f: {  	lr =	sadd.s32 s0, s3;
	s0 =	sld [smem:$0x3FA1]  }
0x30: {  	s3 =	sld [smem:$0x3FA4]  }
0x31: {  	[smem:$0x3FAD] =	sst s10  }
0x32: {  	s10 =	sld [smem:$0x3FAB];
	_ =	sdelay $0x3  }
0x33: {  	p0 =	seq.s32 s10, $0x1;
	s10 =	sld [smem:$0x3FAD];
	_ =	sdelay $0x3  }
0x34: {  	[smem:$0x3FAD] =	sst s10  }
0x35: {  	s10 =	sld [smem:$0x3FAC];
	_ =	sdelay $0x3  }
0x36: {  	p1 =	seq.s32 s10, $0x1;
	s10 =	sld [smem:$0x3FAD];
	_ =	sdelay $0x3  }
0x37: {  	[smem:$0x3FAD] =	sst s10  }
0x38: {  	s10 =	sld [smem:$0x3FAE]  }
0x39: {  	_ = 	snop;
	(pc) =	sbr.ind lr, $3  }
0x3a: {  	_ = 	snop  }
0x3b: {  	_ = 	snop  }
0x3c: {  	p2 =	seq.s32 s10, $0x1;
	s10 =	sld [smem:$0x3FAD]  }
0x3d: {  	_ =	shalt  }
0x3e: {  	_ =	shalt  }
0x3f: {  	_ =	shalt  }
0x40: {  	_ =	shalt  }
0x41: {  	_ =	shalt  }
0x42: {  	_ =	shalt  }
0x43: {  	_ =	shalt  }
0x44: {  	_ =	shalt  }
0x45: {  	_ =	shalt  }
0x46: {  	_ =	shalt  }
0x47: {  	_ =	shalt  }
0x48: {  	_ =	shalt  }
0x49: {  	_ =	shalt  }
0x4a: {  	_ =	shalt  }
0x4b: {  	_ =	shalt  }
0x4c: {  	_ =	shalt  }
0x4d: {  	_ =	shalt  }
0x4e: {  	_ =	shalt  }
0x4f: {  	_ =	shalt  }
0x50: {  	_ =	shalt  }
0x51: {  	_ =	shalt  }
0x52: {  	_ =	shalt  }
0x53: {  	_ =	shalt  }
0x54: {  	_ =	shalt  }
0x55: {  	_ =	shalt  }
0x56: {  	_ =	shalt  }
0x57: {  	_ =	shalt  }
0x58: {  	_ =	shalt  }
0x59: {  	_ =	shalt  }
0x5a: {  	_ =	shalt  }
0x5b: {  	_ =	shalt  }
0x5c: {  	_ =	shalt  }
0x5d: {  	_ =	shalt  }
0x5e: {  	_ =	shalt  }
0x5f: {  	_ =	shalt  }
0x60: {  	_ =	shalt  }
0x61: {  	_ =	shalt  }
0x62: {  	_ =	shalt  }
0x63: {  	_ =	shalt  }
0x64: {  	_ =	shalt  }
0x65: {  	_ =	shalt  }
0x66: {  	_ =	shalt  }
0x67: {  	_ =	shalt  }
0x68: {  	_ =	shalt  }
0x69: {  	_ =	shalt  }
0x6a: {  	_ =	shalt  }
0x6b: {  	_ =	shalt  }
0x6c: {  	_ =	shalt  }
0x6d: {  	_ =	shalt  }
0x6e: {  	_ =	shalt  }
0x6f: {  	_ =	shalt  }
0x70: {  	_ =	shalt  }
0x71: {  	_ =	shalt  }
0x72: {  	_ =	shalt  }
0x73: {  	_ =	shalt  }
0x74: {  	_ =	shalt  }
0x75: {  	_ =	shalt  }
0x76: {  	_ =	shalt  }
0x77: {  	_ =	shalt  }
0x78: {  	_ =	shalt  }
0x79: {  	_ =	shalt  }
0x7a: {  	_ =	shalt  }
0x7b: {  	_ =	shalt  }
0x7c: {  	_ =	shalt  }
0x7d: {  	_ =	shalt  }
0x7e: {  	_ =	shalt  }
0x7f: {  	_ =	shalt  }
0x80: {  	_ =	shalt  }
0x81: {  	_ =	shalt  }
0x82: {  	_ =	shalt  }
0x83: {  	_ =	shalt  }
0x84: {  	_ =	shalt  }
0x85: {  	_ =	shalt  }
0x86: {  	_ =	shalt  }
0x87: {  	_ =	shalt  }
.Lfunc_end0:
.L_simem_size_0:
called_computation.1_lowered:
.L_overlay_start_0:
0x88: {  	s2 =	sld [smem:$0x3FD9]  }
0x89: {  	s3 =	sld [smem:$0x3FFE];
	_ =	sdelay $0x1  }
0x8a: {  	s1 =	srdreg.scid  }
0x8b: {  	s0 =	sand.u32 $0x1, s1  }
0x8c: {  	s17 =	sshll.u32 s0, $0xA;
	s2 =	sadd.s32 s3, s2  }
0x8d: {  	s2 =	sadd.s32 s2, s17  }
0x8e: {  	[smem:$0x3FB9] =	sst s2  }
0x8f: {  	_ = 	snop  }
0x90: {  	s2 =	sld [smem:$0x3FC8]  }
0x91: {  	s18 =	sld [smem:$0x3FC7]  }
0x92: {  	s4 =	sld [smem:$0x3FC6]  }
0x93: {  	s5 =	sld [smem:$0x3FC5]  }
0x94: {  	s6 =	sld [smem:$0x3FD0];
	(tm) =	ssettm $0x1  }
0x95: {  	s7 =	sld [smem:$0x3FFB];
	_ =	sdelay $0x3  }
0x96: {  	_ =	strace s7  }
0x97: {  	s7 =	sld [smem:$0x3FFC];
	_ =	sdelay $0x3  }
0x98: {  	_ =	strace s7  }
0x99: {  	s7 =	sld [smem:$0x3FFD];
	_ =	sdelay $0x3  }
0x9a: {  	_ =	strace s7  }
0x9b: {  	_ =	strace $0x8FFFFFFF  }
0x9c: {  	s19 =	sld [smem:$0x3FDB];
	_ =	sdelay $0x1  }
0x9d: {  	s8 =	simm.s32 $_scs_section_size  }
0x9e: {  	s9 =	simm.s32 $_size__tile_overlayer_lowered;
	s10 =	simm.s32 $_tile_overlayer_lowered  }
0x9f: {  	s22 =	simm.s32 $0x1BFF;
	s21 =	sshll.u32 s10, $0x1;
	s7 =	sadd.s32 s8, s19  }
0xa0: {  	s11 =	simm.s32 $0x0;
	s20 =	sshll.u32 s9, $0x1;
	s9 =	sadd.s32 s21, s7  }
0xa1: {  	[timem:s11], [sflag:s22] =	dma.local [hbm:s9], s20  }
0xa2: {  	_ =	swait.ge [sflag:s22], s20  }
0xa3: {  	s8 =	ssub.s32 $0x0, s20;
	[sflag:s22] =	ssyncset.done $0x0  }
0xa4: {  	[sflag:s22] =	ssyncadd.s32 s8;
	_ =	sdelay $0x1  }
0xa5: {  	s23 =	simm.s32 $0x1B8B  }
0xa6: {  	_ =	swait.ge [sflag:s23], $0x1  }
0xa7: {  	[sflag:s23] =	ssyncset.done $0x0  }
0xa8: {  	s25 =	simm.s32 $0x1B8E;
	s24 =	sld [smem:$0x3FFE];
	[sflag:s23] =	ssyncadd.s32 $0xFFFFFFFF  }
0xa9: {  	s26 =	simm.s32 $execute0_lowered;
	[smem:$0x3FD2] =	sst s25  }
0xaa: {  	s9 =	sshll.u32 s26, $0x1;
	_ =	strace $0x80000049;
	[dreg:$0x1] =	wrdreg $0xFFFFFFFF  }
0xab: {  	s28 =	simm.s32 $_size_execute0_lowered;
	s7 =	sadd.s32 s7, s9;
	[dreg:$0x0] =	wrdreg $0x0  }
0xac: {  	s9 =	sshll.u32 s28, $0x1;
	[dreg:$0x2] =	wrdreg s7  }
0xad: {  	[dreg:$0x3] =	wrdreg s9  }
0xae: {  	[dreg:$0x4] =	wrdreg $0xC0  }
0xaf: {  	_ =	task [dreg:s11], $0x5FFFF  }
0xb0: {  	[dreg:$0x1] =	wrdreg $0xFFFFFFFF  }
0xb1: {  	[dreg:$0x0] =	wrdreg $0x60  }
0xb2: {  	[dreg:$0x2] =	wrdreg s6  }
0xb3: {  	[dreg:$0x3] =	wrdreg s18  }
0xb4: {  	[dreg:$0x4] =	wrdreg s2  }
0xb5: {  	[dreg:$0x5] =	wrdreg s4  }
0xb6: {  	[dreg:$0x6] =	wrdreg s5  }
0xb7: {  	[dreg:$0x7] =	wrdreg s24  }
0xb8: {  	[dreg:$0x8] =	wrdreg $0x0  }
0xb9: {  	[dreg:$0x9] =	wrdreg $0x9C400  }
0xba: {  	[dreg:$0xa] =	wrdreg $0x9  }
0xbb: {  	_ =	task.clear_ibuf [dreg:s11], $0xBFFFF;
	_ =	strace $0x90000049  }
0xbc: {  	s29 =	simm.s32 $0x9;
	_ =	strace $0x8000004B  }
0xbd: {  	_ =	swait.ge [sflag:s29], $0x1  }
0xbe: {  	[sflag:s29] =	ssyncadd.s32 $0xFFFFFFFF  }
0xbf: {  	_ =	strace $0x9000004B  }
0xc0: {  	_ =	sfence  }
0xc1: {  	s30 =	sld [smem:$0x0];
	_ =	sdelay $0x2  }
0xc2: {  	s31 =	sshll.u32 s1, $0xD;
	s1 =	sshrl.u32 s1, $0x2  }
0xc3: {  	s3 =	sand.u32 $0x4000, s31;
	s1 =	sadd.s32 s1, s30  }
0xc4: {  	s0 =	sor.u32 s3, s0;
	s1 =	sshll.u32 s1, $0x11  }
0xc5: {  	s0 =	sor.u32 s1, s0  }
0xc6: {  	s0 =	sadd.s32 $0x8F2B, s0  }
0xc7: {  	[sflag:s0] =	ssyncadd.remote.s32 $0x1  }
0xc8: {  	_ =	sfence.sel $0xFFFF  }
0xc9: {  	[dreg:$0x0] =	wrdreg $0xFFFFFFFF;
	(pc) =	sbr.abs _section_cstart, $3  }
0xca: {  	[dreg:$0x1] =	wrdreg $0xFFFFFFFF  }
0xcb: {  	_ =	task.clear_ibuf [dreg:s11], $0x2FFFF;
	_ =	strace $0x9FFFFFFF  }
0xcc: {  	(tm) =	ssettm $0x7FFFFFFF  }
0xcd: {  	_ =	shalt  }
tec
execute0_lowered:
.L_overlay_start_1:
0x0: {  	(tag) =	ssettag $0x1  }
0x1: {  	s1 =	rddreg [dreg:$0x0]  }
0x2: {  	s0 =	rddreg [dreg:$0x1]  }
0x3: {  	s2 =	rddreg [dreg:$0x2]  }
0x4: {  	s3 =	rddreg [dreg:$0x3]  }
0x5: {  	s4 =	rddreg [dreg:$0x4]  }
0x6: {  	s5 =	rddreg [dreg:$0x5]  }
0x7: {  	s20 =	stileid.u32;
	s7 =	srdreg.scid  }
0x8: {  	s6 =	rddreg [dreg:$0x6];
	s17 =	simm.s32 $0x9D;
	s28 =	simm.s32 $0x17A00  }
0x9: {  	s29 =	simm.s32 $0x80;
	s30 =	simm.s32 $0x13A00;
	s31 =	simm.s32 $0x0  }
0xa: {  	s8 =	smul.u32 $0x4E, s20;
	s9 =	sand.u32 $0x1, s7;
	s10 =	smin.u32 s20, $0x2  }
0xb: {  	s7 =	rddreg [dreg:$0x7];
	s21 =	sadd.s32 $0x50C00, s5;
	s24 =	smul.u32 $0x9C, s20  }
0xc: {  	p0 =	slt.u32 s20, $0x4;
	s18 =	smin.u32 s20, $0x4;
	s25 =	sshll.u32 s20, $0x6  }
0xd: {  	s11 =	smul.u32 $0x138800, s9;
	s9 =	ssub.s32 $0x2, s9;
	s17 =	simm.s32 @!p0 $0x9C  }
0xe: {  	p0 =	sgt.u32 s20, $0x1;
	s10 =	sadd.s32 s10, s8;
	s8 =	simm.s32 $0x0  }
0xf: {  	s22 =	sshrl.u32 s9, $0x1;
	s18 =	sadd.s32 s18, s24;
	s24 =	simm.s32 $0x13880  }
0x10: {  	s12 =	sshll.u32 s10, $0xA;
	[smem:$0x7FF] =	sst s8;
	s9 =	ssub.s32 s9, s22  }
0x11: {  	s22 =	simm.s32 $0x17A80;
	s10 =	sadd.s32 s11, s12;
	_ =	strace $0x8000004A  }
0x12: {  	[dreg:$0x9] =	wrdreg s21;
	s23 =	sadd.s32 s12, s6;
	s11 =	sadd.s32 s12, s7  }
0x13: {  	s26 =	smax.u32 s9, $0x1;
	s21 =	sor.u32 $0x1C01, s25;
	s25 =	simm.s32 $0x13900  }
0x14: {  	s13 =	sshrl.u32 s10, $0x3;
	[dreg:$0xa] =	wrdreg s23;
	s14 =	sadd.s32 $0x8000, s11  }
0x15: {  	s15 =	sadd.s32 $0xC000, s11;
	s16 =	sadd.s32 $0x10000, s11;
	[dreg:$0xb] =	wrdreg s26  }
0x16: {  	s23 =	simm.s32 $0x1;
	s26 =	simm.s32 $0x13980;
	s5 =	sadd.s32 s13, s5  }
0x17: {  	v0 =	vimm.f32 $0.0e+00;
	s12 =	sadd.s32 s1, s13;
	s13 =	sadd.s32 $0x4000, s11;
	s19 =	sadd.s32 $0x2A00, s5  }
.LBB2_1:
0x18: {  	s5 =	simm.s32 $0x200;
	s1 =	simm.s32 $0x0  }
.LBB2_2:
0x19: {  	p1 =	sne.s32 s5, $0xFE00;
	[tilespmem:s1+$0x13A30] =	vst v0;
	s9 =	smov.u32 s5;
	s5 =	sadd.s32 $0x200, s5  }
.Ltmp0:
0x1a: {  	[tilespmem:s1+$0x13A20] =	vst v0;
	(pc) =	sbr.rel @p1 .LBB2_2-.Ltmp0, $3  }
0x1b: {  	[tilespmem:s1+$0x13A00] =	vst v0  }
0x1c: {  	[tilespmem:s1+$0x13A10] =	vst v0;
	_ =	sdelay $0x1  }
0x1d: {  	s1 =	sshra.s32 s9, $0x2  }
0x1e: {  	[tilespmem:s1+$0x13A30] =	vst v0  }
0x1f: {  	[tilespmem:s1+$0x13A20] =	vst v0  }
0x20: {  	[tilespmem:s1+$0x13A00] =	vst v0;
	s9 =	rddreg [dreg:$0xa]  }
0x21: {  	[tilespmem:s1+$0x13A10] =	vst v0;
	s1 =	sshrl.u32 @p0 s9, $0x3  }
0x22: {  	[spmem:s1], [sflag:s21] =	dma.local @p0 [hbm:s12], $0x2700  }
0x23: {  	s1 =	simm.s32 @p0 $0x1  }
0x24: {  	_ =	swait.ge @p0 [sflag:s1], $0x2700  }
0x25: {  	[sflag:s1] =	ssyncset.done @p0 $0x0  }
0x26: {  	s5 =	simm.s32 @p0 $0x13A00;
	[sflag:s1] =	ssyncadd.s32 @p0 $0xFFFFD900  }
0x27: {  	[spmem:s11] =	stream.linear.scatter @p0 [tilespmem:s5], [sflag:$0x1], $0x4000, $0x38;
	[tilespmem:$0x17B80] =	vst v63  }
0x28: {  	_ =	swait.ge @p0 [sflag:s1], $0x4000  }
0x29: {  	[sflag:s1] =	ssyncset.done @p0 $0x0  }
0x2a: {  	[sflag:s1] =	ssyncadd.s32 @p0 $0xFFFFC000  }
0x2b: {  	[spmem:s13] =	stream.linear.scatter @p0 [tilespmem:s5], [sflag:$0x1], $0x4000, $0x38;
	[tilespmem:$0x17B80] =	vst v63  }
0x2c: {  	_ =	swait.ge @p0 [sflag:s1], $0x4000  }
0x2d: {  	[sflag:s1] =	ssyncset.done @p0 $0x0  }
0x2e: {  	[sflag:s1] =	ssyncadd.s32 @p0 $0xFFFFC000  }
0x2f: {  	[spmem:s14] =	stream.linear.scatter @p0 [tilespmem:s5], [sflag:$0x1], $0x4000, $0x38;
	[tilespmem:$0x17B80] =	vst v63  }
0x30: {  	_ =	swait.ge @p0 [sflag:s1], $0x4000  }
0x31: {  	[sflag:s1] =	ssyncset.done @p0 $0x0  }
0x32: {  	[sflag:s1] =	ssyncadd.s32 @p0 $0xFFFFC000  }
0x33: {  	[spmem:s15] =	stream.linear.scatter @p0 [tilespmem:s5], [sflag:$0x1], $0x4000, $0x38;
	[tilespmem:$0x17B80] =	vst v63  }
0x34: {  	_ =	swait.ge @p0 [sflag:s1], $0x4000  }
0x35: {  	[sflag:s1] =	ssyncset.done @p0 $0x0  }
0x36: {  	[sflag:s1] =	ssyncadd.s32 @p0 $0xFFFFC000  }
0x37: {  	[spmem:s16] =	stream.linear.scatter @p0 [tilespmem:s5], [sflag:$0x1], $0x3800, $0x38;
	[tilespmem:$0x17B80] =	vst v63  }
0x38: {  	_ =	swait.ge @p0 [sflag:s1], $0x3800  }
0x39: {  	[sflag:s1] =	ssyncset.done @p0 $0x0  }
0x3a: {  	[sflag:s1] =	ssyncadd.s32 @p0 $0xFFFFC800;
	s1 =	sshrl.u32 @!p0 s9, $0x3  }
0x3b: {  	[spmem:s1], [sflag:s21] =	dma.local @!p0 [hbm:s12], $0x2780  }
0x3c: {  	s1 =	simm.s32 @!p0 $0x1  }
0x3d: {  	_ =	swait.ge @!p0 [sflag:s1], $0x2780  }
0x3e: {  	[sflag:s1] =	ssyncset.done @!p0 $0x0  }
0x3f: {  	s5 =	simm.s32 @!p0 $0x13A00;
	[sflag:s1] =	ssyncadd.s32 @!p0 $0xFFFFD880  }
0x40: {  	[spmem:s11] =	stream.linear.scatter @!p0 [tilespmem:s5], [sflag:$0x1], $0x4000, $0x38;
	[tilespmem:$0x17B80] =	vst v63  }
0x41: {  	_ =	swait.ge @!p0 [sflag:s1], $0x4000  }
0x42: {  	[sflag:s1] =	ssyncset.done @!p0 $0x0  }
0x43: {  	[sflag:s1] =	ssyncadd.s32 @!p0 $0xFFFFC000  }
0x44: {  	[spmem:s13] =	stream.linear.scatter @!p0 [tilespmem:s5], [sflag:$0x1], $0x4000, $0x38;
	[tilespmem:$0x17B80] =	vst v63  }
0x45: {  	_ =	swait.ge @!p0 [sflag:s1], $0x4000  }
0x46: {  	[sflag:s1] =	ssyncset.done @!p0 $0x0  }
0x47: {  	[sflag:s1] =	ssyncadd.s32 @!p0 $0xFFFFC000  }
0x48: {  	[spmem:s14] =	stream.linear.scatter @!p0 [tilespmem:s5], [sflag:$0x1], $0x4000, $0x38;
	[tilespmem:$0x17B80] =	vst v63  }
0x49: {  	_ =	swait.ge @!p0 [sflag:s1], $0x4000  }
0x4a: {  	[sflag:s1] =	ssyncset.done @!p0 $0x0  }
0x4b: {  	[sflag:s1] =	ssyncadd.s32 @!p0 $0xFFFFC000  }
0x4c: {  	[spmem:s15] =	stream.linear.scatter @!p0 [tilespmem:s5], [sflag:$0x1], $0x4000, $0x38;
	[tilespmem:$0x17B80] =	vst v63  }
0x4d: {  	_ =	swait.ge @!p0 [sflag:s1], $0x4000  }
0x4e: {  	[sflag:s1] =	ssyncset.done @!p0 $0x0  }
0x4f: {  	[sflag:s1] =	ssyncadd.s32 @!p0 $0xFFFFC000  }
0x50: {  	[spmem:s16] =	stream.linear.scatter @!p0 [tilespmem:s5], [sflag:$0x1], $0x3C00, $0x38;
	[tilespmem:$0x17B80] =	vst v63  }
0x51: {  	_ =	swait.ge @!p0 [sflag:s1], $0x3C00  }
0x52: {  	[sflag:s1] =	ssyncset.done @!p0 $0x0  }
0x53: {  	s20 =	rddreg [dreg:$0x9];
	[sflag:s1] =	ssyncadd.s32 @!p0 $0xFFFFC400  }
0x54: {  	[tilespmem:s22], [sflag:$0x1] =	stream.linear.gather [hbm4b:s20+s31], $0x100, $0x38;
	[tilespmem:$0x17B80] =	vst v63  }
0x55: {  	_ =	swait.ge [sflag:s23], $0x100  }
0x56: {  	[sflag:s23] =	ssyncset.done $0x0  }
0x57: {  	[sflag:s23] =	ssyncadd.s32 $0xFFFFFF00  }
0x58: {  	s5 =	simm.s32 $0x0;
	[bflag:$0x0] =	sbarrier.arrive $0xFFFF  }
.LBB2_4:
0x59: {  	s1 =	sadd.s32 s5, s18  }
0x5a: {  	s1 =	sshll.u32 s1, $0x4  }
0x5b: {  	s9 =	sadd.s32 s0, s1  }
0x5c: {  	[tilespmem:s24], [sflag:$0x1] =	stream.linear.gather [hbm4b:s9+s31], $0x80, $0x38;
	[tilespmem:$0x17B80] =	vst v63  }
0x5d: {  	_ =	swait.ge [sflag:s23], $0x80  }
0x5e: {  	[sflag:s23] =	ssyncset.done $0x0  }
0x5f: {  	s10 =	sadd.s32 s2, s1;
	[sflag:s23] =	ssyncadd.s32 $0xFFFFFF80  }
0x60: {  	[tilespmem:s25], [sflag:$0x1] =	stream.linear.gather [hbm4b:s10+s31], $0x80, $0x38;
	[tilespmem:$0x17B80] =	vst v63  }
0x61: {  	_ =	swait.ge [sflag:s23], $0x80  }
0x62: {  	[sflag:s23] =	ssyncset.done $0x0  }
0x63: {  	s20 =	sadd.s32 s3, s1;
	[sflag:s23] =	ssyncadd.s32 $0xFFFFFF80  }
0x64: {  	[tilespmem:s26], [sflag:$0x1] =	stream.linear.gather [hbm4b:s20+s31], $0x80, $0x38;
	[tilespmem:$0x17B80] =	vst v63  }
0x65: {  	_ =	swait.ge [sflag:s23], $0x80  }
0x66: {  	[sflag:s23] =	ssyncset.done $0x0  }
0x67: {  	s1 =	sadd.s32 s4, s1;
	[sflag:s23] =	ssyncadd.s32 $0xFFFFFF80  }
0x68: {  	[tilespmem:s28], [sflag:$0x1] =	stream.linear.gather [hbm4b:s1+s31], $0x80, $0x38;
	[tilespmem:$0x17B80] =	vst v63  }
0x69: {  	_ =	swait.ge [sflag:s23], $0x80  }
0x6a: {  	[sflag:s23] =	ssyncset.done $0x0  }
0x6b: {  	[sflag:s23] =	ssyncadd.s32 $0xFFFFFF80  }
0x6c: {  	v1 =	vld [tilespmem:$0x17A00];
	_ =	sdelay $0x7  }
0x6d: {  	v1 =	vld.idx.msk [tilespmem:v1+s22+$0x0], $0xffff;
	_ =	sdelay $0x4  }
0x6e: {  	v1 =	vadd.f32 $1.000000000e+00, v1;
	_ =	sdelay $0x1  }
0x6f: {  	(erf) = vrcp.f32 v1;
	_ =	sdelay $0x3  }
0x70: {  	v2 =	vld [tilespmem:$0x17A10]  }
0x71: {  	v1 =	vld [tilespmem:$0x13980];
	_ =	sdelay $0x3  }
0x72: {  	v3 =	vpop (erf)  }
0x73: {  	v1 =	vmul.f32 v3, v1;
	_ =	sdelay $0x1  }
0x74: {  	[tilespmem:$0x13980] =	vst v1  }
0x75: {  	v1 =	vld.idx.msk [tilespmem:v2+s22+$0x0], $0xffff;
	_ =	sdelay $0x4  }
0x76: {  	v1 =	vadd.f32 $1.000000000e+00, v1;
	_ =	sdelay $0x1  }
0x77: {  	(erf) = vrcp.f32 v1;
	_ =	sdelay $0x3  }
0x78: {  	v2 =	vld [tilespmem:$0x17A20]  }
0x79: {  	v1 =	vld [tilespmem:$0x13990];
	_ =	sdelay $0x3  }
0x7a: {  	v3 =	vpop (erf)  }
0x7b: {  	v1 =	vmul.f32 v3, v1;
	_ =	sdelay $0x1  }
0x7c: {  	[tilespmem:$0x13990] =	vst v1  }
0x7d: {  	v1 =	vld.idx.msk [tilespmem:v2+s22+$0x0], $0xffff;
	_ =	sdelay $0x4  }
0x7e: {  	v1 =	vadd.f32 $1.000000000e+00, v1;
	_ =	sdelay $0x1  }
0x7f: {  	(erf) = vrcp.f32 v1;
	_ =	sdelay $0x3  }
0x80: {  	v2 =	vld [tilespmem:$0x17A30]  }
0x81: {  	v1 =	vld [tilespmem:$0x139A0];
	_ =	sdelay $0x3  }
0x82: {  	v3 =	vpop (erf)  }
0x83: {  	v1 =	vmul.f32 v3, v1;
	_ =	sdelay $0x1  }
0x84: {  	[tilespmem:$0x139A0] =	vst v1  }
0x85: {  	v1 =	vld.idx.msk [tilespmem:v2+s22+$0x0], $0xffff;
	_ =	sdelay $0x4  }
0x86: {  	v1 =	vadd.f32 $1.000000000e+00, v1;
	_ =	sdelay $0x1  }
0x87: {  	(erf) = vrcp.f32 v1;
	_ =	sdelay $0x3  }
0x88: {  	v2 =	vld [tilespmem:$0x17A40]  }
0x89: {  	v1 =	vld [tilespmem:$0x139B0];
	_ =	sdelay $0x3  }
0x8a: {  	v3 =	vpop (erf)  }
0x8b: {  	v1 =	vmul.f32 v3, v1;
	_ =	sdelay $0x1  }
0x8c: {  	[tilespmem:$0x139B0] =	vst v1  }
0x8d: {  	v1 =	vld.idx.msk [tilespmem:v2+s22+$0x0], $0xffff;
	_ =	sdelay $0x4  }
0x8e: {  	v1 =	vadd.f32 $1.000000000e+00, v1;
	_ =	sdelay $0x1  }
0x8f: {  	(erf) = vrcp.f32 v1;
	_ =	sdelay $0x3  }
0x90: {  	v2 =	vld [tilespmem:$0x17A50]  }
0x91: {  	v1 =	vld [tilespmem:$0x139C0];
	_ =	sdelay $0x3  }
0x92: {  	v3 =	vpop (erf)  }
0x93: {  	v1 =	vmul.f32 v3, v1;
	_ =	sdelay $0x1  }
0x94: {  	[tilespmem:$0x139C0] =	vst v1  }
0x95: {  	v1 =	vld.idx.msk [tilespmem:v2+s22+$0x0], $0xffff;
	_ =	sdelay $0x4  }
0x96: {  	v1 =	vadd.f32 $1.000000000e+00, v1;
	_ =	sdelay $0x1  }
0x97: {  	(erf) = vrcp.f32 v1;
	_ =	sdelay $0x3  }
0x98: {  	v2 =	vld [tilespmem:$0x17A60]  }
0x99: {  	v1 =	vld [tilespmem:$0x139D0];
	_ =	sdelay $0x3  }
0x9a: {  	v3 =	vpop (erf)  }
0x9b: {  	v1 =	vmul.f32 v3, v1;
	_ =	sdelay $0x1  }
0x9c: {  	[tilespmem:$0x139D0] =	vst v1  }
0x9d: {  	v1 =	vld.idx.msk [tilespmem:v2+s22+$0x0], $0xffff;
	_ =	sdelay $0x4  }
0x9e: {  	v1 =	vadd.f32 $1.000000000e+00, v1;
	_ =	sdelay $0x1  }
0x9f: {  	(erf) = vrcp.f32 v1;
	_ =	sdelay $0x3  }
0xa0: {  	v2 =	vld [tilespmem:$0x17A70]  }
0xa1: {  	v1 =	vld [tilespmem:$0x139E0];
	_ =	sdelay $0x3  }
0xa2: {  	v3 =	vpop (erf)  }
0xa3: {  	v1 =	vmul.f32 v3, v1;
	_ =	sdelay $0x1  }
0xa4: {  	[tilespmem:$0x139E0] =	vst v1  }
0xa5: {  	v1 =	vld.idx.msk [tilespmem:v2+s22+$0x0], $0xffff;
	_ =	sdelay $0x4  }
0xa6: {  	v1 =	vadd.f32 $1.000000000e+00, v1;
	_ =	sdelay $0x1  }
0xa7: {  	(erf) = vrcp.f32 v1;
	_ =	sdelay $0x4  }
0xa8: {  	v1 =	vld [tilespmem:$0x139F0];
	_ =	sdelay $0x3  }
0xa9: {  	v2 =	vpop (erf)  }
0xaa: {  	v1 =	vmul.f32 v2, v1;
	_ =	sdelay $0x1  }
0xab: {  	[tilespmem:$0x139F0] =	vst v1  }
0xac: {  	[tilespmem:s30], [sflag:$0x1] =	stream.indirect.gather [spmem:s6], $0x40, s24, s29, $0xb8;
	[tilespmem:$0x17B80] =	vst v63  }
0xad: {  	v1 =	vmov s31;
	_ =	swait.ge [sflag:s23], $0x2000  }
0xae: {  	[sflag:s23] =	ssyncset.done $0x0  }
0xaf: {  	s1 =	simm.s32 $0x13A20;
	[sflag:s23] =	ssyncadd.s32 $0xFFFFE000  }
0xb0: {  	v3 =	vld [tilespmem:s1+$0xFFFFFFF0]  }
0xb1: {  	v4 =	vld [tilespmem:s1+$0x10]  }
0xb2: {  	v6 =	vld.idx.msk [tilespmem:v1+s26+$0x0], $0xffff  }
0xb3: {  	v1 =	vld [tilespmem:s1+$0xFFFFFFE0]  }
0xb4: {  	v7 =	vld [tilespmem:s1+$0x0];
	_ =	sdelay $0x3  }
0xb5: {  	s20 =	simm.s32 $0x1;
	v2 =	vmul.f32 v1, v6;
	v5 =	vmul.f32 v4, v6  }
0xb6: {  	s9 =	simm.s32 $0x2;
	v1 =	vmov s20;
	v4 =	vmul.f32 v3, v6;
	v3 =	vmul.f32 v7, v6;
	s20 =	simm.s32 $0x13A20  }
.LBB2_5:
0xb7: {  	p1 =	sne.s32 s9, $0x7F  }
0xb8: {  	[tilespmem:s1+$0x10] =	vst v5;
	s20 =	sadd.s32 $0x80, s20;
	s10 =	smov.u32 s9;
	s9 =	sadd.s32 $0x1, s9  }
0xb9: {  	[tilespmem:s1+$0xFFFFFFE0] =	vst v2  }
0xba: {  	v6 =	vld [tilespmem:s20+$0xFFFFFFF0];
	[tilespmem:s1+$0xFFFFFFF0] =	vst v4  }
0xbb: {  	v4 =	vld [tilespmem:s20+$0x10];
	[tilespmem:s1+$0x0] =	vst v3;
	s1 =	smov.u32 s20  }
0xbc: {  	v3 =	vld.idx.msk [tilespmem:v1+s26+$0x0], $0xffff  }
0xbd: {  	v1 =	vld [tilespmem:s20+$0xFFFFFFE0]  }
0xbe: {  	v7 =	vld [tilespmem:s20+$0x0]  }
.Ltmp1:
0xbf: {  	(pc) =	sbr.rel @p1 .LBB2_5-.Ltmp1, $3  }
0xc0: {  	_ =	sdelay $0x1  }
0xc1: {  	v5 =	vmul.f32 v4, v3;
	v2 =	vmul.f32 v1, v3  }
0xc2: {  	v4 =	vmul.f32 v6, v3;
	v1 =	vmov s10;
	v3 =	vmul.f32 v7, v3  }
0xc3: {  	[tilespmem:s1+$0x10] =	vst v5  }
0xc4: {  	s9 =	sadd.s32 $0x80, s20;
	[tilespmem:s1+$0xFFFFFFE0] =	vst v2  }
0xc5: {  	v2 =	vld [tilespmem:s9+$0xFFFFFFF0];
	[tilespmem:s1+$0xFFFFFFF0] =	vst v4  }
0xc6: {  	v4 =	vld [tilespmem:s9+$0x10];
	[tilespmem:s1+$0x0] =	vst v3  }
0xc7: {  	v1 =	vld.idx.msk [tilespmem:v1+s26+$0x0], $0xffff  }
0xc8: {  	v3 =	vld [tilespmem:s9+$0xFFFFFFE0];
	_ =	sdelay $0x1  }
0xc9: {  	v5 =	vld [tilespmem:s9+$0x0];
	_ =	sdelay $0x1  }
0xca: {  	v4 =	vmul.f32 v4, v1  }
0xcb: {  	v3 =	vmul.f32 v3, v1  }
0xcc: {  	v2 =	vmul.f32 v2, v1;
	[tilespmem:s9+$0x10] =	vst v4  }
0xcd: {  	s5 =	sadd.s32 $0x1, s5;
	v1 =	vmul.f32 v5, v1;
	[tilespmem:s9+$0xFFFFFFE0] =	vst v3  }
0xce: {  	p1 =	sne.s32 s5, s17;
	[tilespmem:s9+$0xFFFFFFF0] =	vst v2  }
.Ltmp2:
0xcf: {  	[tilespmem:s9+$0x0] =	vst v1;
	(pc) =	sbr.rel @p1 .LBB2_4-.Ltmp2, $4  }
0xd0: {  	[spmem:s7] =	stream.indirect.scatter.add.f32 [tilespmem:s30], [sflag:$0x1], $0x40, s25, s29, $0xb8;
	[tilespmem:$0x17B80] =	vst v63  }
0xd1: {  	_ =	swait.ge [sflag:s23], $0x2000  }
0xd2: {  	[sflag:s23] =	ssyncset.done $0x0  }
0xd3: {  	[sflag:s23] =	ssyncadd.s32 $0xFFFFE000  }
0xd4: {  	[bflag:$0x0] =	sbarrier.arrive $0xFFFF;
	s1 =	sshrl.u32 @p0 s11, $0x3  }
0xd5: {  	[hbm:s19], [sflag:s21] =	dma.local @p0 [spmem:s1], $0x2700  }
0xd6: {  	s1 =	simm.s32 @p0 $0x1  }
0xd7: {  	_ =	swait.ge @p0 [sflag:s1], $0x2700  }
0xd8: {  	[sflag:s1] =	ssyncset.done @p0 $0x0  }
0xd9: {  	[sflag:s1] =	ssyncadd.s32 @p0 $0xFFFFD900;
	s1 =	sshrl.u32 @!p0 s11, $0x3  }
0xda: {  	[hbm:s19], [sflag:s21] =	dma.local @!p0 [spmem:s1], $0x2780  }
0xdb: {  	s1 =	simm.s32 @!p0 $0x1  }
0xdc: {  	_ =	swait.ge @!p0 [sflag:s1], $0x2780  }
0xdd: {  	s8 =	sadd.s32 $0x1, s8;
	s5 =	rddreg [dreg:$0xb]  }
0xde: {  	p1 =	sne.s32 s8, s5  }
.Ltmp3:
0xdf: {  	_ = 	snop;
	(pc) =	sbr.rel @p1 .LBB2_1-.Ltmp3, $3  }
0xe0: {  	_ =	sdelay $0x1  }
0xe1: {  	[sflag:s1] =	ssyncset.done @!p0 $0x0  }
0xe2: {  	[sflag:s1] =	ssyncadd.s32 @!p0 $0xFFFFD880  }
0xe3: {  	_ =	sfence.sel $0x180000  }
0xe4: {  	[bflag:$0x0] =	sbarrier.arrive $0xFFFF  }
0xe5: {  	_ =	strace $0x9000004A  }
0xe6: {  	s0 =	stileid.u32;
	[bflag:$0x2] =	sbarrier.arrive $0xFFFF  }
0xe7: {  	p0 =	sne.s32 s0, $0x0;
	s0 =	rddreg [dreg:$0x8]  }
0xe8: {  	s0 =	sadd.s32 @!p0 $0x100000, s0  }
0xe9: {  	[sflag:s0] =	ssyncadd.tile.s32 @!p0 $0x1;
	_ =	shalt  }
.Lfunc_end2:
_tile_overlayer_lowered:
.L_overlay_start_2:
0xea: {  	(tag) =	ssettag $0x2  }
0xeb: {  	s0 =	rddreg [dreg:$0x0];
	s2 =	stileid.u32  }
0xec: {  	s1 =	rddreg [dreg:$0x1];
	p0 =	sne.s32 s2, $0x0  }
0xed: {  	s3 =	rddreg [dreg:$0x2];
	[bflag:$0x3] =	sbarrier.arrive $0xFFFF;
	s2 =	simm.s32 @!p0 $0x1C01  }
0xee: {  	[timem:s3], [sflag:s2] =	dma.local @!p0 [hbm:s0], s1  }
0xef: {  	s0 =	simm.s32 @!p0 $0x1  }
0xf0: {  	_ =	swait.ge @!p0 [sflag:s0], s1  }
0xf1: {  	s1 =	ssub.s32 @!p0 $0x0, s1;
	[sflag:s0] =	ssyncset.done @!p0 $0x0  }
0xf2: {  	[sflag:s0] =	ssyncadd.s32 @!p0 s1  }
0xf3: {  	[bflag:$0x3] =	sbarrier.arrive $0xFFFF  }
0xf4: {  	_ =	shalt  }

// kernel: kernel.7.cloned.1.call-start
scs
__scs_entry_jumppad:
0x0: {  	(pc) =	sbr.rel $0x88, $3  }
0x1: {  	(tag) =	ssettag $0x0;
	lr =	simm.s32 $0x1  }
0x2: {  	[smem:$0x3F92] =	sst lr;
	_ =	strace $0xD0000000  }
0x3: {  	_ = 	snop  }
0x4: {  	_ = 	snop  }
0x5: {  	_ = 	snop  }
0x6: {  	_ = 	snop  }
0x7: {  	_ = 	snop  }
__scs_overlays_trampoline_lowered:
0x8: {  	[smem:$0x3FA1] =	sst s0  }
0x9: {  	[smem:$0x3FA2] =	sst s1  }
0xa: {  	[smem:$0x3FA3] =	sst s2  }
0xb: {  	[smem:$0x3FA4] =	sst s3  }
0xc: {  	[smem:$0x3FA5] =	sst s4  }
0xd: {  	[smem:$0x3FA6] =	sst s5  }
0xe: {  	[smem:$0x3FA7] =	sst s6  }
0xf: {  	[smem:$0x3FA8] =	sst s7  }
0x10: {  	[smem:$0x3FA9] =	sst s8  }
0x11: {  	[smem:$0x3FAA] =	sst s9;
	s0 =	simm.s32 @!p0 $0x0  }
0x12: {  	s1 =	sld [smem:$0x3F90];
	s0 =	simm.s32 @p0 $0x1  }
0x13: {  	[smem:$0x3FAB] =	sst s0;
	s0 =	simm.s32 @!p1 $0x0  }
0x14: {  	s2 =	sld [smem:$0x3F8F];
	s0 =	simm.s32 @p1 $0x1  }
0x15: {  	[smem:$0x3FAC] =	sst s0;
	s0 =	simm.s32 @!p2 $0x0  }
0x16: {  	s3 =	sld [smem:$0x3FDB];
	s0 =	simm.s32 @p2 $0x1  }
0x17: {  	s4 =	simm.s32 $0x1BF5;
	[smem:$0x3FAE] =	sst s0  }
0x18: {  	s0 =	sld [smem:$0x3F91];
	_ =	swait.ge [sflag:s4], $0x0  }
0x19: {  	s7 =	sld [smem:$0x3F92]  }
0x1a: {  	s8 =	sadd.s32 $0xFFFFE003, lr  }
0x1b: {  	s9 =	sadd.s32 $0xFFFFFEF7, lr;
	s5 =	simm.s32 $0xFFFFFFFF;
	p2 =	slt.u32 s8, $0xFFFFF086  }
0x1c: {  	p1 =	slt.u32 s9, $0xF7A;
	s5 =	simm.s32 @!p2 $0x0  }
0x1d: {  	s5 =	simm.s32 @p1 $0x1;
	p0 =	seq.s32 s7, s2  }
0x1e: {  	s7 =	smul.u32 @!p0 $0xF7A, s2;
	p2 =	seq.s32 @!p0 s5, $0x0  }
0x1f: {  	s9 =	smul.u32 $0xF7A, s1;
	s8 =	simm.s32 @!p0 $0x1BF5;
	p2 =	por !p2, p0  }
0x20: {  	[sflag:s8] =	ssyncset.s32 @!p0 $0xFFFFF086;
	s6 =	sadd.s32 @!p0 s3, s7;
	s7 =	simm.s32 @!p0 $0x108  }
0x21: {  	s3 =	sadd.s32 s3, s9;
	s6 =	sadd.s32 @!p0 $0x88, s6;
	s7 =	simm.s32 @p2 $0x1082  }
0x22: {  	[simem:s7], [sflag:s8] =	dma.local @!p0 [hbm:s6], $0xF7A  }
0x23: {  	s9 =	sor.u32 $0xD0000000, s2;
	s6 =	simm.s32 $0x108;
	_ =	swait.ge @!p0 [sflag:s8], $0x0  }
0x24: {  	s3 =	sadd.s32 $0x88, s3;
	s6 =	simm.s32 @!p1 $0x1082;
	[sflag:s4] =	ssyncset.s32 $0xFFFFF086  }
0x25: {  	[simem:s6], [sflag:s4] =	dma.local [hbm:s3], $0xF7A  }
0x26: {  	[smem:$0x3F92] =	sst s1;
	(tag) =	ssettag s2;
	_ =	strace s9  }
0x27: {  	s1 =	sld [smem:$0x3FA2]  }
0x28: {  	s2 =	sld [smem:$0x3FA3]  }
0x29: {  	s4 =	sld [smem:$0x3FA5]  }
0x2a: {  	p0 =	seq.s32 s5, $0x0;
	s5 =	sld [smem:$0x3FA6]  }
0x2b: {  	s6 =	sld [smem:$0x3FA7]  }
0x2c: {  	s7 =	sld [smem:$0x3FA8]  }
0x2d: {  	s3 =	simm.s32 $0x108;
	s8 =	sld [smem:$0x3FA9]  }
0x2e: {  	s3 =	simm.s32 @!p0 $0x1082;
	s9 =	sld [smem:$0x3FAA]  }
0x2f: {  	lr =	sadd.s32 s0, s3;
	s0 =	sld [smem:$0x3FA1]  }
0x30: {  	s3 =	sld [smem:$0x3FA4]  }
0x31: {  	[smem:$0x3FAD] =	sst s10  }
0x32: {  	s10 =	sld [smem:$0x3FAB];
	_ =	sdelay $0x3  }
0x33: {  	p0 =	seq.s32 s10, $0x1;
	s10 =	sld [smem:$0x3FAD];
	_ =	sdelay $0x3  }
0x34: {  	[smem:$0x3FAD] =	sst s10  }
0x35: {  	s10 =	sld [smem:$0x3FAC];
	_ =	sdelay $0x3  }
0x36: {  	p1 =	seq.s32 s10, $0x1;
	s10 =	sld [smem:$0x3FAD];
	_ =	sdelay $0x3  }
0x37: {  	[smem:$0x3FAD] =	sst s10  }
0x38: {  	s10 =	sld [smem:$0x3FAE]  }
0x39: {  	_ = 	snop;
	(pc) =	sbr.ind lr, $3  }
0x3a: {  	_ = 	snop  }
0x3b: {  	_ = 	snop  }
0x3c: {  	p2 =	seq.s32 s10, $0x1;
	s10 =	sld [smem:$0x3FAD]  }
0x3d: {  	_ =	shalt  }
0x3e: {  	_ =	shalt  }
0x3f: {  	_ =	shalt  }
0x40: {  	_ =	shalt  }
0x41: {  	_ =	shalt  }
0x42: {  	_ =	shalt  }
0x43: {  	_ =	shalt  }
0x44: {  	_ =	shalt  }
0x45: {  	_ =	shalt  }
0x46: {  	_ =	shalt  }
0x47: {  	_ =	shalt  }
0x48: {  	_ =	shalt  }
0x49: {  	_ =	shalt  }
0x4a: {  	_ =	shalt  }
0x4b: {  	_ =	shalt  }
0x4c: {  	_ =	shalt  }
0x4d: {  	_ =	shalt  }
0x4e: {  	_ =	shalt  }
0x4f: {  	_ =	shalt  }
0x50: {  	_ =	shalt  }
0x51: {  	_ =	shalt  }
0x52: {  	_ =	shalt  }
0x53: {  	_ =	shalt  }
0x54: {  	_ =	shalt  }
0x55: {  	_ =	shalt  }
0x56: {  	_ =	shalt  }
0x57: {  	_ =	shalt  }
0x58: {  	_ =	shalt  }
0x59: {  	_ =	shalt  }
0x5a: {  	_ =	shalt  }
0x5b: {  	_ =	shalt  }
0x5c: {  	_ =	shalt  }
0x5d: {  	_ =	shalt  }
0x5e: {  	_ =	shalt  }
0x5f: {  	_ =	shalt  }
0x60: {  	_ =	shalt  }
0x61: {  	_ =	shalt  }
0x62: {  	_ =	shalt  }
0x63: {  	_ =	shalt  }
0x64: {  	_ =	shalt  }
0x65: {  	_ =	shalt  }
0x66: {  	_ =	shalt  }
0x67: {  	_ =	shalt  }
0x68: {  	_ =	shalt  }
0x69: {  	_ =	shalt  }
0x6a: {  	_ =	shalt  }
0x6b: {  	_ =	shalt  }
0x6c: {  	_ =	shalt  }
0x6d: {  	_ =	shalt  }
0x6e: {  	_ =	shalt  }
0x6f: {  	_ =	shalt  }
0x70: {  	_ =	shalt  }
0x71: {  	_ =	shalt  }
0x72: {  	_ =	shalt  }
0x73: {  	_ =	shalt  }
0x74: {  	_ =	shalt  }
0x75: {  	_ =	shalt  }
0x76: {  	_ =	shalt  }
0x77: {  	_ =	shalt  }
0x78: {  	_ =	shalt  }
0x79: {  	_ =	shalt  }
0x7a: {  	_ =	shalt  }
0x7b: {  	_ =	shalt  }
0x7c: {  	_ =	shalt  }
0x7d: {  	_ =	shalt  }
0x7e: {  	_ =	shalt  }
0x7f: {  	_ =	shalt  }
0x80: {  	_ =	shalt  }
0x81: {  	_ =	shalt  }
0x82: {  	_ =	shalt  }
0x83: {  	_ =	shalt  }
0x84: {  	_ =	shalt  }
0x85: {  	_ =	shalt  }
0x86: {  	_ =	shalt  }
0x87: {  	_ =	shalt  }
.Lfunc_end0:
.L_simem_size_0:
called_computation_lowered:
.L_overlay_start_0:
0x88: {  	s2 =	sld [smem:$0x3FD9]  }
0x89: {  	s3 =	sld [smem:$0x3FFE];
	_ =	sdelay $0x1  }
0x8a: {  	s1 =	srdreg.scid  }
0x8b: {  	s0 =	sand.u32 $0x1, s1  }
0x8c: {  	s17 =	sshll.u32 s0, $0xA;
	s2 =	sadd.s32 s3, s2  }
0x8d: {  	s2 =	sadd.s32 s2, s17  }
0x8e: {  	[smem:$0x3FB9] =	sst s2  }
0x8f: {  	_ = 	snop  }
0x90: {  	s2 =	sld [smem:$0x3FC8]  }
0x91: {  	s18 =	sld [smem:$0x3FC7]  }
0x92: {  	s4 =	sld [smem:$0x3FC6]  }
0x93: {  	s5 =	sld [smem:$0x3FD0];
	(tm) =	ssettm $0x1  }
0x94: {  	s6 =	sld [smem:$0x3FFB];
	_ =	sdelay $0x3  }
0x95: {  	_ =	strace s6  }
0x96: {  	s6 =	sld [smem:$0x3FFC];
	_ =	sdelay $0x3  }
0x97: {  	_ =	strace s6  }
0x98: {  	s6 =	sld [smem:$0x3FFD];
	_ =	sdelay $0x3  }
0x99: {  	_ =	strace s6  }
0x9a: {  	_ =	strace $0x8FFFFFFF  }
0x9b: {  	s19 =	sld [smem:$0x3FDB];
	_ =	sdelay $0x1  }
0x9c: {  	s7 =	simm.s32 $_scs_section_size  }
0x9d: {  	s8 =	simm.s32 $_size__tile_overlayer_lowered;
	s9 =	simm.s32 $_tile_overlayer_lowered  }
0x9e: {  	s22 =	simm.s32 $0x1BFF;
	s21 =	sshll.u32 s9, $0x1;
	s6 =	sadd.s32 s7, s19  }
0x9f: {  	s10 =	simm.s32 $0x0;
	s20 =	sshll.u32 s8, $0x1;
	s8 =	sadd.s32 s21, s6  }
0xa0: {  	[timem:s10], [sflag:s22] =	dma.local [hbm:s8], s20  }
0xa1: {  	_ =	swait.ge [sflag:s22], s20  }
0xa2: {  	s7 =	ssub.s32 $0x0, s20;
	[sflag:s22] =	ssyncset.done $0x0  }
0xa3: {  	[sflag:s22] =	ssyncadd.s32 s7;
	_ =	sdelay $0x1  }
0xa4: {  	s23 =	simm.s32 $0x1B8B  }
0xa5: {  	_ =	swait.ge [sflag:s23], $0x1  }
0xa6: {  	[sflag:s23] =	ssyncset.done $0x0  }
0xa7: {  	s25 =	simm.s32 $0x1B8E;
	s24 =	sld [smem:$0x3FFE];
	[sflag:s23] =	ssyncadd.s32 $0xFFFFFFFF  }
0xa8: {  	s26 =	simm.s32 $execute0_lowered;
	[smem:$0x3FD2] =	sst s25  }
0xa9: {  	s8 =	sshll.u32 s26, $0x1;
	_ =	strace $0x80000046;
	[dreg:$0x1] =	wrdreg $0xFFFFFFFF  }
0xaa: {  	s28 =	simm.s32 $_size_execute0_lowered;
	s6 =	sadd.s32 s6, s8;
	[dreg:$0x0] =	wrdreg $0x0  }
0xab: {  	s8 =	sshll.u32 s28, $0x1;
	[dreg:$0x2] =	wrdreg s6  }
0xac: {  	[dreg:$0x3] =	wrdreg s8  }
0xad: {  	[dreg:$0x4] =	wrdreg $0xC0  }
0xae: {  	_ =	task [dreg:s10], $0x5FFFF  }
0xaf: {  	[dreg:$0x1] =	wrdreg $0xFFFFFFFF  }
0xb0: {  	[dreg:$0x0] =	wrdreg $0x60  }
0xb1: {  	[dreg:$0x2] =	wrdreg s5  }
0xb2: {  	[dreg:$0x3] =	wrdreg s18  }
0xb3: {  	[dreg:$0x4] =	wrdreg s2  }
0xb4: {  	[dreg:$0x5] =	wrdreg s4  }
0xb5: {  	[dreg:$0x6] =	wrdreg s24  }
0xb6: {  	[dreg:$0x7] =	wrdreg $0x0  }
0xb7: {  	[dreg:$0x8] =	wrdreg $0x9C400  }
0xb8: {  	[dreg:$0x9] =	wrdreg $0x9  }
0xb9: {  	_ =	task.clear_ibuf [dreg:s10], $0xAFFFF;
	_ =	strace $0x90000046  }
0xba: {  	s29 =	simm.s32 $0x9;
	_ =	strace $0x80000048  }
0xbb: {  	_ =	swait.ge [sflag:s29], $0x1  }
0xbc: {  	[sflag:s29] =	ssyncadd.s32 $0xFFFFFFFF  }
0xbd: {  	_ =	strace $0x90000048  }
0xbe: {  	_ =	sfence  }
0xbf: {  	s30 =	sld [smem:$0x0];
	_ =	sdelay $0x2  }
0xc0: {  	s31 =	sshll.u32 s1, $0xD;
	s1 =	sshrl.u32 s1, $0x2  }
0xc1: {  	s3 =	sand.u32 $0x4000, s31;
	s1 =	sadd.s32 s1, s30  }
0xc2: {  	s0 =	sor.u32 s3, s0;
	s1 =	sshll.u32 s1, $0x11  }
0xc3: {  	s0 =	sor.u32 s1, s0  }
0xc4: {  	s0 =	sadd.s32 $0x8F2B, s0  }
0xc5: {  	[sflag:s0] =	ssyncadd.remote.s32 $0x1  }
0xc6: {  	_ =	sfence.sel $0xFFFF  }
0xc7: {  	[dreg:$0x0] =	wrdreg $0xFFFFFFFF;
	(pc) =	sbr.abs _section_cstart, $3  }
0xc8: {  	[dreg:$0x1] =	wrdreg $0xFFFFFFFF  }
0xc9: {  	_ =	task.clear_ibuf [dreg:s10], $0x2FFFF;
	_ =	strace $0x9FFFFFFF  }
0xca: {  	(tm) =	ssettm $0x7FFFFFFF  }
0xcb: {  	_ =	shalt  }
tec
execute0_lowered:
.L_overlay_start_1:
0x0: {  	(tag) =	ssettag $0x1  }
0x1: {  	s4 =	rddreg [dreg:$0x0]  }
0x2: {  	s1 =	rddreg [dreg:$0x1]  }
0x3: {  	s2 =	rddreg [dreg:$0x2]  }
0x4: {  	s3 =	rddreg [dreg:$0x3];
	s0 =	stileid.u32  }
0x5: {  	s5 =	srdreg.scid;
	s8 =	rddreg [dreg:$0x4];
	s14 =	simm.s32 $0x9D  }
0x6: {  	s21 =	simm.s32 $0x13880;
	s22 =	simm.s32 $0x1;
	s23 =	simm.s32 $0x13900  }
0x7: {  	s24 =	simm.s32 $0x13980;
	s25 =	simm.s32 $0x80;
	s26 =	simm.s32 $0x13A00  }
0x8: {  	s6 =	smul.u32 $0x4E, s0;
	s9 =	sand.u32 $0x1, s5;
	s7 =	smin.u32 s0, $0x2  }
0x9: {  	s5 =	rddreg [dreg:$0x5];
	s30 =	smul.u32 $0x9C, s0;
	p0 =	slt.u32 s0, $0x4  }
0xa: {  	s15 =	smin.u32 s0, $0x4;
	s31 =	sshll.u32 s0, $0x6;
	s10 =	smul.u32 $0x138800, s9  }
0xb: {  	s9 =	ssub.s32 $0x2, s9;
	s14 =	simm.s32 @!p0 $0x9C;
	p0 =	sgt.u32 s0, $0x1  }
0xc: {  	s18 =	sor.u32 $0x1C01, s31;
	s7 =	sadd.s32 s7, s6;
	s6 =	rddreg [dreg:$0x6]  }
0xd: {  	s29 =	sshrl.u32 s9, $0x1;
	s15 =	sadd.s32 s15, s30;
	s11 =	sshll.u32 s7, $0xA  }
0xe: {  	s7 =	simm.s32 $0x0;
	s17 =	ssub.s32 s9, s29;
	s10 =	sadd.s32 s10, s11  }
0xf: {  	[smem:$0x7FF] =	sst s7;
	s20 =	sadd.s32 s11, s5;
	s17 =	smax.u32 s17, $0x1  }
0x10: {  	s10 =	sshrl.u32 s10, $0x3;
	_ =	strace $0x80000047;
	s19 =	sshrl.u32 @p0 s20, $0x3  }
0x11: {  	s20 =	sshrl.u32 @!p0 s20, $0x3;
	s16 =	sadd.s32 s10, s8;
	s8 =	sadd.s32 s11, s6  }
0x12: {  	s9 =	sadd.s32 s4, s10;
	s10 =	sadd.s32 $0x4000, s8;
	s11 =	sadd.s32 $0x8000, s8  }
0x13: {  	v0 =	vimm.f32 $0.0e+00;
	s12 =	sadd.s32 $0xC000, s8;
	s13 =	sadd.s32 $0x10000, s8;
	s16 =	sadd.s32 $0x2A00, s16  }
.LBB2_1:
0x14: {  	s28 =	simm.s32 $0x200;
	s4 =	simm.s32 $0x0  }
.LBB2_2:
0x15: {  	p1 =	sne.s32 s28, $0xFE00;
	[tilespmem:s4+$0x13A30] =	vst v0;
	s29 =	smov.u32 s28;
	s28 =	sadd.s32 $0x200, s28  }
.Ltmp0:
0x16: {  	[tilespmem:s4+$0x13A20] =	vst v0;
	(pc) =	sbr.rel @p1 .LBB2_2-.Ltmp0, $3  }
0x17: {  	[tilespmem:s4+$0x13A00] =	vst v0  }
0x18: {  	[tilespmem:s4+$0x13A10] =	vst v0;
	_ =	sdelay $0x1  }
0x19: {  	s4 =	sshra.s32 s29, $0x2  }
0x1a: {  	[tilespmem:s4+$0x13A30] =	vst v0  }
0x1b: {  	[tilespmem:s4+$0x13A20] =	vst v0  }
0x1c: {  	[tilespmem:s4+$0x13A00] =	vst v0  }
0x1d: {  	[tilespmem:s4+$0x13A10] =	vst v0;
	s4 =	simm.s32 @p0 $0x1  }
0x1e: {  	[spmem:s19], [sflag:s18] =	dma.local @p0 [hbm:s9], $0x2700  }
0x1f: {  	_ =	swait.ge @p0 [sflag:s4], $0x2700  }
0x20: {  	[sflag:s4] =	ssyncset.done @p0 $0x0  }
0x21: {  	s28 =	simm.s32 @p0 $0x13A00;
	[sflag:s4] =	ssyncadd.s32 @p0 $0xFFFFD900  }
0x22: {  	[spmem:s8] =	stream.linear.scatter @p0 [tilespmem:s28], [sflag:$0x1], $0x4000, $0x38;
	[tilespmem:$0x17A00] =	vst v63  }
0x23: {  	_ =	swait.ge @p0 [sflag:s4], $0x4000  }
0x24: {  	[sflag:s4] =	ssyncset.done @p0 $0x0  }
0x25: {  	[sflag:s4] =	ssyncadd.s32 @p0 $0xFFFFC000  }
0x26: {  	[spmem:s10] =	stream.linear.scatter @p0 [tilespmem:s28], [sflag:$0x1], $0x4000, $0x38;
	[tilespmem:$0x17A00] =	vst v63  }
0x27: {  	_ =	swait.ge @p0 [sflag:s4], $0x4000  }
0x28: {  	[sflag:s4] =	ssyncset.done @p0 $0x0  }
0x29: {  	[sflag:s4] =	ssyncadd.s32 @p0 $0xFFFFC000  }
0x2a: {  	[spmem:s11] =	stream.linear.scatter @p0 [tilespmem:s28], [sflag:$0x1], $0x4000, $0x38;
	[tilespmem:$0x17A00] =	vst v63  }
0x2b: {  	_ =	swait.ge @p0 [sflag:s4], $0x4000  }
0x2c: {  	[sflag:s4] =	ssyncset.done @p0 $0x0  }
0x2d: {  	[sflag:s4] =	ssyncadd.s32 @p0 $0xFFFFC000  }
0x2e: {  	[spmem:s12] =	stream.linear.scatter @p0 [tilespmem:s28], [sflag:$0x1], $0x4000, $0x38;
	[tilespmem:$0x17A00] =	vst v63  }
0x2f: {  	_ =	swait.ge @p0 [sflag:s4], $0x4000  }
0x30: {  	[sflag:s4] =	ssyncset.done @p0 $0x0  }
0x31: {  	[sflag:s4] =	ssyncadd.s32 @p0 $0xFFFFC000  }
0x32: {  	[spmem:s13] =	stream.linear.scatter @p0 [tilespmem:s28], [sflag:$0x1], $0x3800, $0x38;
	[tilespmem:$0x17A00] =	vst v63  }
0x33: {  	_ =	swait.ge @p0 [sflag:s4], $0x3800  }
0x34: {  	[sflag:s4] =	ssyncset.done @p0 $0x0  }
0x35: {  	[sflag:s4] =	ssyncadd.s32 @p0 $0xFFFFC800;
	s4 =	simm.s32 @!p0 $0x1  }
0x36: {  	[spmem:s20], [sflag:s18] =	dma.local @!p0 [hbm:s9], $0x2780  }
0x37: {  	_ =	swait.ge @!p0 [sflag:s4], $0x2780  }
0x38: {  	[sflag:s4] =	ssyncset.done @!p0 $0x0  }
0x39: {  	s28 =	simm.s32 @!p0 $0x13A00;
	[sflag:s4] =	ssyncadd.s32 @!p0 $0xFFFFD880  }
0x3a: {  	[spmem:s8] =	stream.linear.scatter @!p0 [tilespmem:s28], [sflag:$0x1], $0x4000, $0x38;
	[tilespmem:$0x17A00] =	vst v63  }
0x3b: {  	_ =	swait.ge @!p0 [sflag:s4], $0x4000  }
0x3c: {  	[sflag:s4] =	ssyncset.done @!p0 $0x0  }
0x3d: {  	[sflag:s4] =	ssyncadd.s32 @!p0 $0xFFFFC000  }
0x3e: {  	[spmem:s10] =	stream.linear.scatter @!p0 [tilespmem:s28], [sflag:$0x1], $0x4000, $0x38;
	[tilespmem:$0x17A00] =	vst v63  }
0x3f: {  	_ =	swait.ge @!p0 [sflag:s4], $0x4000  }
0x40: {  	[sflag:s4] =	ssyncset.done @!p0 $0x0  }
0x41: {  	[sflag:s4] =	ssyncadd.s32 @!p0 $0xFFFFC000  }
0x42: {  	[spmem:s11] =	stream.linear.scatter @!p0 [tilespmem:s28], [sflag:$0x1], $0x4000, $0x38;
	[tilespmem:$0x17A00] =	vst v63  }
0x43: {  	_ =	swait.ge @!p0 [sflag:s4], $0x4000  }
0x44: {  	[sflag:s4] =	ssyncset.done @!p0 $0x0  }
0x45: {  	[sflag:s4] =	ssyncadd.s32 @!p0 $0xFFFFC000  }
0x46: {  	[spmem:s12] =	stream.linear.scatter @!p0 [tilespmem:s28], [sflag:$0x1], $0x4000, $0x38;
	[tilespmem:$0x17A00] =	vst v63  }
0x47: {  	_ =	swait.ge @!p0 [sflag:s4], $0x4000  }
0x48: {  	[sflag:s4] =	ssyncset.done @!p0 $0x0  }
0x49: {  	[sflag:s4] =	ssyncadd.s32 @!p0 $0xFFFFC000  }
0x4a: {  	[spmem:s13] =	stream.linear.scatter @!p0 [tilespmem:s28], [sflag:$0x1], $0x3C00, $0x38;
	[tilespmem:$0x17A00] =	vst v63  }
0x4b: {  	_ =	swait.ge @!p0 [sflag:s4], $0x3C00  }
0x4c: {  	[sflag:s4] =	ssyncset.done @!p0 $0x0  }
0x4d: {  	[sflag:s4] =	ssyncadd.s32 @!p0 $0xFFFFC400  }
0x4e: {  	s29 =	simm.s32 $0x0;
	s28 =	simm.s32 $0x0;
	[bflag:$0x0] =	sbarrier.arrive $0xFFFF  }
.LBB2_4:
0x4f: {  	s4 =	sadd.s32 s29, s15  }
0x50: {  	s4 =	sshll.u32 s4, $0x4  }
0x51: {  	s30 =	sadd.s32 s1, s4  }
0x52: {  	[tilespmem:s21], [sflag:$0x1] =	stream.linear.gather [hbm4b:s30+s28], $0x80, $0x38;
	[tilespmem:$0x17A00] =	vst v63  }
0x53: {  	_ =	swait.ge [sflag:s22], $0x80  }
0x54: {  	[sflag:s22] =	ssyncset.done $0x0  }
0x55: {  	s30 =	sadd.s32 s2, s4;
	[sflag:s22] =	ssyncadd.s32 $0xFFFFFF80  }
0x56: {  	[tilespmem:s23], [sflag:$0x1] =	stream.linear.gather [hbm4b:s30+s28], $0x80, $0x38;
	[tilespmem:$0x17A00] =	vst v63  }
0x57: {  	_ =	swait.ge [sflag:s22], $0x80  }
0x58: {  	[sflag:s22] =	ssyncset.done $0x0  }
0x59: {  	s4 =	sadd.s32 s3, s4;
	[sflag:s22] =	ssyncadd.s32 $0xFFFFFF80  }
0x5a: {  	[tilespmem:s24], [sflag:$0x1] =	stream.linear.gather [hbm4b:s4+s28], $0x80, $0x38;
	[tilespmem:$0x17A00] =	vst v63  }
0x5b: {  	_ =	swait.ge [sflag:s22], $0x80  }
0x5c: {  	[sflag:s22] =	ssyncset.done $0x0  }
0x5d: {  	[sflag:s22] =	ssyncadd.s32 $0xFFFFFF80  }
0x5e: {  	[tilespmem:s26], [sflag:$0x1] =	stream.indirect.gather [spmem:s5], $0x40, s21, s25, $0xb8;
	[tilespmem:$0x17A00] =	vst v63  }
0x5f: {  	v1 =	vmov s28;
	_ =	swait.ge [sflag:s22], $0x2000  }
0x60: {  	[sflag:s22] =	ssyncset.done $0x0  }
0x61: {  	s30 =	simm.s32 $0x13A20;
	[sflag:s22] =	ssyncadd.s32 $0xFFFFE000  }
0x62: {  	v3 =	vld [tilespmem:s30+$0xFFFFFFF0]  }
0x63: {  	v4 =	vld [tilespmem:s30+$0x10]  }
0x64: {  	v6 =	vld.idx.msk [tilespmem:v1+s24+$0x0], $0xffff  }
0x65: {  	v1 =	vld [tilespmem:s30+$0xFFFFFFE0]  }
0x66: {  	v7 =	vld [tilespmem:s30+$0x0];
	_ =	sdelay $0x3  }
0x67: {  	s0 =	simm.s32 $0x1;
	v2 =	vmul.f32 v1, v6;
	v5 =	vmul.f32 v4, v6  }
0x68: {  	s31 =	simm.s32 $0x2;
	s4 =	simm.s32 $0x13A20;
	v1 =	vmov s0;
	v4 =	vmul.f32 v3, v6;
	v3 =	vmul.f32 v7, v6  }
.LBB2_5:
0x69: {  	p1 =	sne.s32 s31, $0x7F  }
0x6a: {  	[tilespmem:s30+$0x10] =	vst v5;
	s4 =	sadd.s32 $0x80, s4;
	s0 =	smov.u32 s31;
	s31 =	sadd.s32 $0x1, s31  }
0x6b: {  	[tilespmem:s30+$0xFFFFFFE0] =	vst v2  }
0x6c: {  	v6 =	vld [tilespmem:s4+$0xFFFFFFF0];
	[tilespmem:s30+$0xFFFFFFF0] =	vst v4  }
0x6d: {  	v4 =	vld [tilespmem:s4+$0x10];
	[tilespmem:s30+$0x0] =	vst v3;
	s30 =	smov.u32 s4  }
0x6e: {  	v3 =	vld.idx.msk [tilespmem:v1+s24+$0x0], $0xffff  }
0x6f: {  	v1 =	vld [tilespmem:s4+$0xFFFFFFE0]  }
0x70: {  	v7 =	vld [tilespmem:s4+$0x0]  }
.Ltmp1:
0x71: {  	(pc) =	sbr.rel @p1 .LBB2_5-.Ltmp1, $3  }
0x72: {  	_ =	sdelay $0x1  }
0x73: {  	v5 =	vmul.f32 v4, v3;
	v2 =	vmul.f32 v1, v3  }
0x74: {  	v4 =	vmul.f32 v6, v3;
	v1 =	vmov s0;
	v3 =	vmul.f32 v7, v3  }
0x75: {  	[tilespmem:s30+$0x10] =	vst v5  }
0x76: {  	s0 =	sadd.s32 $0x80, s4;
	[tilespmem:s30+$0xFFFFFFE0] =	vst v2  }
0x77: {  	v2 =	vld [tilespmem:s0+$0xFFFFFFF0];
	[tilespmem:s30+$0xFFFFFFF0] =	vst v4  }
0x78: {  	v4 =	vld [tilespmem:s0+$0x10];
	[tilespmem:s30+$0x0] =	vst v3  }
0x79: {  	v1 =	vld.idx.msk [tilespmem:v1+s24+$0x0], $0xffff  }
0x7a: {  	v3 =	vld [tilespmem:s0+$0xFFFFFFE0];
	_ =	sdelay $0x1  }
0x7b: {  	v5 =	vld [tilespmem:s0+$0x0];
	_ =	sdelay $0x1  }
0x7c: {  	v4 =	vmul.f32 v4, v1  }
0x7d: {  	v3 =	vmul.f32 v3, v1  }
0x7e: {  	v2 =	vmul.f32 v2, v1;
	[tilespmem:s0+$0x10] =	vst v4  }
0x7f: {  	s29 =	sadd.s32 $0x1, s29;
	v1 =	vmul.f32 v5, v1;
	[tilespmem:s0+$0xFFFFFFE0] =	vst v3  }
0x80: {  	p1 =	sne.s32 s29, s14;
	[tilespmem:s0+$0xFFFFFFF0] =	vst v2  }
.Ltmp2:
0x81: {  	[tilespmem:s0+$0x0] =	vst v1;
	(pc) =	sbr.rel @p1 .LBB2_4-.Ltmp2, $4  }
0x82: {  	[spmem:s6] =	stream.indirect.scatter.add.f32 [tilespmem:s26], [sflag:$0x1], $0x40, s23, s25, $0xb8;
	[tilespmem:$0x17A00] =	vst v63  }
0x83: {  	_ =	swait.ge [sflag:s22], $0x2000  }
0x84: {  	[sflag:s22] =	ssyncset.done $0x0  }
0x85: {  	[sflag:s22] =	ssyncadd.s32 $0xFFFFE000  }
0x86: {  	[bflag:$0x0] =	sbarrier.arrive $0xFFFF;
	s0 =	sshrl.u32 @p0 s8, $0x3  }
0x87: {  	[hbm:s16], [sflag:s18] =	dma.local @p0 [spmem:s0], $0x2700  }
0x88: {  	s0 =	simm.s32 @p0 $0x1  }
0x89: {  	_ =	swait.ge @p0 [sflag:s0], $0x2700  }
0x8a: {  	s7 =	sadd.s32 $0x1, s7;
	[sflag:s0] =	ssyncset.done @p0 $0x0  }
0x8b: {  	p1 =	sne.s32 s7, s17;
	[sflag:s0] =	ssyncadd.s32 @p0 $0xFFFFD900;
	s0 =	sshrl.u32 @!p0 s8, $0x3  }
0x8c: {  	[hbm:s16], [sflag:s18] =	dma.local @!p0 [spmem:s0], $0x2780  }
.Ltmp3:
0x8d: {  	_ = 	snop;
	(pc) =	sbr.rel @p1 .LBB2_1-.Ltmp3, $4  }
0x8e: {  	s0 =	simm.s32 @!p0 $0x1  }
0x8f: {  	_ =	swait.ge @!p0 [sflag:s0], $0x2780  }
0x90: {  	[sflag:s0] =	ssyncset.done @!p0 $0x0  }
0x91: {  	[sflag:s0] =	ssyncadd.s32 @!p0 $0xFFFFD880  }
0x92: {  	_ =	sfence.sel $0x180000  }
0x93: {  	[bflag:$0x0] =	sbarrier.arrive $0xFFFF  }
0x94: {  	_ =	strace $0x90000047  }
0x95: {  	s0 =	stileid.u32;
	[bflag:$0x2] =	sbarrier.arrive $0xFFFF  }
0x96: {  	p0 =	sne.s32 s0, $0x0;
	s0 =	rddreg [dreg:$0x7]  }
0x97: {  	s0 =	sadd.s32 @!p0 $0x100000, s0  }
0x98: {  	[sflag:s0] =	ssyncadd.tile.s32 @!p0 $0x1;
	_ =	shalt  }
.Lfunc_end2:
_tile_overlayer_lowered:
.L_overlay_start_2:
0x99: {  	(tag) =	ssettag $0x2  }
0x9a: {  	s0 =	rddreg [dreg:$0x0];
	s2 =	stileid.u32  }
0x9b: {  	s1 =	rddreg [dreg:$0x1];
	p0 =	sne.s32 s2, $0x0  }
0x9c: {  	s3 =	rddreg [dreg:$0x2];
	[bflag:$0x3] =	sbarrier.arrive $0xFFFF;
	s2 =	simm.s32 @!p0 $0x1C01  }
0x9d: {  	[timem:s3], [sflag:s2] =	dma.local @!p0 [hbm:s0], s1  }
0x9e: {  	s0 =	simm.s32 @!p0 $0x1  }
0x9f: {  	_ =	swait.ge @!p0 [sflag:s0], s1  }
0xa0: {  	s1 =	ssub.s32 @!p0 $0x0, s1;
	[sflag:s0] =	ssyncset.done @!p0 $0x0  }
0xa1: {  	[sflag:s0] =	ssyncadd.s32 @!p0 s1  }
0xa2: {  	[bflag:$0x3] =	sbarrier.arrive $0xFFFF  }
0xa3: {  	_ =	shalt  }

</sc_bundles>
